<compile_context>
chip_gen: v7x
topology: tpu7x:2x2x1
jax: 0.10.2.dev20260603
libtpu: 0.0.44.dev20260713+nightly
codegen_flags: <defaults>
</compile_context>

<pallas_src>
import functools

import jax
import jax.numpy as jnp
from jax import lax
from jax.experimental import pallas as pl
from jax.experimental.pallas import tpu as pltpu
from jax.experimental.pallas import tpu_sc as plsc

N_NODES = 10000
D = 128
N_EDGES = 320000

NC = 2
NS = 16
NW = NC * NS
COLS = D // NC
CHUNK = 128
NBUF = 5
E_PAD = 327680
NCHUNK_DEG = E_PAD // (NW * CHUNK)
NCHUNK = E_PAD // (NS * CHUNK)
N_PAD = 10240
ROWS_PER_TILE = N_PAD // NS

_mesh = plsc.VectorSubcoreMesh(core_axis_name="c", subcore_axis_name="s")



@functools.partial(
    pl.kernel,
    out_type=jax.ShapeDtypeStruct((NW, N_PAD), jnp.float32),
    mesh=_mesh,
    scratch_types=[
        pltpu.VMEM((NCHUNK_DEG, CHUNK), jnp.int32),
        pltpu.VMEM((N_PAD,), jnp.float32),
    ],
    compiler_params=pltpu.CompilerParams(needs_layout_passes=False),
)
def _deg_kernel(dst_hbm, out_hbm, dst_v, deg_v):
    cid = lax.axis_index("c")
    sid = lax.axis_index("s")
    wid = cid * NS + sid
    pltpu.sync_copy(dst_hbm.at[wid], dst_v)

    zeros16 = jnp.zeros((16,), jnp.float32)

    def _zero(r, carry):
        deg_v[pl.ds(r * 16, 16)] = zeros16
        return carry

    lax.fori_loop(0, N_PAD // 16, _zero, 0)

    ones16 = jnp.ones((16,), jnp.float32)

    def _edges(j, carry):
        def _sub(k, c2):
            idx = dst_v[j, pl.ds(k * 16, 16)]
            plsc.addupdate_scatter(deg_v, [idx], ones16)
            return c2
        return lax.fori_loop(0, CHUNK // 16, _sub, carry)

    lax.fori_loop(0, NCHUNK_DEG, _edges, 0)
    pltpu.sync_copy(deg_v, out_hbm.at[wid])



@functools.partial(
    pl.kernel,
    out_type=jax.ShapeDtypeStruct((NC, N_PAD, COLS), jnp.float32),
    mesh=_mesh,
    scratch_types=[
        pltpu.VMEM((NCHUNK, CHUNK), jnp.int32),
        pltpu.VMEM((NCHUNK, CHUNK), jnp.int32),
        pltpu.VMEM((CHUNK, COLS), jnp.float32),
        pltpu.VMEM((CHUNK, COLS), jnp.float32),
        pltpu.VMEM((CHUNK, COLS), jnp.float32),
        pltpu.VMEM((CHUNK, COLS), jnp.float32),
        pltpu.VMEM((CHUNK, COLS), jnp.float32),
        pltpu.VMEM_SHARED((N_PAD, COLS), jnp.float32),
        pltpu.SemaphoreType.DMA,
        pltpu.SemaphoreType.DMA,
        pltpu.SemaphoreType.DMA,
        pltpu.SemaphoreType.DMA,
        pltpu.SemaphoreType.DMA,
    ],
    compiler_params=pltpu.CompilerParams(needs_layout_passes=False,
                                         use_tc_tiling_on_sc=False),
)
def _scatter_kernel(u_hbm, src_hbm, dst_hbm, out_hbm,
                    src_v, dst_v, r0b, r1b, r2b, r3b, r4b, acc,
                    s0, s1, s2, s3, s4):
    rows = (r0b, r1b, r2b, r3b, r4b)
    sems = (s0, s1, s2, s3, s4)
    cid = lax.axis_index("c")
    sid = lax.axis_index("s")
    u_half = u_hbm.at[pl.ds(cid * N_PAD, N_PAD)]
    pltpu.sync_copy(src_hbm.at[sid], src_v)
    pltpu.sync_copy(dst_hbm.at[sid], dst_v)
    r0 = sid * ROWS_PER_TILE
    pltpu.sync_copy(u_hbm.at[pl.ds(cid * N_PAD + r0, ROWS_PER_TILE)],
                    acc.at[pl.ds(r0, ROWS_PER_TILE)])
    plsc.subcore_barrier()

    for b in range(NBUF):
        pltpu.async_copy(u_half.at[src_v.at[b]], rows[b], sems[b])

    def _group(g, carry):
        for b in range(NBUF):
            j = g * NBUF + b
            pltpu.make_async_copy(u_half.at[src_v.at[j]], rows[b],
                                  sems[b]).wait()
            pltpu.sync_copy(rows[b], acc.at[dst_v.at[j]], add=True)
            pltpu.async_copy(u_half.at[src_v.at[j + NBUF]], rows[b], sems[b])
        return carry

    lax.fori_loop(0, NCHUNK // NBUF - 1, _group, 0)
    for b in range(NBUF):
        j = NCHUNK - NBUF + b
        pltpu.make_async_copy(u_half.at[src_v.at[j]], rows[b], sems[b]).wait()
        pltpu.sync_copy(rows[b], acc.at[dst_v.at[j]], add=True)

    plsc.subcore_barrier()
    pltpu.sync_copy(acc.at[pl.ds(r0, ROWS_PER_TILE)],
                    out_hbm.at[cid, pl.ds(r0, ROWS_PER_TILE)])



_BR = 256
_GRID = N_PAD // _BR


def _degsum_body(dp_ref, o_ref):
    o_ref[...] = jnp.sum(dp_ref[...], axis=0)


def _dinv(d):
    return lax.rsqrt(d + 1.0)


def _u_body(x_ref, w_ref, d_ref, u_ref):
    h = jnp.dot(x_ref[...], w_ref[...], preferred_element_type=jnp.float32)
    u = h * _dinv(d_ref[...])
    u_ref[0] = u[:, :COLS]
    u_ref[1] = u[:, COLS:]


def _ln_relu(pre, g, beta):
    mu = jnp.mean(pre, axis=1, keepdims=True)
    var = jnp.mean((pre - mu) ** 2, axis=1, keepdims=True)
    return jnp.maximum((pre - mu) * lax.rsqrt(var + 1e-5) * g + beta, 0.0)


def _mid_body(p_ref, x0_ref, w2_ref, b1_ref, g1_ref,
              be1_ref, d_ref, x1_ref, u2_ref):
    dinv = _dinv(d_ref[...])
    scat = jnp.concatenate([p_ref[0], p_ref[1]], axis=1)
    pre = scat * dinv + b1_ref[...]
    x1 = _ln_relu(pre, g1_ref[...], be1_ref[...]) + x0_ref[...]
    x1_ref[...] = x1
    u2 = jnp.dot(x1, w2_ref[...], preferred_element_type=jnp.float32) * dinv
    u2_ref[0] = u2[:, :COLS]
    u2_ref[1] = u2[:, COLS:]


def _final_body(p_ref, x1_ref, b2_ref, g2_ref, be2_ref,
                d_ref, o_ref):
    dinv = _dinv(d_ref[...])
    scat = jnp.concatenate([p_ref[0], p_ref[1]], axis=1)
    pre = scat * dinv + b2_ref[...]
    o_ref[...] = _ln_relu(pre, g2_ref[...], be2_ref[...]) + x1_ref[...]


def _row_spec():
    return pl.BlockSpec((_BR, D), lambda i: (i, 0))


def _stk_spec():
    return pl.BlockSpec((NC, _BR, COLS), lambda i: (0, i, 0))


def _full_spec():
    return pl.BlockSpec((D, D), lambda i: (0, 0))


def _vec_spec():
    return pl.BlockSpec((1, D), lambda i: (0, 0))


def _col_spec():
    return pl.BlockSpec((_BR, 1), lambda i: (i, 0))


_f32 = jnp.float32


def _degsum_call(degp):
    return pl.pallas_call(
        _degsum_body,
        in_specs=[pl.BlockSpec((NW, N_PAD // D, D), lambda: (0, 0, 0))],
        out_specs=pl.BlockSpec((N_PAD // D, D), lambda: (0, 0)),
        out_shape=jax.ShapeDtypeStruct((N_PAD // D, D), _f32),
    )(degp)


def _u_call(xp, W, d):
    return pl.pallas_call(
        _u_body,
        grid=(_GRID,),
        in_specs=[_row_spec(), _full_spec(), _col_spec()],
        out_specs=_stk_spec(),
        out_shape=jax.ShapeDtypeStruct((NC, N_PAD, COLS), _f32),
    )(xp, W, d)


def _mid_call(parts, x0, W2, b1, g1, be1, d):
    return pl.pallas_call(
        _mid_body,
        grid=(_GRID,),
        in_specs=[_stk_spec(), _row_spec(),
                  _full_spec(), _vec_spec(), _vec_spec(), _vec_spec(),
                  _col_spec()],
        out_specs=[_row_spec(), _stk_spec()],
        out_shape=[jax.ShapeDtypeStruct((N_PAD, D), _f32),
                   jax.ShapeDtypeStruct((NC, N_PAD, COLS), _f32)],
    )(parts, x0, W2, b1, g1, be1, d)


def _final_call(parts, x1, b2, g2, be2, d):
    return pl.pallas_call(
        _final_body,
        grid=(_GRID,),
        in_specs=[_stk_spec(), _row_spec(),
                  _vec_spec(), _vec_spec(), _vec_spec(), _col_spec()],
        out_specs=_row_spec(),
        out_shape=jax.ShapeDtypeStruct((N_NODES, D), _f32),
    )(parts, x1, b2, g2, be2, d)



def kernel(x, edge_index, W1, b1, g1, beta1, W2, b2, g2, beta2):
    ei = edge_index.astype(jnp.int32)
    pad = E_PAD - N_EDGES
    dummy = N_NODES + jnp.arange(pad, dtype=jnp.int32) % (N_PAD - N_NODES)
    src = jnp.concatenate([ei[0], dummy])
    dst = jnp.concatenate([ei[1], dummy])
    src3 = src.reshape(NS, NCHUNK, CHUNK)
    dst3 = dst.reshape(NS, NCHUNK, CHUNK)
    dst_deg = dst.reshape(NW, NCHUNK_DEG, CHUNK)
    xp = jnp.pad(x, ((0, N_PAD - N_NODES), (0, 0)))

    degp = _deg_kernel(dst_deg)
    d = _degsum_call(degp.reshape(NW, N_PAD // D, D)).reshape(N_PAD, 1)

    b1r = b1.reshape(1, D)
    g1r = g1.reshape(1, D)
    be1r = beta1.reshape(1, D)
    b2r = b2.reshape(1, D)
    g2r = g2.reshape(1, D)
    be2r = beta2.reshape(1, D)

    u1 = _u_call(xp, W1, d)
    parts1 = _scatter_kernel(u1.reshape(NC * N_PAD, COLS), src3, dst3)
    x1, u2 = _mid_call(parts1, xp, W2, b1r, g1r, be1r, d)
    parts2 = _scatter_kernel(u2.reshape(NC * N_PAD, COLS), src3, dst3)
    return _final_call(parts2, x1, b2r, g2r, be2r, d)

# --- scband reference (transcript-rebuilt; emitter-appended) ---
"""Pipeline reference for scband-tissue-graph-encoder-21483426414738 (READ-ONLY COPY).

The authoritative reference and input builder live on the scoring server;
editing this copy changes nothing except your own understanding.
"""

import jax, jax.numpy as jnp
import numpy as np

N_NODES = 10000
N_EDGES = 320000
D = 128


def gcn_conv(x, edge_index, W, b):
    num_nodes = x.shape[0]
    src = edge_index[0]
    dst = edge_index[1]
    # add self loops (GCNConv default add_self_loops=True)
    loop = jnp.arange(num_nodes, dtype=src.dtype)
    src = jnp.concatenate([src, loop])
    dst = jnp.concatenate([dst, loop])
    ew = jnp.ones(src.shape[0], dtype=x.dtype)
    # symmetric normalization (gcn_norm): deg computed on dst (col)
    deg = jnp.zeros((num_nodes,), dtype=x.dtype).at[dst].add(ew)
    dinv = jnp.where(deg > 0, 1.0 / jnp.sqrt(deg), 0.0)
    norm = dinv[src] * dinv[dst]
    h = x @ W
    msg = h[src] * norm[:, None]
    out = jnp.zeros((num_nodes, h.shape[1]), dtype=x.dtype).at[dst].add(msg)
    return out + b


def layer_norm(x, gamma, beta, eps=1e-5):
    mu = jnp.mean(x, axis=-1, keepdims=True)
    var = jnp.mean((x - mu) ** 2, axis=-1, keepdims=True)
    return (x - mu) / jnp.sqrt(var + eps) * gamma + beta


def setup_inputs(seed: int = 0) -> dict:
    key = jax.random.key(seed)
    ks = jax.random.split(key, 8)
    x = jax.random.normal(ks[0], (N_NODES, D), dtype=jnp.float32)
    edge_index = jax.random.randint(ks[1], (2, N_EDGES), 0, N_NODES, dtype=jnp.int64)
    # glorot-style init for GCN weights
    s = float(np.sqrt(6.0 / (D + D)))
    W1 = jax.random.uniform(ks[2], (D, D), dtype=jnp.float32, minval=-s, maxval=s)
    b1 = jnp.zeros((D,), dtype=jnp.float32)
    W2 = jax.random.uniform(ks[3], (D, D), dtype=jnp.float32, minval=-s, maxval=s)
    b2 = jnp.zeros((D,), dtype=jnp.float32)
    g1 = jnp.ones((D,), dtype=jnp.float32)
    beta1 = jnp.zeros((D,), dtype=jnp.float32)
    g2 = jnp.ones((D,), dtype=jnp.float32)
    beta2 = jnp.zeros((D,), dtype=jnp.float32)
    return {"x": x, "edge_index": edge_index, "W1": W1, "b1": b1, "g1": g1, "beta1": beta1, "W2": W2, "b2": b2, "g2": g2, "beta2": beta2}


def reference(x, edge_index, W1, b1, g1, beta1, W2, b2, g2, beta2):
    # layer 1
    residual = x
    h = gcn_conv(x, edge_index, W1, b1)
    h = layer_norm(h, g1, beta1)
    h = jax.nn.relu(h)
    # dropout is identity in eval mode
    x = h + residual
    # layer 2
    residual = x
    h = gcn_conv(x, edge_index, W2, b2)
    h = layer_norm(h, g2, beta2)
    h = jax.nn.relu(h)
    x = h + residual
    return x

if __name__ == "__main__":
    import jax
    _d = setup_inputs()
    print(jax.jit(kernel)(*tuple(_d.values())))

</pallas_src>

<mosaic_0001>
#map = affine_map<(d0, d1) -> (0, 0, 0)>
#map1 = affine_map<(d0, d1) -> (0, 0)>
module attributes {stable_mosaic.version = 14 : i64} {
  func.func @_deg_kernel(%arg0: i32, %arg1: i32, %arg2: memref<32x80x128xi32, #tpu.memory_space<hbm>>, %arg3: memref<32x10240xf32, #tpu.memory_space<hbm>>, %arg4: memref<80x128xi32, #tpu.memory_space<vmem>>, %arg5: memref<10240xf32, #tpu.memory_space<vmem>>) attributes {dimension_semantics = [#tpu.dimension_semantics<core_parallel>, #tpu.dimension_semantics<subcore_parallel>], iteration_bounds = array<i64: 2, 16>, scalar_prefetch = 0 : i64, scratch_operands = 2 : i64, tpu.core_type = #tpu.core_type<sc_vector_subcore>, window_params = [{transform_indices = #map}, {transform_indices = #map1}]} {
    %mul3A = arith.constant 16 : i32
    %mul3A_0 = arith.muli %arg0, %mul3A : i32
    %add3A = arith.addi %mul3A_0, %arg1 : i32
    "tpu.region"() ({
      %run_scoped3A = tpu.sem_alloc : memref<!tpu.dma_semaphore, #tpu.memory_space<semaphore_mem>>
      %dma_start3A = arith.constant 0 : i32
      %dma_start3A_15 = arith.constant 0 : i32
      %dma_start3A_16 = tpu.memref_slice %arg2[%add3A, %dma_start3A, %dma_start3A_15] : memref<32x80x128xi32, #tpu.memory_space<hbm>> -> memref<1x80x128xi32, #tpu.memory_space<hbm>>
      %dma_start3A_17 = tpu.memref_squeeze %dma_start3A_16 : memref<1x80x128xi32, #tpu.memory_space<hbm>> -> memref<80x128xi32, #tpu.memory_space<hbm>>
      %dma_start3A_18 = arith.constant 0 : i32
      %dma_start3A_19 = arith.constant 0 : i32
      %dma_start3A_20 = tpu.memref_slice %arg2[%add3A, %dma_start3A_18, %dma_start3A_19] : memref<32x80x128xi32, #tpu.memory_space<hbm>> -> memref<1x80x128xi32, #tpu.memory_space<hbm>>
      %dma_start3A_21 = tpu.memref_squeeze %dma_start3A_20 : memref<1x80x128xi32, #tpu.memory_space<hbm>> -> memref<80x128xi32, #tpu.memory_space<hbm>>
      tpu.enqueue_dma source(%dma_start3A_21 : memref<80x128xi32, #tpu.memory_space<hbm>>) target(%arg4 : memref<80x128xi32, #tpu.memory_space<vmem>>) target_semaphore(%run_scoped3A : memref<!tpu.dma_semaphore, #tpu.memory_space<semaphore_mem>>)
      %dma_wait3A = arith.constant 0 : i32
      %dma_wait3A_22 = arith.constant 0 : i32
      %dma_wait3A_23 = tpu.memref_slice %arg2[%add3A, %dma_wait3A, %dma_wait3A_22] : memref<32x80x128xi32, #tpu.memory_space<hbm>> -> memref<1x80x128xi32, #tpu.memory_space<hbm>>
      %dma_wait3A_24 = tpu.memref_squeeze %dma_wait3A_23 : memref<1x80x128xi32, #tpu.memory_space<hbm>> -> memref<80x128xi32, #tpu.memory_space<hbm>>
      %dma_wait3A_25 = arith.constant 0 : i32
      %dma_wait3A_26 = arith.constant 0 : i32
      %dma_wait3A_27 = tpu.memref_slice %arg2[%add3A, %dma_wait3A_25, %dma_wait3A_26] : memref<32x80x128xi32, #tpu.memory_space<hbm>> -> memref<1x80x128xi32, #tpu.memory_space<hbm>>
      %dma_wait3A_28 = tpu.memref_squeeze %dma_wait3A_27 : memref<1x80x128xi32, #tpu.memory_space<hbm>> -> memref<80x128xi32, #tpu.memory_space<hbm>>
      tpu.wait_dma2 semaphore(%run_scoped3A : memref<!tpu.dma_semaphore, #tpu.memory_space<semaphore_mem>>) src(%dma_wait3A_28 : memref<80x128xi32, #tpu.memory_space<hbm>>) dst(%arg4 : memref<80x128xi32, #tpu.memory_space<vmem>>)
      tpu.yield
    }) : () -> ()
    %broadcast_in_dim3A = arith.constant 0.000000e+00 : f32
    %broadcast_in_dim3A_1 = vector.broadcast %broadcast_in_dim3A : f32 to vector<16xf32>
    %scan3A = arith.constant 0 : i32
    %scan3A_2 = arith.constant 0 : i32
    %scan3A_3 = arith.constant 640 : i32
    %scan3A_4 = arith.addi %scan3A_2, %scan3A_3 : i32
    %scan3A_5 = arith.constant 1 : i32
    scf.for %scan3A_15 = %scan3A_2 to %scan3A_4 step %scan3A_5  : i32 {
      %mul3A_16 = arith.constant 16 : i32
      %mul3A_17 = arith.muli %scan3A_15, %mul3A_16 : i32
      %swap3A = arith.index_cast %mul3A_17 : i32 to index
      %swap3A_18 = tpu.vector_load %arg5[%swap3A] {strides = array<i32>} : memref<10240xf32, #tpu.memory_space<vmem>>, vector<16xf32>,
      tpu.vector_store %arg5[%swap3A], %broadcast_in_dim3A_1 {strides = array<i32>} : memref<10240xf32, #tpu.memory_space<vmem>>, vector<16xf32>,
    }
    %scan3A_6 = arith.constant 640 : i32
    %broadcast_in_dim3A_7 = arith.constant 1.000000e+00 : f32
    %broadcast_in_dim3A_8 = vector.broadcast %broadcast_in_dim3A_7 : f32 to vector<16xf32>
    %scan3A_9 = arith.constant 0 : i32
    %scan3A_10 = arith.constant 0 : i32
    %scan3A_11 = arith.constant 80 : i32
    %scan3A_12 = arith.addi %scan3A_10, %scan3A_11 : i32
    %scan3A_13 = arith.constant 1 : i32
    scf.for %scan3A_15 = %scan3A_10 to %scan3A_12 step %scan3A_13  : i32 {
      %scan3A_16 = arith.constant 0 : i32
      %scan3A_17 = arith.constant 8 : i32
      %scan3A_18 = arith.addi %scan3A_16, %scan3A_17 : i32
      %scan3A_19 = arith.constant 1 : i32
      scf.for %scan3A_21 = %scan3A_16 to %scan3A_18 step %scan3A_19  : i32 {
        %mul3A_22 = arith.constant 16 : i32
        %mul3A_23 = arith.muli %scan3A_21, %mul3A_22 : i32
        %get3A = arith.index_cast %scan3A_15 : i32 to index
        %get3A_24 = arith.index_cast %mul3A_23 : i32 to index
        %get3A_25 = tpu.vector_load %arg4[%get3A, %get3A_24] {strides = array<i32>} : memref<80x128xi32, #tpu.memory_space<vmem>>, vector<16xi32>,
        tpu.vector_store_idx %arg5[%get3A_25], %broadcast_in_dim3A_8 {add = true} : memref<10240xf32, #tpu.memory_space<vmem>>[vector<16xi32>], vector<16xf32>,
      }
      %scan3A_20 = arith.constant 8 : i32
    }
    %scan3A_14 = arith.constant 80 : i32
    "tpu.region"() ({
      %run_scoped3A = tpu.sem_alloc : memref<!tpu.dma_semaphore, #tpu.memory_space<semaphore_mem>>
      %dma_start3A = arith.constant 0 : i32
      %dma_start3A_15 = tpu.memref_slice %arg3[%add3A, %dma_start3A] : memref<32x10240xf32, #tpu.memory_space<hbm>> -> memref<1x10240xf32, #tpu.memory_space<hbm>>
      %dma_start3A_16 = tpu.memref_squeeze %dma_start3A_15 : memref<1x10240xf32, #tpu.memory_space<hbm>> -> memref<10240xf32, #tpu.memory_space<hbm>>
      %dma_start3A_17 = arith.constant 0 : i32
      %dma_start3A_18 = tpu.memref_slice %arg3[%add3A, %dma_start3A_17] : memref<32x10240xf32, #tpu.memory_space<hbm>> -> memref<1x10240xf32, #tpu.memory_space<hbm>>
      %dma_start3A_19 = tpu.memref_squeeze %dma_start3A_18 : memref<1x10240xf32, #tpu.memory_space<hbm>> -> memref<10240xf32, #tpu.memory_space<hbm>>
      tpu.enqueue_dma source(%arg5 : memref<10240xf32, #tpu.memory_space<vmem>>) target(%dma_start3A_19 : memref<10240xf32, #tpu.memory_space<hbm>>) target_semaphore(%run_scoped3A : memref<!tpu.dma_semaphore, #tpu.memory_space<semaphore_mem>>)
      %dma_wait3A = arith.constant 0 : i32
      %dma_wait3A_20 = tpu.memref_slice %arg3[%add3A, %dma_wait3A] : memref<32x10240xf32, #tpu.memory_space<hbm>> -> memref<1x10240xf32, #tpu.memory_space<hbm>>
      %dma_wait3A_21 = tpu.memref_squeeze %dma_wait3A_20 : memref<1x10240xf32, #tpu.memory_space<hbm>> -> memref<10240xf32, #tpu.memory_space<hbm>>
      %dma_wait3A_22 = arith.constant 0 : i32
      %dma_wait3A_23 = tpu.memref_slice %arg3[%add3A, %dma_wait3A_22] : memref<32x10240xf32, #tpu.memory_space<hbm>> -> memref<1x10240xf32, #tpu.memory_space<hbm>>
      %dma_wait3A_24 = tpu.memref_squeeze %dma_wait3A_23 : memref<1x10240xf32, #tpu.memory_space<hbm>> -> memref<10240xf32, #tpu.memory_space<hbm>>
      tpu.wait_dma2 semaphore(%run_scoped3A : memref<!tpu.dma_semaphore, #tpu.memory_space<semaphore_mem>>) src(%arg5 : memref<10240xf32, #tpu.memory_space<vmem>>) dst(%dma_wait3A_24 : memref<10240xf32, #tpu.memory_space<hbm>>)
      tpu.yield
    }) : () -> ()
    return
  }
}

#map = affine_map<(d0, d1) -> (0, 0)>
#map1 = affine_map<(d0, d1) -> (0, 0, 0)>
module attributes {stable_mosaic.version = 14 : i64} {
  func.func @_scatter_kernel(%arg0: i32, %arg1: i32, %arg2: memref<20480x64xf32, #tpu.memory_space<hbm>>, %arg3: memref<16x160x128xi32, #tpu.memory_space<hbm>>, %arg4: memref<16x160x128xi32, #tpu.memory_space<hbm>>, %arg5: memref<2x10240x64xf32, #tpu.memory_space<hbm>>, %arg6: memref<160x128xi32, #tpu.memory_space<vmem>>, %arg7: memref<160x128xi32, #tpu.memory_space<vmem>>, %arg8: memref<128x64xf32, #tpu.memory_space<vmem>>, %arg9: memref<128x64xf32, #tpu.memory_space<vmem>>, %arg10: memref<128x64xf32, #tpu.memory_space<vmem>>, %arg11: memref<128x64xf32, #tpu.memory_space<vmem>>, %arg12: memref<128x64xf32, #tpu.memory_space<vmem>>, %arg13: memref<10240x64xf32, #tpu.memory_space<vmem_shared>>, %arg14: memref<!tpu.dma_semaphore, #tpu.memory_space<semaphore_mem>>, %arg15: memref<!tpu.dma_semaphore, #tpu.memory_space<semaphore_mem>>, %arg16: memref<!tpu.dma_semaphore, #tpu.memory_space<semaphore_mem>>, %arg17: memref<!tpu.dma_semaphore, #tpu.memory_space<semaphore_mem>>, %arg18: memref<!tpu.dma_semaphore, #tpu.memory_space<semaphore_mem>>) attributes {dimension_semantics = [#tpu.dimension_semantics<core_parallel>, #tpu.dimension_semantics<subcore_parallel>], iteration_bounds = array<i64: 2, 16>, scalar_prefetch = 0 : i64, scratch_operands = 13 : i64, tpu.core_type = #tpu.core_type<sc_vector_subcore>, window_params = [{transform_indices = #map}, {transform_indices = #map1}, {transform_indices = #map1}, {transform_indices = #map1}]} {
    %mul3A = arith.constant 10240 : i32
    %mul3A_0 = arith.muli %arg0, %mul3A : i32
    "tpu.region"() ({
      %run_scoped3A_103 = tpu.sem_alloc : memref<!tpu.dma_semaphore, #tpu.memory_space<semaphore_mem>>
      %dma_start3A_104 = arith.constant 0 : i32
      %dma_start3A_105 = arith.constant 0 : i32
      %dma_start3A_106 = tpu.memref_slice %arg3[%arg1, %dma_start3A_104, %dma_start3A_105] : memref<16x160x128xi32, #tpu.memory_space<hbm>> -> memref<1x160x128xi32, #tpu.memory_space<hbm>>
      %dma_start3A_107 = tpu.memref_squeeze %dma_start3A_106 : memref<1x160x128xi32, #tpu.memory_space<hbm>> -> memref<160x128xi32, #tpu.memory_space<hbm>>
      %dma_start3A_108 = arith.constant 0 : i32
      %dma_start3A_109 = arith.constant 0 : i32
      %dma_start3A_110 = tpu.memref_slice %arg3[%arg1, %dma_start3A_108, %dma_start3A_109] : memref<16x160x128xi32, #tpu.memory_space<hbm>> -> memref<1x160x128xi32, #tpu.memory_space<hbm>>
      %dma_start3A_111 = tpu.memref_squeeze %dma_start3A_110 : memref<1x160x128xi32, #tpu.memory_space<hbm>> -> memref<160x128xi32, #tpu.memory_space<hbm>>
      tpu.enqueue_dma source(%dma_start3A_111 : memref<160x128xi32, #tpu.memory_space<hbm>>) target(%arg6 : memref<160x128xi32, #tpu.memory_space<vmem>>) target_semaphore(%run_scoped3A_103 : memref<!tpu.dma_semaphore, #tpu.memory_space<semaphore_mem>>)
      %dma_wait3A_112 = arith.constant 0 : i32
      %dma_wait3A_113 = arith.constant 0 : i32
      %dma_wait3A_114 = tpu.memref_slice %arg3[%arg1, %dma_wait3A_112, %dma_wait3A_113] : memref<16x160x128xi32, #tpu.memory_space<hbm>> -> memref<1x160x128xi32, #tpu.memory_space<hbm>>
      %dma_wait3A_115 = tpu.memref_squeeze %dma_wait3A_114 : memref<1x160x128xi32, #tpu.memory_space<hbm>> -> memref<160x128xi32, #tpu.memory_space<hbm>>
      %dma_wait3A_116 = arith.constant 0 : i32
      %dma_wait3A_117 = arith.constant 0 : i32
      %dma_wait3A_118 = tpu.memref_slice %arg3[%arg1, %dma_wait3A_116, %dma_wait3A_117] : memref<16x160x128xi32, #tpu.memory_space<hbm>> -> memref<1x160x128xi32, #tpu.memory_space<hbm>>
      %dma_wait3A_119 = tpu.memref_squeeze %dma_wait3A_118 : memref<1x160x128xi32, #tpu.memory_space<hbm>> -> memref<160x128xi32, #tpu.memory_space<hbm>>
      tpu.wait_dma2 semaphore(%run_scoped3A_103 : memref<!tpu.dma_semaphore, #tpu.memory_space<semaphore_mem>>) src(%dma_wait3A_119 : memref<160x128xi32, #tpu.memory_space<hbm>>) dst(%arg6 : memref<160x128xi32, #tpu.memory_space<vmem>>)
      tpu.yield
    }) : () -> ()
    "tpu.region"() ({
      %run_scoped3A_103 = tpu.sem_alloc : memref<!tpu.dma_semaphore, #tpu.memory_space<semaphore_mem>>
      %dma_start3A_104 = arith.constant 0 : i32
      %dma_start3A_105 = arith.constant 0 : i32
      %dma_start3A_106 = tpu.memref_slice %arg4[%arg1, %dma_start3A_104, %dma_start3A_105] : memref<16x160x128xi32, #tpu.memory_space<hbm>> -> memref<1x160x128xi32, #tpu.memory_space<hbm>>
      %dma_start3A_107 = tpu.memref_squeeze %dma_start3A_106 : memref<1x160x128xi32, #tpu.memory_space<hbm>> -> memref<160x128xi32, #tpu.memory_space<hbm>>
      %dma_start3A_108 = arith.constant 0 : i32
      %dma_start3A_109 = arith.constant 0 : i32
      %dma_start3A_110 = tpu.memref_slice %arg4[%arg1, %dma_start3A_108, %dma_start3A_109] : memref<16x160x128xi32, #tpu.memory_space<hbm>> -> memref<1x160x128xi32, #tpu.memory_space<hbm>>
      %dma_start3A_111 = tpu.memref_squeeze %dma_start3A_110 : memref<1x160x128xi32, #tpu.memory_space<hbm>> -> memref<160x128xi32, #tpu.memory_space<hbm>>
      tpu.enqueue_dma source(%dma_start3A_111 : memref<160x128xi32, #tpu.memory_space<hbm>>) target(%arg7 : memref<160x128xi32, #tpu.memory_space<vmem>>) target_semaphore(%run_scoped3A_103 : memref<!tpu.dma_semaphore, #tpu.memory_space<semaphore_mem>>)
      %dma_wait3A_112 = arith.constant 0 : i32
      %dma_wait3A_113 = arith.constant 0 : i32
      %dma_wait3A_114 = tpu.memref_slice %arg4[%arg1, %dma_wait3A_112, %dma_wait3A_113] : memref<16x160x128xi32, #tpu.memory_space<hbm>> -> memref<1x160x128xi32, #tpu.memory_space<hbm>>
      %dma_wait3A_115 = tpu.memref_squeeze %dma_wait3A_114 : memref<1x160x128xi32, #tpu.memory_space<hbm>> -> memref<160x128xi32, #tpu.memory_space<hbm>>
      %dma_wait3A_116 = arith.constant 0 : i32
      %dma_wait3A_117 = arith.constant 0 : i32
      %dma_wait3A_118 = tpu.memref_slice %arg4[%arg1, %dma_wait3A_116, %dma_wait3A_117] : memref<16x160x128xi32, #tpu.memory_space<hbm>> -> memref<1x160x128xi32, #tpu.memory_space<hbm>>
      %dma_wait3A_119 = tpu.memref_squeeze %dma_wait3A_118 : memref<1x160x128xi32, #tpu.memory_space<hbm>> -> memref<160x128xi32, #tpu.memory_space<hbm>>
      tpu.wait_dma2 semaphore(%run_scoped3A_103 : memref<!tpu.dma_semaphore, #tpu.memory_space<semaphore_mem>>) src(%dma_wait3A_119 : memref<160x128xi32, #tpu.memory_space<hbm>>) dst(%arg7 : memref<160x128xi32, #tpu.memory_space<vmem>>)
      tpu.yield
    }) : () -> ()
    %mul3A_1 = arith.constant 640 : i32
    %mul3A_2 = arith.muli %arg1, %mul3A_1 : i32
    %mul3A_3 = arith.constant 10240 : i32
    %mul3A_4 = arith.muli %arg0, %mul3A_3 : i32
    %add3A = arith.addi %mul3A_4, %mul3A_2 : i32
    "tpu.region"() ({
      %run_scoped3A_103 = tpu.sem_alloc : memref<!tpu.dma_semaphore, #tpu.memory_space<semaphore_mem>>
      %dma_start3A_104 = arith.constant 0 : i32
      %dma_start3A_105 = tpu.memref_slice %arg13[%mul3A_2, %dma_start3A_104] : memref<10240x64xf32, #tpu.memory_space<vmem_shared>> -> memref<640x64xf32, #tpu.memory_space<vmem_shared>>
      %dma_start3A_106 = arith.constant 0 : i32
      %dma_start3A_107 = tpu.memref_slice %arg2[%add3A, %dma_start3A_106] : memref<20480x64xf32, #tpu.memory_space<hbm>> -> memref<640x64xf32, #tpu.memory_space<hbm>>
      tpu.enqueue_dma source(%dma_start3A_107 : memref<640x64xf32, #tpu.memory_space<hbm>>) target(%dma_start3A_105 : memref<640x64xf32, #tpu.memory_space<vmem_shared>>) target_semaphore(%run_scoped3A_103 : memref<!tpu.dma_semaphore, #tpu.memory_space<semaphore_mem>>)
      %dma_wait3A_108 = arith.constant 0 : i32
      %dma_wait3A_109 = tpu.memref_slice %arg13[%mul3A_2, %dma_wait3A_108] : memref<10240x64xf32, #tpu.memory_space<vmem_shared>> -> memref<640x64xf32, #tpu.memory_space<vmem_shared>>
      %dma_wait3A_110 = arith.constant 0 : i32
      %dma_wait3A_111 = tpu.memref_slice %arg2[%add3A, %dma_wait3A_110] : memref<20480x64xf32, #tpu.memory_space<hbm>> -> memref<640x64xf32, #tpu.memory_space<hbm>>
      tpu.wait_dma2 semaphore(%run_scoped3A_103 : memref<!tpu.dma_semaphore, #tpu.memory_space<semaphore_mem>>) src(%dma_wait3A_111 : memref<640x64xf32, #tpu.memory_space<hbm>>) dst(%dma_wait3A_109 : memref<640x64xf32, #tpu.memory_space<vmem_shared>>)
      tpu.yield
    }) : () -> ()
    %barrier3A = arith.constant 0 : index
    tpu.barrier barrier_id(%barrier3A)
    %dma_start3A = arith.constant 0 : i32
    %dma_start3A_5 = arith.constant 0 : i32
    %dma_start3A_6 = tpu.memref_slice %arg6[%dma_start3A, %dma_start3A_5] : memref<160x128xi32, #tpu.memory_space<vmem>> -> memref<1x128xi32, #tpu.memory_space<vmem>>
    %dma_start3A_7 = tpu.memref_squeeze %dma_start3A_6 : memref<1x128xi32, #tpu.memory_space<vmem>> -> memref<128xi32, #tpu.memory_space<vmem>>
    %dma_start3A_8 = arith.constant 0 : i32
    %dma_start3A_9 = tpu.memref_slice %arg2[%mul3A_0, %dma_start3A_8] : memref<20480x64xf32, #tpu.memory_space<hbm>> -> memref<10240x64xf32, #tpu.memory_space<hbm>>
    %dma_start3A_10 = arith.constant 0 : i32
    %dma_start3A_11 = arith.constant 0 : i32
    %dma_start3A_12 = tpu.memref_slice %dma_start3A_9[%dma_start3A_10, %dma_start3A_11] : memref<10240x64xf32, #tpu.memory_space<hbm>> -> memref<10240x64xf32, #tpu.memory_space<hbm>>
    tpu.enqueue_indirect_dma source(%dma_start3A_12 : memref<10240x64xf32, #tpu.memory_space<hbm>>) target(%arg8 : memref<128x64xf32, #tpu.memory_space<vmem>>) offsets(%dma_start3A_7 : memref<128xi32, #tpu.memory_space<vmem>>) semaphore(%arg14 : memref<!tpu.dma_semaphore, #tpu.memory_space<semaphore_mem>>)
    %dma_start3A_13 = arith.constant 1 : i32
    %dma_start3A_14 = arith.constant 0 : i32
    %dma_start3A_15 = tpu.memref_slice %arg6[%dma_start3A_13, %dma_start3A_14] : memref<160x128xi32, #tpu.memory_space<vmem>> -> memref<1x128xi32, #tpu.memory_space<vmem>>
    %dma_start3A_16 = tpu.memref_squeeze %dma_start3A_15 : memref<1x128xi32, #tpu.memory_space<vmem>> -> memref<128xi32, #tpu.memory_space<vmem>>
    %dma_start3A_17 = arith.constant 0 : i32
    %dma_start3A_18 = tpu.memref_slice %arg2[%mul3A_0, %dma_start3A_17] : memref<20480x64xf32, #tpu.memory_space<hbm>> -> memref<10240x64xf32, #tpu.memory_space<hbm>>
    %dma_start3A_19 = arith.constant 0 : i32
    %dma_start3A_20 = arith.constant 0 : i32
    %dma_start3A_21 = tpu.memref_slice %dma_start3A_18[%dma_start3A_19, %dma_start3A_20] : memref<10240x64xf32, #tpu.memory_space<hbm>> -> memref<10240x64xf32, #tpu.memory_space<hbm>>
    tpu.enqueue_indirect_dma source(%dma_start3A_21 : memref<10240x64xf32, #tpu.memory_space<hbm>>) target(%arg9 : memref<128x64xf32, #tpu.memory_space<vmem>>) offsets(%dma_start3A_16 : memref<128xi32, #tpu.memory_space<vmem>>) semaphore(%arg15 : memref<!tpu.dma_semaphore, #tpu.memory_space<semaphore_mem>>)
    %dma_start3A_22 = arith.constant 2 : i32
    %dma_start3A_23 = arith.constant 0 : i32
    %dma_start3A_24 = tpu.memref_slice %arg6[%dma_start3A_22, %dma_start3A_23] : memref<160x128xi32, #tpu.memory_space<vmem>> -> memref<1x128xi32, #tpu.memory_space<vmem>>
    %dma_start3A_25 = tpu.memref_squeeze %dma_start3A_24 : memref<1x128xi32, #tpu.memory_space<vmem>> -> memref<128xi32, #tpu.memory_space<vmem>>
    %dma_start3A_26 = arith.constant 0 : i32
    %dma_start3A_27 = tpu.memref_slice %arg2[%mul3A_0, %dma_start3A_26] : memref<20480x64xf32, #tpu.memory_space<hbm>> -> memref<10240x64xf32, #tpu.memory_space<hbm>>
    %dma_start3A_28 = arith.constant 0 : i32
    %dma_start3A_29 = arith.constant 0 : i32
    %dma_start3A_30 = tpu.memref_slice %dma_start3A_27[%dma_start3A_28, %dma_start3A_29] : memref<10240x64xf32, #tpu.memory_space<hbm>> -> memref<10240x64xf32, #tpu.memory_space<hbm>>
    tpu.enqueue_indirect_dma source(%dma_start3A_30 : memref<10240x64xf32, #tpu.memory_space<hbm>>) target(%arg10 : memref<128x64xf32, #tpu.memory_space<vmem>>) offsets(%dma_start3A_25 : memref<128xi32, #tpu.memory_space<vmem>>) semaphore(%arg16 : memref<!tpu.dma_semaphore, #tpu.memory_space<semaphore_mem>>)
    %dma_start3A_31 = arith.constant 3 : i32
    %dma_start3A_32 = arith.constant 0 : i32
    %dma_start3A_33 = tpu.memref_slice %arg6[%dma_start3A_31, %dma_start3A_32] : memref<160x128xi32, #tpu.memory_space<vmem>> -> memref<1x128xi32, #tpu.memory_space<vmem>>
    %dma_start3A_34 = tpu.memref_squeeze %dma_start3A_33 : memref<1x128xi32, #tpu.memory_space<vmem>> -> memref<128xi32, #tpu.memory_space<vmem>>
    %dma_start3A_35 = arith.constant 0 : i32
    %dma_start3A_36 = tpu.memref_slice %arg2[%mul3A_0, %dma_start3A_35] : memref<20480x64xf32, #tpu.memory_space<hbm>> -> memref<10240x64xf32, #tpu.memory_space<hbm>>
    %dma_start3A_37 = arith.constant 0 : i32
    %dma_start3A_38 = arith.constant 0 : i32
    %dma_start3A_39 = tpu.memref_slice %dma_start3A_36[%dma_start3A_37, %dma_start3A_38] : memref<10240x64xf32, #tpu.memory_space<hbm>> -> memref<10240x64xf32, #tpu.memory_space<hbm>>
    tpu.enqueue_indirect_dma source(%dma_start3A_39 : memref<10240x64xf32, #tpu.memory_space<hbm>>) target(%arg11 : memref<128x64xf32, #tpu.memory_space<vmem>>) offsets(%dma_start3A_34 : memref<128xi32, #tpu.memory_space<vmem>>) semaphore(%arg17 : memref<!tpu.dma_semaphore, #tpu.memory_space<semaphore_mem>>)
    %dma_start3A_40 = arith.constant 4 : i32
    %dma_start3A_41 = arith.constant 0 : i32
    %dma_start3A_42 = tpu.memref_slice %arg6[%dma_start3A_40, %dma_start3A_41] : memref<160x128xi32, #tpu.memory_space<vmem>> -> memref<1x128xi32, #tpu.memory_space<vmem>>
    %dma_start3A_43 = tpu.memref_squeeze %dma_start3A_42 : memref<1x128xi32, #tpu.memory_space<vmem>> -> memref<128xi32, #tpu.memory_space<vmem>>
    %dma_start3A_44 = arith.constant 0 : i32
    %dma_start3A_45 = tpu.memref_slice %arg2[%mul3A_0, %dma_start3A_44] : memref<20480x64xf32, #tpu.memory_space<hbm>> -> memref<10240x64xf32, #tpu.memory_space<hbm>>
    %dma_start3A_46 = arith.constant 0 : i32
    %dma_start3A_47 = arith.constant 0 : i32
    %dma_start3A_48 = tpu.memref_slice %dma_start3A_45[%dma_start3A_46, %dma_start3A_47] : memref<10240x64xf32, #tpu.memory_space<hbm>> -> memref<10240x64xf32, #tpu.memory_space<hbm>>
    tpu.enqueue_indirect_dma source(%dma_start3A_48 : memref<10240x64xf32, #tpu.memory_space<hbm>>) target(%arg12 : memref<128x64xf32, #tpu.memory_space<vmem>>) offsets(%dma_start3A_43 : memref<128xi32, #tpu.memory_space<vmem>>) semaphore(%arg18 : memref<!tpu.dma_semaphore, #tpu.memory_space<semaphore_mem>>)
    %scan3A = arith.constant 0 : i32
    %scan3A_49 = arith.constant 0 : i32
    %scan3A_50 = arith.constant 31 : i32
    %scan3A_51 = arith.addi %scan3A_49, %scan3A_50 : i32
    %scan3A_52 = arith.constant 1 : i32
    scf.for %scan3A_103 = %scan3A_49 to %scan3A_51 step %scan3A_52  : i32 {
      %mul3A_104 = arith.constant 5 : i32
      %mul3A_105 = arith.muli %scan3A_103, %mul3A_104 : i32
      %add3A_106 = arith.constant 0 : i32
      %add3A_107 = arith.addi %mul3A_105, %add3A_106 : i32
      %dma_wait3A_108 = arith.constant 0 : i32
      %dma_wait3A_109 = tpu.memref_slice %arg6[%add3A_107, %dma_wait3A_108] : memref<160x128xi32, #tpu.memory_space<vmem>> -> memref<1x128xi32, #tpu.memory_space<vmem>>
      %dma_wait3A_110 = tpu.memref_squeeze %dma_wait3A_109 : memref<1x128xi32, #tpu.memory_space<vmem>> -> memref<128xi32, #tpu.memory_space<vmem>>
      %dma_wait3A_111 = arith.constant 0 : i32
      %dma_wait3A_112 = tpu.memref_slice %arg2[%mul3A_0, %dma_wait3A_111] : memref<20480x64xf32, #tpu.memory_space<hbm>> -> memref<10240x64xf32, #tpu.memory_space<hbm>>
      %dma_wait3A_113 = arith.constant 0 : i32
      %dma_wait3A_114 = arith.constant 0 : i32
      %dma_wait3A_115 = tpu.memref_slice %dma_wait3A_112[%dma_wait3A_113, %dma_wait3A_114] : memref<10240x64xf32, #tpu.memory_space<hbm>> -> memref<10240x64xf32, #tpu.memory_space<hbm>>
      tpu.wait_indirect_dma semaphore(%arg14 : memref<!tpu.dma_semaphore, #tpu.memory_space<semaphore_mem>>) src(%dma_wait3A_115 : memref<10240x64xf32, #tpu.memory_space<hbm>>) dst(%arg8 : memref<128x64xf32, #tpu.memory_space<vmem>>)
      "tpu.region"() ({
        %run_scoped3A_214 = tpu.sem_alloc : memref<!tpu.dma_semaphore, #tpu.memory_space<semaphore_mem>>
        %dma_start3A_215 = arith.constant 0 : i32
        %dma_start3A_216 = tpu.memref_slice %arg7[%add3A_107, %dma_start3A_215] : memref<160x128xi32, #tpu.memory_space<vmem>> -> memref<1x128xi32, #tpu.memory_space<vmem>>
        %dma_start3A_217 = tpu.memref_squeeze %dma_start3A_216 : memref<1x128xi32, #tpu.memory_space<vmem>> -> memref<128xi32, #tpu.memory_space<vmem>>
        %dma_start3A_218 = arith.constant 0 : i32
        %dma_start3A_219 = arith.constant 0 : i32
        %dma_start3A_220 = tpu.memref_slice %arg13[%dma_start3A_218, %dma_start3A_219] : memref<10240x64xf32, #tpu.memory_space<vmem_shared>> -> memref<10240x64xf32, #tpu.memory_space<vmem_shared>>
        tpu.enqueue_indirect_dma source(%arg8 : memref<128x64xf32, #tpu.memory_space<vmem>>) target(%dma_start3A_220 : memref<10240x64xf32, #tpu.memory_space<vmem_shared>>) offsets(%dma_start3A_217 : memref<128xi32, #tpu.memory_space<vmem>>) semaphore(%run_scoped3A_214 : memref<!tpu.dma_semaphore, #tpu.memory_space<semaphore_mem>>) {add = true}
        %dma_wait3A_221 = arith.constant 0 : i32
        %dma_wait3A_222 = tpu.memref_slice %arg7[%add3A_107, %dma_wait3A_221] : memref<160x128xi32, #tpu.memory_space<vmem>> -> memref<1x128xi32, #tpu.memory_space<vmem>>
        %dma_wait3A_223 = tpu.memref_squeeze %dma_wait3A_222 : memref<1x128xi32, #tpu.memory_space<vmem>> -> memref<128xi32, #tpu.memory_space<vmem>>
        %dma_wait3A_224 = arith.constant 0 : i32
        %dma_wait3A_225 = arith.constant 0 : i32
        %dma_wait3A_226 = tpu.memref_slice %arg13[%dma_wait3A_224, %dma_wait3A_225] : memref<10240x64xf32, #tpu.memory_space<vmem_shared>> -> memref<10240x64xf32, #tpu.memory_space<vmem_shared>>
        tpu.wait_indirect_dma semaphore(%run_scoped3A_214 : memref<!tpu.dma_semaphore, #tpu.memory_space<semaphore_mem>>) src(%arg8 : memref<128x64xf32, #tpu.memory_space<vmem>>) dst(%dma_wait3A_226 : memref<10240x64xf32, #tpu.memory_space<vmem_shared>>)
        tpu.yield
      }) : () -> ()
      %add3A_116 = arith.constant 5 : i32
      %add3A_117 = arith.addi %add3A_107, %add3A_116 : i32
      %dma_start3A_118 = arith.constant 0 : i32
      %dma_start3A_119 = tpu.memref_slice %arg6[%add3A_117, %dma_start3A_118] : memref<160x128xi32, #tpu.memory_space<vmem>> -> memref<1x128xi32, #tpu.memory_space<vmem>>
      %dma_start3A_120 = tpu.memref_squeeze %dma_start3A_119 : memref<1x128xi32, #tpu.memory_space<vmem>> -> memref<128xi32, #tpu.memory_space<vmem>>
      %dma_start3A_121 = arith.constant 0 : i32
      %dma_start3A_122 = tpu.memref_slice %arg2[%mul3A_0, %dma_start3A_121] : memref<20480x64xf32, #tpu.memory_space<hbm>> -> memref<10240x64xf32, #tpu.memory_space<hbm>>
      %dma_start3A_123 = arith.constant 0 : i32
      %dma_start3A_124 = arith.constant 0 : i32
      %dma_start3A_125 = tpu.memref_slice %dma_start3A_122[%dma_start3A_123, %dma_start3A_124] : memref<10240x64xf32, #tpu.memory_space<hbm>> -> memref<10240x64xf32, #tpu.memory_space<hbm>>
      tpu.enqueue_indirect_dma source(%dma_start3A_125 : memref<10240x64xf32, #tpu.memory_space<hbm>>) target(%arg8 : memref<128x64xf32, #tpu.memory_space<vmem>>) offsets(%dma_start3A_120 : memref<128xi32, #tpu.memory_space<vmem>>) semaphore(%arg14 : memref<!tpu.dma_semaphore, #tpu.memory_space<semaphore_mem>>)
      %mul3A_126 = arith.constant 5 : i32
      %mul3A_127 = arith.muli %scan3A_103, %mul3A_126 : i32
      %add3A_128 = arith.constant 1 : i32
      %add3A_129 = arith.addi %mul3A_127, %add3A_128 : i32
      %dma_wait3A_130 = arith.constant 0 : i32
      %dma_wait3A_131 = tpu.memref_slice %arg6[%add3A_129, %dma_wait3A_130] : memref<160x128xi32, #tpu.memory_space<vmem>> -> memref<1x128xi32, #tpu.memory_space<vmem>>
      %dma_wait3A_132 = tpu.memref_squeeze %dma_wait3A_131 : memref<1x128xi32, #tpu.memory_space<vmem>> -> memref<128xi32, #tpu.memory_space<vmem>>
      %dma_wait3A_133 = arith.constant 0 : i32
      %dma_wait3A_134 = tpu.memref_slice %arg2[%mul3A_0, %dma_wait3A_133] : memref<20480x64xf32, #tpu.memory_space<hbm>> -> memref<10240x64xf32, #tpu.memory_space<hbm>>
      %dma_wait3A_135 = arith.constant 0 : i32
      %dma_wait3A_136 = arith.constant 0 : i32
      %dma_wait3A_137 = tpu.memref_slice %dma_wait3A_134[%dma_wait3A_135, %dma_wait3A_136] : memref<10240x64xf32, #tpu.memory_space<hbm>> -> memref<10240x64xf32, #tpu.memory_space<hbm>>
      tpu.wait_indirect_dma semaphore(%arg15 : memref<!tpu.dma_semaphore, #tpu.memory_space<semaphore_mem>>) src(%dma_wait3A_137 : memref<10240x64xf32, #tpu.memory_space<hbm>>) dst(%arg9 : memref<128x64xf32, #tpu.memory_space<vmem>>)
      "tpu.region"() ({
        %run_scoped3A_214 = tpu.sem_alloc : memref<!tpu.dma_semaphore, #tpu.memory_space<semaphore_mem>>
        %dma_start3A_215 = arith.constant 0 : i32
        %dma_start3A_216 = tpu.memref_slice %arg7[%add3A_129, %dma_start3A_215] : memref<160x128xi32, #tpu.memory_space<vmem>> -> memref<1x128xi32, #tpu.memory_space<vmem>>
        %dma_start3A_217 = tpu.memref_squeeze %dma_start3A_216 : memref<1x128xi32, #tpu.memory_space<vmem>> -> memref<128xi32, #tpu.memory_space<vmem>>
        %dma_start3A_218 = arith.constant 0 : i32
        %dma_start3A_219 = arith.constant 0 : i32
        %dma_start3A_220 = tpu.memref_slice %arg13[%dma_start3A_218, %dma_start3A_219] : memref<10240x64xf32, #tpu.memory_space<vmem_shared>> -> memref<10240x64xf32, #tpu.memory_space<vmem_shared>>
        tpu.enqueue_indirect_dma source(%arg9 : memref<128x64xf32, #tpu.memory_space<vmem>>) target(%dma_start3A_220 : memref<10240x64xf32, #tpu.memory_space<vmem_shared>>) offsets(%dma_start3A_217 : memref<128xi32, #tpu.memory_space<vmem>>) semaphore(%run_scoped3A_214 : memref<!tpu.dma_semaphore, #tpu.memory_space<semaphore_mem>>) {add = true}
        %dma_wait3A_221 = arith.constant 0 : i32
        %dma_wait3A_222 = tpu.memref_slice %arg7[%add3A_129, %dma_wait3A_221] : memref<160x128xi32, #tpu.memory_space<vmem>> -> memref<1x128xi32, #tpu.memory_space<vmem>>
        %dma_wait3A_223 = tpu.memref_squeeze %dma_wait3A_222 : memref<1x128xi32, #tpu.memory_space<vmem>> -> memref<128xi32, #tpu.memory_space<vmem>>
        %dma_wait3A_224 = arith.constant 0 : i32
        %dma_wait3A_225 = arith.constant 0 : i32
        %dma_wait3A_226 = tpu.memref_slice %arg13[%dma_wait3A_224, %dma_wait3A_225] : memref<10240x64xf32, #tpu.memory_space<vmem_shared>> -> memref<10240x64xf32, #tpu.memory_space<vmem_shared>>
        tpu.wait_indirect_dma semaphore(%run_scoped3A_214 : memref<!tpu.dma_semaphore, #tpu.memory_space<semaphore_mem>>) src(%arg9 : memref<128x64xf32, #tpu.memory_space<vmem>>) dst(%dma_wait3A_226 : memref<10240x64xf32, #tpu.memory_space<vmem_shared>>)
        tpu.yield
      }) : () -> ()
      %add3A_138 = arith.constant 5 : i32
      %add3A_139 = arith.addi %add3A_129, %add3A_138 : i32
      %dma_start3A_140 = arith.constant 0 : i32
      %dma_start3A_141 = tpu.memref_slice %arg6[%add3A_139, %dma_start3A_140] : memref<160x128xi32, #tpu.memory_space<vmem>> -> memref<1x128xi32, #tpu.memory_space<vmem>>
      %dma_start3A_142 = tpu.memref_squeeze %dma_start3A_141 : memref<1x128xi32, #tpu.memory_space<vmem>> -> memref<128xi32, #tpu.memory_space<vmem>>
      %dma_start3A_143 = arith.constant 0 : i32
      %dma_start3A_144 = tpu.memref_slice %arg2[%mul3A_0, %dma_start3A_143] : memref<20480x64xf32, #tpu.memory_space<hbm>> -> memref<10240x64xf32, #tpu.memory_space<hbm>>
      %dma_start3A_145 = arith.constant 0 : i32
      %dma_start3A_146 = arith.constant 0 : i32
      %dma_start3A_147 = tpu.memref_slice %dma_start3A_144[%dma_start3A_145, %dma_start3A_146] : memref<10240x64xf32, #tpu.memory_space<hbm>> -> memref<10240x64xf32, #tpu.memory_space<hbm>>
      tpu.enqueue_indirect_dma source(%dma_start3A_147 : memref<10240x64xf32, #tpu.memory_space<hbm>>) target(%arg9 : memref<128x64xf32, #tpu.memory_space<vmem>>) offsets(%dma_start3A_142 : memref<128xi32, #tpu.memory_space<vmem>>) semaphore(%arg15 : memref<!tpu.dma_semaphore, #tpu.memory_space<semaphore_mem>>)
      %mul3A_148 = arith.constant 5 : i32
      %mul3A_149 = arith.muli %scan3A_103, %mul3A_148 : i32
      %add3A_150 = arith.constant 2 : i32
      %add3A_151 = arith.addi %mul3A_149, %add3A_150 : i32
      %dma_wait3A_152 = arith.constant 0 : i32
      %dma_wait3A_153 = tpu.memref_slice %arg6[%add3A_151, %dma_wait3A_152] : memref<160x128xi32, #tpu.memory_space<vmem>> -> memref<1x128xi32, #tpu.memory_space<vmem>>
      %dma_wait3A_154 = tpu.memref_squeeze %dma_wait3A_153 : memref<1x128xi32, #tpu.memory_space<vmem>> -> memref<128xi32, #tpu.memory_space<vmem>>
      %dma_wait3A_155 = arith.constant 0 : i32
      %dma_wait3A_156 = tpu.memref_slice %arg2[%mul3A_0, %dma_wait3A_155] : memref<20480x64xf32, #tpu.memory_space<hbm>> -> memref<10240x64xf32, #tpu.memory_space<hbm>>
      %dma_wait3A_157 = arith.constant 0 : i32
      %dma_wait3A_158 = arith.constant 0 : i32
      %dma_wait3A_159 = tpu.memref_slice %dma_wait3A_156[%dma_wait3A_157, %dma_wait3A_158] : memref<10240x64xf32, #tpu.memory_space<hbm>> -> memref<10240x64xf32, #tpu.memory_space<hbm>>
      tpu.wait_indirect_dma semaphore(%arg16 : memref<!tpu.dma_semaphore, #tpu.memory_space<semaphore_mem>>) src(%dma_wait3A_159 : memref<10240x64xf32, #tpu.memory_space<hbm>>) dst(%arg10 : memref<128x64xf32, #tpu.memory_space<vmem>>)
      "tpu.region"() ({
        %run_scoped3A_214 = tpu.sem_alloc : memref<!tpu.dma_semaphore, #tpu.memory_space<semaphore_mem>>
        %dma_start3A_215 = arith.constant 0 : i32
        %dma_start3A_216 = tpu.memref_slice %arg7[%add3A_151, %dma_start3A_215] : memref<160x128xi32, #tpu.memory_space<vmem>> -> memref<1x128xi32, #tpu.memory_space<vmem>>
        %dma_start3A_217 = tpu.memref_squeeze %dma_start3A_216 : memref<1x128xi32, #tpu.memory_space<vmem>> -> memref<128xi32, #tpu.memory_space<vmem>>
        %dma_start3A_218 = arith.constant 0 : i32
        %dma_start3A_219 = arith.constant 0 : i32
        %dma_start3A_220 = tpu.memref_slice %arg13[%dma_start3A_218, %dma_start3A_219] : memref<10240x64xf32, #tpu.memory_space<vmem_shared>> -> memref<10240x64xf32, #tpu.memory_space<vmem_shared>>
        tpu.enqueue_indirect_dma source(%arg10 : memref<128x64xf32, #tpu.memory_space<vmem>>) target(%dma_start3A_220 : memref<10240x64xf32, #tpu.memory_space<vmem_shared>>) offsets(%dma_start3A_217 : memref<128xi32, #tpu.memory_space<vmem>>) semaphore(%run_scoped3A_214 : memref<!tpu.dma_semaphore, #tpu.memory_space<semaphore_mem>>) {add = true}
        %dma_wait3A_221 = arith.constant 0 : i32
        %dma_wait3A_222 = tpu.memref_slice %arg7[%add3A_151, %dma_wait3A_221] : memref<160x128xi32, #tpu.memory_space<vmem>> -> memref<1x128xi32, #tpu.memory_space<vmem>>
        %dma_wait3A_223 = tpu.memref_squeeze %dma_wait3A_222 : memref<1x128xi32, #tpu.memory_space<vmem>> -> memref<128xi32, #tpu.memory_space<vmem>>
        %dma_wait3A_224 = arith.constant 0 : i32
        %dma_wait3A_225 = arith.constant 0 : i32
        %dma_wait3A_226 = tpu.memref_slice %arg13[%dma_wait3A_224, %dma_wait3A_225] : memref<10240x64xf32, #tpu.memory_space<vmem_shared>> -> memref<10240x64xf32, #tpu.memory_space<vmem_shared>>
        tpu.wait_indirect_dma semaphore(%run_scoped3A_214 : memref<!tpu.dma_semaphore, #tpu.memory_space<semaphore_mem>>) src(%arg10 : memref<128x64xf32, #tpu.memory_space<vmem>>) dst(%dma_wait3A_226 : memref<10240x64xf32, #tpu.memory_space<vmem_shared>>)
        tpu.yield
      }) : () -> ()
      %add3A_160 = arith.constant 5 : i32
      %add3A_161 = arith.addi %add3A_151, %add3A_160 : i32
      %dma_start3A_162 = arith.constant 0 : i32
      %dma_start3A_163 = tpu.memref_slice %arg6[%add3A_161, %dma_start3A_162] : memref<160x128xi32, #tpu.memory_space<vmem>> -> memref<1x128xi32, #tpu.memory_space<vmem>>
      %dma_start3A_164 = tpu.memref_squeeze %dma_start3A_163 : memref<1x128xi32, #tpu.memory_space<vmem>> -> memref<128xi32, #tpu.memory_space<vmem>>
      %dma_start3A_165 = arith.constant 0 : i32
      %dma_start3A_166 = tpu.memref_slice %arg2[%mul3A_0, %dma_start3A_165] : memref<20480x64xf32, #tpu.memory_space<hbm>> -> memref<10240x64xf32, #tpu.memory_space<hbm>>
      %dma_start3A_167 = arith.constant 0 : i32
      %dma_start3A_168 = arith.constant 0 : i32
      %dma_start3A_169 = tpu.memref_slice %dma_start3A_166[%dma_start3A_167, %dma_start3A_168] : memref<10240x64xf32, #tpu.memory_space<hbm>> -> memref<10240x64xf32, #tpu.memory_space<hbm>>
      tpu.enqueue_indirect_dma source(%dma_start3A_169 : memref<10240x64xf32, #tpu.memory_space<hbm>>) target(%arg10 : memref<128x64xf32, #tpu.memory_space<vmem>>) offsets(%dma_start3A_164 : memref<128xi32, #tpu.memory_space<vmem>>) semaphore(%arg16 : memref<!tpu.dma_semaphore, #tpu.memory_space<semaphore_mem>>)
      %mul3A_170 = arith.constant 5 : i32
      %mul3A_171 = arith.muli %scan3A_103, %mul3A_170 : i32
      %add3A_172 = arith.constant 3 : i32
      %add3A_173 = arith.addi %mul3A_171, %add3A_172 : i32
      %dma_wait3A_174 = arith.constant 0 : i32
      %dma_wait3A_175 = tpu.memref_slice %arg6[%add3A_173, %dma_wait3A_174] : memref<160x128xi32, #tpu.memory_space<vmem>> -> memref<1x128xi32, #tpu.memory_space<vmem>>
      %dma_wait3A_176 = tpu.memref_squeeze %dma_wait3A_175 : memref<1x128xi32, #tpu.memory_space<vmem>> -> memref<128xi32, #tpu.memory_space<vmem>>
      %dma_wait3A_177 = arith.constant 0 : i32
      %dma_wait3A_178 = tpu.memref_slice %arg2[%mul3A_0, %dma_wait3A_177] : memref<20480x64xf32, #tpu.memory_space<hbm>> -> memref<10240x64xf32, #tpu.memory_space<hbm>>
      %dma_wait3A_179 = arith.constant 0 : i32
      %dma_wait3A_180 = arith.constant 0 : i32
      %dma_wait3A_181 = tpu.memref_slice %dma_wait3A_178[%dma_wait3A_179, %dma_wait3A_180] : memref<10240x64xf32, #tpu.memory_space<hbm>> -> memref<10240x64xf32, #tpu.memory_space<hbm>>
      tpu.wait_indirect_dma semaphore(%arg17 : memref<!tpu.dma_semaphore, #tpu.memory_space<semaphore_mem>>) src(%dma_wait3A_181 : memref<10240x64xf32, #tpu.memory_space<hbm>>) dst(%arg11 : memref<128x64xf32, #tpu.memory_space<vmem>>)
      "tpu.region"() ({
        %run_scoped3A_214 = tpu.sem_alloc : memref<!tpu.dma_semaphore, #tpu.memory_space<semaphore_mem>>
        %dma_start3A_215 = arith.constant 0 : i32
        %dma_start3A_216 = tpu.memref_slice %arg7[%add3A_173, %dma_start3A_215] : memref<160x128xi32, #tpu.memory_space<vmem>> -> memref<1x128xi32, #tpu.memory_space<vmem>>
        %dma_start3A_217 = tpu.memref_squeeze %dma_start3A_216 : memref<1x128xi32, #tpu.memory_space<vmem>> -> memref<128xi32, #tpu.memory_space<vmem>>
        %dma_start3A_218 = arith.constant 0 : i32
        %dma_start3A_219 = arith.constant 0 : i32
        %dma_start3A_220 = tpu.memref_slice %arg13[%dma_start3A_218, %dma_start3A_219] : memref<10240x64xf32, #tpu.memory_space<vmem_shared>> -> memref<10240x64xf32, #tpu.memory_space<vmem_shared>>
        tpu.enqueue_indirect_dma source(%arg11 : memref<128x64xf32, #tpu.memory_space<vmem>>) target(%dma_start3A_220 : memref<10240x64xf32, #tpu.memory_space<vmem_shared>>) offsets(%dma_start3A_217 : memref<128xi32, #tpu.memory_space<vmem>>) semaphore(%run_scoped3A_214 : memref<!tpu.dma_semaphore, #tpu.memory_space<semaphore_mem>>) {add = true}
        %dma_wait3A_221 = arith.constant 0 : i32
        %dma_wait3A_222 = tpu.memref_slice %arg7[%add3A_173, %dma_wait3A_221] : memref<160x128xi32, #tpu.memory_space<vmem>> -> memref<1x128xi32, #tpu.memory_space<vmem>>
        %dma_wait3A_223 = tpu.memref_squeeze %dma_wait3A_222 : memref<1x128xi32, #tpu.memory_space<vmem>> -> memref<128xi32, #tpu.memory_space<vmem>>
        %dma_wait3A_224 = arith.constant 0 : i32
        %dma_wait3A_225 = arith.constant 0 : i32
        %dma_wait3A_226 = tpu.memref_slice %arg13[%dma_wait3A_224, %dma_wait3A_225] : memref<10240x64xf32, #tpu.memory_space<vmem_shared>> -> memref<10240x64xf32, #tpu.memory_space<vmem_shared>>
        tpu.wait_indirect_dma semaphore(%run_scoped3A_214 : memref<!tpu.dma_semaphore, #tpu.memory_space<semaphore_mem>>) src(%arg11 : memref<128x64xf32, #tpu.memory_space<vmem>>) dst(%dma_wait3A_226 : memref<10240x64xf32, #tpu.memory_space<vmem_shared>>)
        tpu.yield
      }) : () -> ()
      %add3A_182 = arith.constant 5 : i32
      %add3A_183 = arith.addi %add3A_173, %add3A_182 : i32
      %dma_start3A_184 = arith.constant 0 : i32
      %dma_start3A_185 = tpu.memref_slice %arg6[%add3A_183, %dma_start3A_184] : memref<160x128xi32, #tpu.memory_space<vmem>> -> memref<1x128xi32, #tpu.memory_space<vmem>>
      %dma_start3A_186 = tpu.memref_squeeze %dma_start3A_185 : memref<1x128xi32, #tpu.memory_space<vmem>> -> memref<128xi32, #tpu.memory_space<vmem>>
      %dma_start3A_187 = arith.constant 0 : i32
      %dma_start3A_188 = tpu.memref_slice %arg2[%mul3A_0, %dma_start3A_187] : memref<20480x64xf32, #tpu.memory_space<hbm>> -> memref<10240x64xf32, #tpu.memory_space<hbm>>
      %dma_start3A_189 = arith.constant 0 : i32
      %dma_start3A_190 = arith.constant 0 : i32
      %dma_start3A_191 = tpu.memref_slice %dma_start3A_188[%dma_start3A_189, %dma_start3A_190] : memref<10240x64xf32, #tpu.memory_space<hbm>> -> memref<10240x64xf32, #tpu.memory_space<hbm>>
      tpu.enqueue_indirect_dma source(%dma_start3A_191 : memref<10240x64xf32, #tpu.memory_space<hbm>>) target(%arg11 : memref<128x64xf32, #tpu.memory_space<vmem>>) offsets(%dma_start3A_186 : memref<128xi32, #tpu.memory_space<vmem>>) semaphore(%arg17 : memref<!tpu.dma_semaphore, #tpu.memory_space<semaphore_mem>>)
      %mul3A_192 = arith.constant 5 : i32
      %mul3A_193 = arith.muli %scan3A_103, %mul3A_192 : i32
      %add3A_194 = arith.constant 4 : i32
      %add3A_195 = arith.addi %mul3A_193, %add3A_194 : i32
      %dma_wait3A_196 = arith.constant 0 : i32
      %dma_wait3A_197 = tpu.memref_slice %arg6[%add3A_195, %dma_wait3A_196] : memref<160x128xi32, #tpu.memory_space<vmem>> -> memref<1x128xi32, #tpu.memory_space<vmem>>
      %dma_wait3A_198 = tpu.memref_squeeze %dma_wait3A_197 : memref<1x128xi32, #tpu.memory_space<vmem>> -> memref<128xi32, #tpu.memory_space<vmem>>
      %dma_wait3A_199 = arith.constant 0 : i32
      %dma_wait3A_200 = tpu.memref_slice %arg2[%mul3A_0, %dma_wait3A_199] : memref<20480x64xf32, #tpu.memory_space<hbm>> -> memref<10240x64xf32, #tpu.memory_space<hbm>>
      %dma_wait3A_201 = arith.constant 0 : i32
      %dma_wait3A_202 = arith.constant 0 : i32
      %dma_wait3A_203 = tpu.memref_slice %dma_wait3A_200[%dma_wait3A_201, %dma_wait3A_202] : memref<10240x64xf32, #tpu.memory_space<hbm>> -> memref<10240x64xf32, #tpu.memory_space<hbm>>
      tpu.wait_indirect_dma semaphore(%arg18 : memref<!tpu.dma_semaphore, #tpu.memory_space<semaphore_mem>>) src(%dma_wait3A_203 : memref<10240x64xf32, #tpu.memory_space<hbm>>) dst(%arg12 : memref<128x64xf32, #tpu.memory_space<vmem>>)
      "tpu.region"() ({
        %run_scoped3A_214 = tpu.sem_alloc : memref<!tpu.dma_semaphore, #tpu.memory_space<semaphore_mem>>
        %dma_start3A_215 = arith.constant 0 : i32
        %dma_start3A_216 = tpu.memref_slice %arg7[%add3A_195, %dma_start3A_215] : memref<160x128xi32, #tpu.memory_space<vmem>> -> memref<1x128xi32, #tpu.memory_space<vmem>>
        %dma_start3A_217 = tpu.memref_squeeze %dma_start3A_216 : memref<1x128xi32, #tpu.memory_space<vmem>> -> memref<128xi32, #tpu.memory_space<vmem>>
        %dma_start3A_218 = arith.constant 0 : i32
        %dma_start3A_219 = arith.constant 0 : i32
        %dma_start3A_220 = tpu.memref_slice %arg13[%dma_start3A_218, %dma_start3A_219] : memref<10240x64xf32, #tpu.memory_space<vmem_shared>> -> memref<10240x64xf32, #tpu.memory_space<vmem_shared>>
        tpu.enqueue_indirect_dma source(%arg12 : memref<128x64xf32, #tpu.memory_space<vmem>>) target(%dma_start3A_220 : memref<10240x64xf32, #tpu.memory_space<vmem_shared>>) offsets(%dma_start3A_217 : memref<128xi32, #tpu.memory_space<vmem>>) semaphore(%run_scoped3A_214 : memref<!tpu.dma_semaphore, #tpu.memory_space<semaphore_mem>>) {add = true}
        %dma_wait3A_221 = arith.constant 0 : i32
        %dma_wait3A_222 = tpu.memref_slice %arg7[%add3A_195, %dma_wait3A_221] : memref<160x128xi32, #tpu.memory_space<vmem>> -> memref<1x128xi32, #tpu.memory_space<vmem>>
        %dma_wait3A_223 = tpu.memref_squeeze %dma_wait3A_222 : memref<1x128xi32, #tpu.memory_space<vmem>> -> memref<128xi32, #tpu.memory_space<vmem>>
        %dma_wait3A_224 = arith.constant 0 : i32
        %dma_wait3A_225 = arith.constant 0 : i32
        %dma_wait3A_226 = tpu.memref_slice %arg13[%dma_wait3A_224, %dma_wait3A_225] : memref<10240x64xf32, #tpu.memory_space<vmem_shared>> -> memref<10240x64xf32, #tpu.memory_space<vmem_shared>>
        tpu.wait_indirect_dma semaphore(%run_scoped3A_214 : memref<!tpu.dma_semaphore, #tpu.memory_space<semaphore_mem>>) src(%arg12 : memref<128x64xf32, #tpu.memory_space<vmem>>) dst(%dma_wait3A_226 : memref<10240x64xf32, #tpu.memory_space<vmem_shared>>)
        tpu.yield
      }) : () -> ()
      %add3A_204 = arith.constant 5 : i32
      %add3A_205 = arith.addi %add3A_195, %add3A_204 : i32
      %dma_start3A_206 = arith.constant 0 : i32
      %dma_start3A_207 = tpu.memref_slice %arg6[%add3A_205, %dma_start3A_206] : memref<160x128xi32, #tpu.memory_space<vmem>> -> memref<1x128xi32, #tpu.memory_space<vmem>>
      %dma_start3A_208 = tpu.memref_squeeze %dma_start3A_207 : memref<1x128xi32, #tpu.memory_space<vmem>> -> memref<128xi32, #tpu.memory_space<vmem>>
      %dma_start3A_209 = arith.constant 0 : i32
      %dma_start3A_210 = tpu.memref_slice %arg2[%mul3A_0, %dma_start3A_209] : memref<20480x64xf32, #tpu.memory_space<hbm>> -> memref<10240x64xf32, #tpu.memory_space<hbm>>
      %dma_start3A_211 = arith.constant 0 : i32
      %dma_start3A_212 = arith.constant 0 : i32
      %dma_start3A_213 = tpu.memref_slice %dma_start3A_210[%dma_start3A_211, %dma_start3A_212] : memref<10240x64xf32, #tpu.memory_space<hbm>> -> memref<10240x64xf32, #tpu.memory_space<hbm>>
      tpu.enqueue_indirect_dma source(%dma_start3A_213 : memref<10240x64xf32, #tpu.memory_space<hbm>>) target(%arg12 : memref<128x64xf32, #tpu.memory_space<vmem>>) offsets(%dma_start3A_208 : memref<128xi32, #tpu.memory_space<vmem>>) semaphore(%arg18 : memref<!tpu.dma_semaphore, #tpu.memory_space<semaphore_mem>>)
    }
    %scan3A_53 = arith.constant 31 : i32
    %dma_wait3A = arith.constant 155 : i32
    %dma_wait3A_54 = arith.constant 0 : i32
    %dma_wait3A_55 = tpu.memref_slice %arg6[%dma_wait3A, %dma_wait3A_54] : memref<160x128xi32, #tpu.memory_space<vmem>> -> memref<1x128xi32, #tpu.memory_space<vmem>>
    %dma_wait3A_56 = tpu.memref_squeeze %dma_wait3A_55 : memref<1x128xi32, #tpu.memory_space<vmem>> -> memref<128xi32, #tpu.memory_space<vmem>>
    %dma_wait3A_57 = arith.constant 0 : i32
    %dma_wait3A_58 = tpu.memref_slice %arg2[%mul3A_0, %dma_wait3A_57] : memref<20480x64xf32, #tpu.memory_space<hbm>> -> memref<10240x64xf32, #tpu.memory_space<hbm>>
    %dma_wait3A_59 = arith.constant 0 : i32
    %dma_wait3A_60 = arith.constant 0 : i32
    %dma_wait3A_61 = tpu.memref_slice %dma_wait3A_58[%dma_wait3A_59, %dma_wait3A_60] : memref<10240x64xf32, #tpu.memory_space<hbm>> -> memref<10240x64xf32, #tpu.memory_space<hbm>>
    tpu.wait_indirect_dma semaphore(%arg14 : memref<!tpu.dma_semaphore, #tpu.memory_space<semaphore_mem>>) src(%dma_wait3A_61 : memref<10240x64xf32, #tpu.memory_space<hbm>>) dst(%arg8 : memref<128x64xf32, #tpu.memory_space<vmem>>)
    %run_scoped3A = arith.constant 155 : i32
    "tpu.region"() ({
      %run_scoped3A_103 = tpu.sem_alloc : memref<!tpu.dma_semaphore, #tpu.memory_space<semaphore_mem>>
      %dma_start3A_104 = arith.constant 0 : i32
      %dma_start3A_105 = tpu.memref_slice %arg7[%run_scoped3A, %dma_start3A_104] : memref<160x128xi32, #tpu.memory_space<vmem>> -> memref<1x128xi32, #tpu.memory_space<vmem>>
      %dma_start3A_106 = tpu.memref_squeeze %dma_start3A_105 : memref<1x128xi32, #tpu.memory_space<vmem>> -> memref<128xi32, #tpu.memory_space<vmem>>
      %dma_start3A_107 = arith.constant 0 : i32
      %dma_start3A_108 = arith.constant 0 : i32
      %dma_start3A_109 = tpu.memref_slice %arg13[%dma_start3A_107, %dma_start3A_108] : memref<10240x64xf32, #tpu.memory_space<vmem_shared>> -> memref<10240x64xf32, #tpu.memory_space<vmem_shared>>
      tpu.enqueue_indirect_dma source(%arg8 : memref<128x64xf32, #tpu.memory_space<vmem>>) target(%dma_start3A_109 : memref<10240x64xf32, #tpu.memory_space<vmem_shared>>) offsets(%dma_start3A_106 : memref<128xi32, #tpu.memory_space<vmem>>) semaphore(%run_scoped3A_103 : memref<!tpu.dma_semaphore, #tpu.memory_space<semaphore_mem>>) {add = true}
      %dma_wait3A_110 = arith.constant 0 : i32
      %dma_wait3A_111 = tpu.memref_slice %arg7[%run_scoped3A, %dma_wait3A_110] : memref<160x128xi32, #tpu.memory_space<vmem>> -> memref<1x128xi32, #tpu.memory_space<vmem>>
      %dma_wait3A_112 = tpu.memref_squeeze %dma_wait3A_111 : memref<1x128xi32, #tpu.memory_space<vmem>> -> memref<128xi32, #tpu.memory_space<vmem>>
      %dma_wait3A_113 = arith.constant 0 : i32
      %dma_wait3A_114 = arith.constant 0 : i32
      %dma_wait3A_115 = tpu.memref_slice %arg13[%dma_wait3A_113, %dma_wait3A_114] : memref<10240x64xf32, #tpu.memory_space<vmem_shared>> -> memref<10240x64xf32, #tpu.memory_space<vmem_shared>>
      tpu.wait_indirect_dma semaphore(%run_scoped3A_103 : memref<!tpu.dma_semaphore, #tpu.memory_space<semaphore_mem>>) src(%arg8 : memref<128x64xf32, #tpu.memory_space<vmem>>) dst(%dma_wait3A_115 : memref<10240x64xf32, #tpu.memory_space<vmem_shared>>)
      tpu.yield
    }) : () -> ()
    %dma_wait3A_62 = arith.constant 156 : i32
    %dma_wait3A_63 = arith.constant 0 : i32
    %dma_wait3A_64 = tpu.memref_slice %arg6[%dma_wait3A_62, %dma_wait3A_63] : memref<160x128xi32, #tpu.memory_space<vmem>> -> memref<1x128xi32, #tpu.memory_space<vmem>>
    %dma_wait3A_65 = tpu.memref_squeeze %dma_wait3A_64 : memref<1x128xi32, #tpu.memory_space<vmem>> -> memref<128xi32, #tpu.memory_space<vmem>>
    %dma_wait3A_66 = arith.constant 0 : i32
    %dma_wait3A_67 = tpu.memref_slice %arg2[%mul3A_0, %dma_wait3A_66] : memref<20480x64xf32, #tpu.memory_space<hbm>> -> memref<10240x64xf32, #tpu.memory_space<hbm>>
    %dma_wait3A_68 = arith.constant 0 : i32
    %dma_wait3A_69 = arith.constant 0 : i32
    %dma_wait3A_70 = tpu.memref_slice %dma_wait3A_67[%dma_wait3A_68, %dma_wait3A_69] : memref<10240x64xf32, #tpu.memory_space<hbm>> -> memref<10240x64xf32, #tpu.memory_space<hbm>>
    tpu.wait_indirect_dma semaphore(%arg15 : memref<!tpu.dma_semaphore, #tpu.memory_space<semaphore_mem>>) src(%dma_wait3A_70 : memref<10240x64xf32, #tpu.memory_space<hbm>>) dst(%arg9 : memref<128x64xf32, #tpu.memory_space<vmem>>)
    %run_scoped3A_71 = arith.constant 156 : i32
    "tpu.region"() ({
      %run_scoped3A_103 = tpu.sem_alloc : memref<!tpu.dma_semaphore, #tpu.memory_space<semaphore_mem>>
      %dma_start3A_104 = arith.constant 0 : i32
      %dma_start3A_105 = tpu.memref_slice %arg7[%run_scoped3A_71, %dma_start3A_104] : memref<160x128xi32, #tpu.memory_space<vmem>> -> memref<1x128xi32, #tpu.memory_space<vmem>>
      %dma_start3A_106 = tpu.memref_squeeze %dma_start3A_105 : memref<1x128xi32, #tpu.memory_space<vmem>> -> memref<128xi32, #tpu.memory_space<vmem>>
      %dma_start3A_107 = arith.constant 0 : i32
      %dma_start3A_108 = arith.constant 0 : i32
      %dma_start3A_109 = tpu.memref_slice %arg13[%dma_start3A_107, %dma_start3A_108] : memref<10240x64xf32, #tpu.memory_space<vmem_shared>> -> memref<10240x64xf32, #tpu.memory_space<vmem_shared>>
      tpu.enqueue_indirect_dma source(%arg9 : memref<128x64xf32, #tpu.memory_space<vmem>>) target(%dma_start3A_109 : memref<10240x64xf32, #tpu.memory_space<vmem_shared>>) offsets(%dma_start3A_106 : memref<128xi32, #tpu.memory_space<vmem>>) semaphore(%run_scoped3A_103 : memref<!tpu.dma_semaphore, #tpu.memory_space<semaphore_mem>>) {add = true}
      %dma_wait3A_110 = arith.constant 0 : i32
      %dma_wait3A_111 = tpu.memref_slice %arg7[%run_scoped3A_71, %dma_wait3A_110] : memref<160x128xi32, #tpu.memory_space<vmem>> -> memref<1x128xi32, #tpu.memory_space<vmem>>
      %dma_wait3A_112 = tpu.memref_squeeze %dma_wait3A_111 : memref<1x128xi32, #tpu.memory_space<vmem>> -> memref<128xi32, #tpu.memory_space<vmem>>
      %dma_wait3A_113 = arith.constant 0 : i32
      %dma_wait3A_114 = arith.constant 0 : i32
      %dma_wait3A_115 = tpu.memref_slice %arg13[%dma_wait3A_113, %dma_wait3A_114] : memref<10240x64xf32, #tpu.memory_space<vmem_shared>> -> memref<10240x64xf32, #tpu.memory_space<vmem_shared>>
      tpu.wait_indirect_dma semaphore(%run_scoped3A_103 : memref<!tpu.dma_semaphore, #tpu.memory_space<semaphore_mem>>) src(%arg9 : memref<128x64xf32, #tpu.memory_space<vmem>>) dst(%dma_wait3A_115 : memref<10240x64xf32, #tpu.memory_space<vmem_shared>>)
      tpu.yield
    }) : () -> ()
    %dma_wait3A_72 = arith.constant 157 : i32
    %dma_wait3A_73 = arith.constant 0 : i32
    %dma_wait3A_74 = tpu.memref_slice %arg6[%dma_wait3A_72, %dma_wait3A_73] : memref<160x128xi32, #tpu.memory_space<vmem>> -> memref<1x128xi32, #tpu.memory_space<vmem>>
    %dma_wait3A_75 = tpu.memref_squeeze %dma_wait3A_74 : memref<1x128xi32, #tpu.memory_space<vmem>> -> memref<128xi32, #tpu.memory_space<vmem>>
    %dma_wait3A_76 = arith.constant 0 : i32
    %dma_wait3A_77 = tpu.memref_slice %arg2[%mul3A_0, %dma_wait3A_76] : memref<20480x64xf32, #tpu.memory_space<hbm>> -> memref<10240x64xf32, #tpu.memory_space<hbm>>
    %dma_wait3A_78 = arith.constant 0 : i32
    %dma_wait3A_79 = arith.constant 0 : i32
    %dma_wait3A_80 = tpu.memref_slice %dma_wait3A_77[%dma_wait3A_78, %dma_wait3A_79] : memref<10240x64xf32, #tpu.memory_space<hbm>> -> memref<10240x64xf32, #tpu.memory_space<hbm>>
    tpu.wait_indirect_dma semaphore(%arg16 : memref<!tpu.dma_semaphore, #tpu.memory_space<semaphore_mem>>) src(%dma_wait3A_80 : memref<10240x64xf32, #tpu.memory_space<hbm>>) dst(%arg10 : memref<128x64xf32, #tpu.memory_space<vmem>>)
    %run_scoped3A_81 = arith.constant 157 : i32
    "tpu.region"() ({
      %run_scoped3A_103 = tpu.sem_alloc : memref<!tpu.dma_semaphore, #tpu.memory_space<semaphore_mem>>
      %dma_start3A_104 = arith.constant 0 : i32
      %dma_start3A_105 = tpu.memref_slice %arg7[%run_scoped3A_81, %dma_start3A_104] : memref<160x128xi32, #tpu.memory_space<vmem>> -> memref<1x128xi32, #tpu.memory_space<vmem>>
      %dma_start3A_106 = tpu.memref_squeeze %dma_start3A_105 : memref<1x128xi32, #tpu.memory_space<vmem>> -> memref<128xi32, #tpu.memory_space<vmem>>
      %dma_start3A_107 = arith.constant 0 : i32
      %dma_start3A_108 = arith.constant 0 : i32
      %dma_start3A_109 = tpu.memref_slice %arg13[%dma_start3A_107, %dma_start3A_108] : memref<10240x64xf32, #tpu.memory_space<vmem_shared>> -> memref<10240x64xf32, #tpu.memory_space<vmem_shared>>
      tpu.enqueue_indirect_dma source(%arg10 : memref<128x64xf32, #tpu.memory_space<vmem>>) target(%dma_start3A_109 : memref<10240x64xf32, #tpu.memory_space<vmem_shared>>) offsets(%dma_start3A_106 : memref<128xi32, #tpu.memory_space<vmem>>) semaphore(%run_scoped3A_103 : memref<!tpu.dma_semaphore, #tpu.memory_space<semaphore_mem>>) {add = true}
      %dma_wait3A_110 = arith.constant 0 : i32
      %dma_wait3A_111 = tpu.memref_slice %arg7[%run_scoped3A_81, %dma_wait3A_110] : memref<160x128xi32, #tpu.memory_space<vmem>> -> memref<1x128xi32, #tpu.memory_space<vmem>>
      %dma_wait3A_112 = tpu.memref_squeeze %dma_wait3A_111 : memref<1x128xi32, #tpu.memory_space<vmem>> -> memref<128xi32, #tpu.memory_space<vmem>>
      %dma_wait3A_113 = arith.constant 0 : i32
      %dma_wait3A_114 = arith.constant 0 : i32
      %dma_wait3A_115 = tpu.memref_slice %arg13[%dma_wait3A_113, %dma_wait3A_114] : memref<10240x64xf32, #tpu.memory_space<vmem_shared>> -> memref<10240x64xf32, #tpu.memory_space<vmem_shared>>
      tpu.wait_indirect_dma semaphore(%run_scoped3A_103 : memref<!tpu.dma_semaphore, #tpu.memory_space<semaphore_mem>>) src(%arg10 : memref<128x64xf32, #tpu.memory_space<vmem>>) dst(%dma_wait3A_115 : memref<10240x64xf32, #tpu.memory_space<vmem_shared>>)
      tpu.yield
    }) : () -> ()
    %dma_wait3A_82 = arith.constant 158 : i32
    %dma_wait3A_83 = arith.constant 0 : i32
    %dma_wait3A_84 = tpu.memref_slice %arg6[%dma_wait3A_82, %dma_wait3A_83] : memref<160x128xi32, #tpu.memory_space<vmem>> -> memref<1x128xi32, #tpu.memory_space<vmem>>
    %dma_wait3A_85 = tpu.memref_squeeze %dma_wait3A_84 : memref<1x128xi32, #tpu.memory_space<vmem>> -> memref<128xi32, #tpu.memory_space<vmem>>
    %dma_wait3A_86 = arith.constant 0 : i32
    %dma_wait3A_87 = tpu.memref_slice %arg2[%mul3A_0, %dma_wait3A_86] : memref<20480x64xf32, #tpu.memory_space<hbm>> -> memref<10240x64xf32, #tpu.memory_space<hbm>>
    %dma_wait3A_88 = arith.constant 0 : i32
    %dma_wait3A_89 = arith.constant 0 : i32
    %dma_wait3A_90 = tpu.memref_slice %dma_wait3A_87[%dma_wait3A_88, %dma_wait3A_89] : memref<10240x64xf32, #tpu.memory_space<hbm>> -> memref<10240x64xf32, #tpu.memory_space<hbm>>
    tpu.wait_indirect_dma semaphore(%arg17 : memref<!tpu.dma_semaphore, #tpu.memory_space<semaphore_mem>>) src(%dma_wait3A_90 : memref<10240x64xf32, #tpu.memory_space<hbm>>) dst(%arg11 : memref<128x64xf32, #tpu.memory_space<vmem>>)
    %run_scoped3A_91 = arith.constant 158 : i32
    "tpu.region"() ({
      %run_scoped3A_103 = tpu.sem_alloc : memref<!tpu.dma_semaphore, #tpu.memory_space<semaphore_mem>>
      %dma_start3A_104 = arith.constant 0 : i32
      %dma_start3A_105 = tpu.memref_slice %arg7[%run_scoped3A_91, %dma_start3A_104] : memref<160x128xi32, #tpu.memory_space<vmem>> -> memref<1x128xi32, #tpu.memory_space<vmem>>
      %dma_start3A_106 = tpu.memref_squeeze %dma_start3A_105 : memref<1x128xi32, #tpu.memory_space<vmem>> -> memref<128xi32, #tpu.memory_space<vmem>>
      %dma_start3A_107 = arith.constant 0 : i32
      %dma_start3A_108 = arith.constant 0 : i32
      %dma_start3A_109 = tpu.memref_slice %arg13[%dma_start3A_107, %dma_start3A_108] : memref<10240x64xf32, #tpu.memory_space<vmem_shared>> -> memref<10240x64xf32, #tpu.memory_space<vmem_shared>>
      tpu.enqueue_indirect_dma source(%arg11 : memref<128x64xf32, #tpu.memory_space<vmem>>) target(%dma_start3A_109 : memref<10240x64xf32, #tpu.memory_space<vmem_shared>>) offsets(%dma_start3A_106 : memref<128xi32, #tpu.memory_space<vmem>>) semaphore(%run_scoped3A_103 : memref<!tpu.dma_semaphore, #tpu.memory_space<semaphore_mem>>) {add = true}
      %dma_wait3A_110 = arith.constant 0 : i32
      %dma_wait3A_111 = tpu.memref_slice %arg7[%run_scoped3A_91, %dma_wait3A_110] : memref<160x128xi32, #tpu.memory_space<vmem>> -> memref<1x128xi32, #tpu.memory_space<vmem>>
      %dma_wait3A_112 = tpu.memref_squeeze %dma_wait3A_111 : memref<1x128xi32, #tpu.memory_space<vmem>> -> memref<128xi32, #tpu.memory_space<vmem>>
      %dma_wait3A_113 = arith.constant 0 : i32
      %dma_wait3A_114 = arith.constant 0 : i32
      %dma_wait3A_115 = tpu.memref_slice %arg13[%dma_wait3A_113, %dma_wait3A_114] : memref<10240x64xf32, #tpu.memory_space<vmem_shared>> -> memref<10240x64xf32, #tpu.memory_space<vmem_shared>>
      tpu.wait_indirect_dma semaphore(%run_scoped3A_103 : memref<!tpu.dma_semaphore, #tpu.memory_space<semaphore_mem>>) src(%arg11 : memref<128x64xf32, #tpu.memory_space<vmem>>) dst(%dma_wait3A_115 : memref<10240x64xf32, #tpu.memory_space<vmem_shared>>)
      tpu.yield
    }) : () -> ()
    %dma_wait3A_92 = arith.constant 159 : i32
    %dma_wait3A_93 = arith.constant 0 : i32
    %dma_wait3A_94 = tpu.memref_slice %arg6[%dma_wait3A_92, %dma_wait3A_93] : memref<160x128xi32, #tpu.memory_space<vmem>> -> memref<1x128xi32, #tpu.memory_space<vmem>>
    %dma_wait3A_95 = tpu.memref_squeeze %dma_wait3A_94 : memref<1x128xi32, #tpu.memory_space<vmem>> -> memref<128xi32, #tpu.memory_space<vmem>>
    %dma_wait3A_96 = arith.constant 0 : i32
    %dma_wait3A_97 = tpu.memref_slice %arg2[%mul3A_0, %dma_wait3A_96] : memref<20480x64xf32, #tpu.memory_space<hbm>> -> memref<10240x64xf32, #tpu.memory_space<hbm>>
    %dma_wait3A_98 = arith.constant 0 : i32
    %dma_wait3A_99 = arith.constant 0 : i32
    %dma_wait3A_100 = tpu.memref_slice %dma_wait3A_97[%dma_wait3A_98, %dma_wait3A_99] : memref<10240x64xf32, #tpu.memory_space<hbm>> -> memref<10240x64xf32, #tpu.memory_space<hbm>>
    tpu.wait_indirect_dma semaphore(%arg18 : memref<!tpu.dma_semaphore, #tpu.memory_space<semaphore_mem>>) src(%dma_wait3A_100 : memref<10240x64xf32, #tpu.memory_space<hbm>>) dst(%arg12 : memref<128x64xf32, #tpu.memory_space<vmem>>)
    %run_scoped3A_101 = arith.constant 159 : i32
    "tpu.region"() ({
      %run_scoped3A_103 = tpu.sem_alloc : memref<!tpu.dma_semaphore, #tpu.memory_space<semaphore_mem>>
      %dma_start3A_104 = arith.constant 0 : i32
      %dma_start3A_105 = tpu.memref_slice %arg7[%run_scoped3A_101, %dma_start3A_104] : memref<160x128xi32, #tpu.memory_space<vmem>> -> memref<1x128xi32, #tpu.memory_space<vmem>>
      %dma_start3A_106 = tpu.memref_squeeze %dma_start3A_105 : memref<1x128xi32, #tpu.memory_space<vmem>> -> memref<128xi32, #tpu.memory_space<vmem>>
      %dma_start3A_107 = arith.constant 0 : i32
      %dma_start3A_108 = arith.constant 0 : i32
      %dma_start3A_109 = tpu.memref_slice %arg13[%dma_start3A_107, %dma_start3A_108] : memref<10240x64xf32, #tpu.memory_space<vmem_shared>> -> memref<10240x64xf32, #tpu.memory_space<vmem_shared>>
      tpu.enqueue_indirect_dma source(%arg12 : memref<128x64xf32, #tpu.memory_space<vmem>>) target(%dma_start3A_109 : memref<10240x64xf32, #tpu.memory_space<vmem_shared>>) offsets(%dma_start3A_106 : memref<128xi32, #tpu.memory_space<vmem>>) semaphore(%run_scoped3A_103 : memref<!tpu.dma_semaphore, #tpu.memory_space<semaphore_mem>>) {add = true}
      %dma_wait3A_110 = arith.constant 0 : i32
      %dma_wait3A_111 = tpu.memref_slice %arg7[%run_scoped3A_101, %dma_wait3A_110] : memref<160x128xi32, #tpu.memory_space<vmem>> -> memref<1x128xi32, #tpu.memory_space<vmem>>
      %dma_wait3A_112 = tpu.memref_squeeze %dma_wait3A_111 : memref<1x128xi32, #tpu.memory_space<vmem>> -> memref<128xi32, #tpu.memory_space<vmem>>
      %dma_wait3A_113 = arith.constant 0 : i32
      %dma_wait3A_114 = arith.constant 0 : i32
      %dma_wait3A_115 = tpu.memref_slice %arg13[%dma_wait3A_113, %dma_wait3A_114] : memref<10240x64xf32, #tpu.memory_space<vmem_shared>> -> memref<10240x64xf32, #tpu.memory_space<vmem_shared>>
      tpu.wait_indirect_dma semaphore(%run_scoped3A_103 : memref<!tpu.dma_semaphore, #tpu.memory_space<semaphore_mem>>) src(%arg12 : memref<128x64xf32, #tpu.memory_space<vmem>>) dst(%dma_wait3A_115 : memref<10240x64xf32, #tpu.memory_space<vmem_shared>>)
      tpu.yield
    }) : () -> ()
    %barrier3A_102 = arith.constant 0 : index
    tpu.barrier barrier_id(%barrier3A_102)
    "tpu.region"() ({
      %run_scoped3A_103 = tpu.sem_alloc : memref<!tpu.dma_semaphore, #tpu.memory_space<semaphore_mem>>
      %dma_start3A_104 = arith.constant 0 : i32
      %dma_start3A_105 = tpu.memref_slice %arg5[%arg0, %mul3A_2, %dma_start3A_104] : memref<2x10240x64xf32, #tpu.memory_space<hbm>> -> memref<1x640x64xf32, #tpu.memory_space<hbm>>
      %dma_start3A_106 = tpu.memref_squeeze %dma_start3A_105 : memref<1x640x64xf32, #tpu.memory_space<hbm>> -> memref<640x64xf32, #tpu.memory_space<hbm>>
      %dma_start3A_107 = arith.constant 0 : i32
      %dma_start3A_108 = tpu.memref_slice %arg13[%mul3A_2, %dma_start3A_107] : memref<10240x64xf32, #tpu.memory_space<vmem_shared>> -> memref<640x64xf32, #tpu.memory_space<vmem_shared>>
      tpu.enqueue_dma source(%dma_start3A_108 : memref<640x64xf32, #tpu.memory_space<vmem_shared>>) target(%dma_start3A_106 : memref<640x64xf32, #tpu.memory_space<hbm>>) target_semaphore(%run_scoped3A_103 : memref<!tpu.dma_semaphore, #tpu.memory_space<semaphore_mem>>)
      %dma_wait3A_109 = arith.constant 0 : i32
      %dma_wait3A_110 = tpu.memref_slice %arg5[%arg0, %mul3A_2, %dma_wait3A_109] : memref<2x10240x64xf32, #tpu.memory_space<hbm>> -> memref<1x640x64xf32, #tpu.memory_space<hbm>>
      %dma_wait3A_111 = tpu.memref_squeeze %dma_wait3A_110 : memref<1x640x64xf32, #tpu.memory_space<hbm>> -> memref<640x64xf32, #tpu.memory_space<hbm>>
      %dma_wait3A_112 = arith.constant 0 : i32
      %dma_wait3A_113 = tpu.memref_slice %arg13[%mul3A_2, %dma_wait3A_112] : memref<10240x64xf32, #tpu.memory_space<vmem_shared>> -> memref<640x64xf32, #tpu.memory_space<vmem_shared>>
      tpu.wait_dma2 semaphore(%run_scoped3A_103 : memref<!tpu.dma_semaphore, #tpu.memory_space<semaphore_mem>>) src(%dma_wait3A_113 : memref<640x64xf32, #tpu.memory_space<vmem_shared>>) dst(%dma_wait3A_111 : memref<640x64xf32, #tpu.memory_space<hbm>>)
      tpu.yield
    }) : () -> ()
    return
  }
}

#map = affine_map<(d0, d1) -> (0, 0)>
#map1 = affine_map<(d0, d1) -> (0, 0, 0)>
module attributes {stable_mosaic.version = 14 : i64} {
  func.func @_scatter_kernel(%arg0: i32, %arg1: i32, %arg2: memref<20480x64xf32, #tpu.memory_space<hbm>>, %arg3: memref<16x160x128xi32, #tpu.memory_space<hbm>>, %arg4: memref<16x160x128xi32, #tpu.memory_space<hbm>>, %arg5: memref<2x10240x64xf32, #tpu.memory_space<hbm>>, %arg6: memref<160x128xi32, #tpu.memory_space<vmem>>, %arg7: memref<160x128xi32, #tpu.memory_space<vmem>>, %arg8: memref<128x64xf32, #tpu.memory_space<vmem>>, %arg9: memref<128x64xf32, #tpu.memory_space<vmem>>, %arg10: memref<128x64xf32, #tpu.memory_space<vmem>>, %arg11: memref<128x64xf32, #tpu.memory_space<vmem>>, %arg12: memref<128x64xf32, #tpu.memory_space<vmem>>, %arg13: memref<10240x64xf32, #tpu.memory_space<vmem_shared>>, %arg14: memref<!tpu.dma_semaphore, #tpu.memory_space<semaphore_mem>>, %arg15: memref<!tpu.dma_semaphore, #tpu.memory_space<semaphore_mem>>, %arg16: memref<!tpu.dma_semaphore, #tpu.memory_space<semaphore_mem>>, %arg17: memref<!tpu.dma_semaphore, #tpu.memory_space<semaphore_mem>>, %arg18: memref<!tpu.dma_semaphore, #tpu.memory_space<semaphore_mem>>) attributes {dimension_semantics = [#tpu.dimension_semantics<core_parallel>, #tpu.dimension_semantics<subcore_parallel>], iteration_bounds = array<i64: 2, 16>, scalar_prefetch = 0 : i64, scratch_operands = 13 : i64, tpu.core_type = #tpu.core_type<sc_vector_subcore>, window_params = [{transform_indices = #map}, {transform_indices = #map1}, {transform_indices = #map1}, {transform_indices = #map1}]} {
    %mul3A = arith.constant 10240 : i32
    %mul3A_0 = arith.muli %arg0, %mul3A : i32
    "tpu.region"() ({
      %run_scoped3A_103 = tpu.sem_alloc : memref<!tpu.dma_semaphore, #tpu.memory_space<semaphore_mem>>
      %dma_start3A_104 = arith.constant 0 : i32
      %dma_start3A_105 = arith.constant 0 : i32
      %dma_start3A_106 = tpu.memref_slice %arg3[%arg1, %dma_start3A_104, %dma_start3A_105] : memref<16x160x128xi32, #tpu.memory_space<hbm>> -> memref<1x160x128xi32, #tpu.memory_space<hbm>>
      %dma_start3A_107 = tpu.memref_squeeze %dma_start3A_106 : memref<1x160x128xi32, #tpu.memory_space<hbm>> -> memref<160x128xi32, #tpu.memory_space<hbm>>
      %dma_start3A_108 = arith.constant 0 : i32
      %dma_start3A_109 = arith.constant 0 : i32
      %dma_start3A_110 = tpu.memref_slice %arg3[%arg1, %dma_start3A_108, %dma_start3A_109] : memref<16x160x128xi32, #tpu.memory_space<hbm>> -> memref<1x160x128xi32, #tpu.memory_space<hbm>>
      %dma_start3A_111 = tpu.memref_squeeze %dma_start3A_110 : memref<1x160x128xi32, #tpu.memory_space<hbm>> -> memref<160x128xi32, #tpu.memory_space<hbm>>
      tpu.enqueue_dma source(%dma_start3A_111 : memref<160x128xi32, #tpu.memory_space<hbm>>) target(%arg6 : memref<160x128xi32, #tpu.memory_space<vmem>>) target_semaphore(%run_scoped3A_103 : memref<!tpu.dma_semaphore, #tpu.memory_space<semaphore_mem>>)
      %dma_wait3A_112 = arith.constant 0 : i32
      %dma_wait3A_113 = arith.constant 0 : i32
      %dma_wait3A_114 = tpu.memref_slice %arg3[%arg1, %dma_wait3A_112, %dma_wait3A_113] : memref<16x160x128xi32, #tpu.memory_space<hbm>> -> memref<1x160x128xi32, #tpu.memory_space<hbm>>
      %dma_wait3A_115 = tpu.memref_squeeze %dma_wait3A_114 : memref<1x160x128xi32, #tpu.memory_space<hbm>> -> memref<160x128xi32, #tpu.memory_space<hbm>>
      %dma_wait3A_116 = arith.constant 0 : i32
      %dma_wait3A_117 = arith.constant 0 : i32
      %dma_wait3A_118 = tpu.memref_slice %arg3[%arg1, %dma_wait3A_116, %dma_wait3A_117] : memref<16x160x128xi32, #tpu.memory_space<hbm>> -> memref<1x160x128xi32, #tpu.memory_space<hbm>>
      %dma_wait3A_119 = tpu.memref_squeeze %dma_wait3A_118 : memref<1x160x128xi32, #tpu.memory_space<hbm>> -> memref<160x128xi32, #tpu.memory_space<hbm>>
      tpu.wait_dma2 semaphore(%run_scoped3A_103 : memref<!tpu.dma_semaphore, #tpu.memory_space<semaphore_mem>>) src(%dma_wait3A_119 : memref<160x128xi32, #tpu.memory_space<hbm>>) dst(%arg6 : memref<160x128xi32, #tpu.memory_space<vmem>>)
      tpu.yield
    }) : () -> ()
    "tpu.region"() ({
      %run_scoped3A_103 = tpu.sem_alloc : memref<!tpu.dma_semaphore, #tpu.memory_space<semaphore_mem>>
      %dma_start3A_104 = arith.constant 0 : i32
      %dma_start3A_105 = arith.constant 0 : i32
      %dma_start3A_106 = tpu.memref_slice %arg4[%arg1, %dma_start3A_104, %dma_start3A_105] : memref<16x160x128xi32, #tpu.memory_space<hbm>> -> memref<1x160x128xi32, #tpu.memory_space<hbm>>
      %dma_start3A_107 = tpu.memref_squeeze %dma_start3A_106 : memref<1x160x128xi32, #tpu.memory_space<hbm>> -> memref<160x128xi32, #tpu.memory_space<hbm>>
      %dma_start3A_108 = arith.constant 0 : i32
      %dma_start3A_109 = arith.constant 0 : i32
      %dma_start3A_110 = tpu.memref_slice %arg4[%arg1, %dma_start3A_108, %dma_start3A_109] : memref<16x160x128xi32, #tpu.memory_space<hbm>> -> memref<1x160x128xi32, #tpu.memory_space<hbm>>
      %dma_start3A_111 = tpu.memref_squeeze %dma_start3A_110 : memref<1x160x128xi32, #tpu.memory_space<hbm>> -> memref<160x128xi32, #tpu.memory_space<hbm>>
      tpu.enqueue_dma source(%dma_start3A_111 : memref<160x128xi32, #tpu.memory_space<hbm>>) target(%arg7 : memref<160x128xi32, #tpu.memory_space<vmem>>) target_semaphore(%run_scoped3A_103 : memref<!tpu.dma_semaphore, #tpu.memory_space<semaphore_mem>>)
      %dma_wait3A_112 = arith.constant 0 : i32
      %dma_wait3A_113 = arith.constant 0 : i32
      %dma_wait3A_114 = tpu.memref_slice %arg4[%arg1, %dma_wait3A_112, %dma_wait3A_113] : memref<16x160x128xi32, #tpu.memory_space<hbm>> -> memref<1x160x128xi32, #tpu.memory_space<hbm>>
      %dma_wait3A_115 = tpu.memref_squeeze %dma_wait3A_114 : memref<1x160x128xi32, #tpu.memory_space<hbm>> -> memref<160x128xi32, #tpu.memory_space<hbm>>
      %dma_wait3A_116 = arith.constant 0 : i32
      %dma_wait3A_117 = arith.constant 0 : i32
      %dma_wait3A_118 = tpu.memref_slice %arg4[%arg1, %dma_wait3A_116, %dma_wait3A_117] : memref<16x160x128xi32, #tpu.memory_space<hbm>> -> memref<1x160x128xi32, #tpu.memory_space<hbm>>
      %dma_wait3A_119 = tpu.memref_squeeze %dma_wait3A_118 : memref<1x160x128xi32, #tpu.memory_space<hbm>> -> memref<160x128xi32, #tpu.memory_space<hbm>>
      tpu.wait_dma2 semaphore(%run_scoped3A_103 : memref<!tpu.dma_semaphore, #tpu.memory_space<semaphore_mem>>) src(%dma_wait3A_119 : memref<160x128xi32, #tpu.memory_space<hbm>>) dst(%arg7 : memref<160x128xi32, #tpu.memory_space<vmem>>)
      tpu.yield
    }) : () -> ()
    %mul3A_1 = arith.constant 640 : i32
    %mul3A_2 = arith.muli %arg1, %mul3A_1 : i32
    %mul3A_3 = arith.constant 10240 : i32
    %mul3A_4 = arith.muli %arg0, %mul3A_3 : i32
    %add3A = arith.addi %mul3A_4, %mul3A_2 : i32
    "tpu.region"() ({
      %run_scoped3A_103 = tpu.sem_alloc : memref<!tpu.dma_semaphore, #tpu.memory_space<semaphore_mem>>
      %dma_start3A_104 = arith.constant 0 : i32
      %dma_start3A_105 = tpu.memref_slice %arg13[%mul3A_2, %dma_start3A_104] : memref<10240x64xf32, #tpu.memory_space<vmem_shared>> -> memref<640x64xf32, #tpu.memory_space<vmem_shared>>
      %dma_start3A_106 = arith.constant 0 : i32
      %dma_start3A_107 = tpu.memref_slice %arg2[%add3A, %dma_start3A_106] : memref<20480x64xf32, #tpu.memory_space<hbm>> -> memref<640x64xf32, #tpu.memory_space<hbm>>
      tpu.enqueue_dma source(%dma_start3A_107 : memref<640x64xf32, #tpu.memory_space<hbm>>) target(%dma_start3A_105 : memref<640x64xf32, #tpu.memory_space<vmem_shared>>) target_semaphore(%run_scoped3A_103 : memref<!tpu.dma_semaphore, #tpu.memory_space<semaphore_mem>>)
      %dma_wait3A_108 = arith.constant 0 : i32
      %dma_wait3A_109 = tpu.memref_slice %arg13[%mul3A_2, %dma_wait3A_108] : memref<10240x64xf32, #tpu.memory_space<vmem_shared>> -> memref<640x64xf32, #tpu.memory_space<vmem_shared>>
      %dma_wait3A_110 = arith.constant 0 : i32
      %dma_wait3A_111 = tpu.memref_slice %arg2[%add3A, %dma_wait3A_110] : memref<20480x64xf32, #tpu.memory_space<hbm>> -> memref<640x64xf32, #tpu.memory_space<hbm>>
      tpu.wait_dma2 semaphore(%run_scoped3A_103 : memref<!tpu.dma_semaphore, #tpu.memory_space<semaphore_mem>>) src(%dma_wait3A_111 : memref<640x64xf32, #tpu.memory_space<hbm>>) dst(%dma_wait3A_109 : memref<640x64xf32, #tpu.memory_space<vmem_shared>>)
      tpu.yield
    }) : () -> ()
    %barrier3A = arith.constant 0 : index
    tpu.barrier barrier_id(%barrier3A)
    %dma_start3A = arith.constant 0 : i32
    %dma_start3A_5 = arith.constant 0 : i32
    %dma_start3A_6 = tpu.memref_slice %arg6[%dma_start3A, %dma_start3A_5] : memref<160x128xi32, #tpu.memory_space<vmem>> -> memref<1x128xi32, #tpu.memory_space<vmem>>
    %dma_start3A_7 = tpu.memref_squeeze %dma_start3A_6 : memref<1x128xi32, #tpu.memory_space<vmem>> -> memref<128xi32, #tpu.memory_space<vmem>>
    %dma_start3A_8 = arith.constant 0 : i32
    %dma_start3A_9 = tpu.memref_slice %arg2[%mul3A_0, %dma_start3A_8] : memref<20480x64xf32, #tpu.memory_space<hbm>> -> memref<10240x64xf32, #tpu.memory_space<hbm>>
    %dma_start3A_10 = arith.constant 0 : i32
    %dma_start3A_11 = arith.constant 0 : i32
    %dma_start3A_12 = tpu.memref_slice %dma_start3A_9[%dma_start3A_10, %dma_start3A_11] : memref<10240x64xf32, #tpu.memory_space<hbm>> -> memref<10240x64xf32, #tpu.memory_space<hbm>>
    tpu.enqueue_indirect_dma source(%dma_start3A_12 : memref<10240x64xf32, #tpu.memory_space<hbm>>) target(%arg8 : memref<128x64xf32, #tpu.memory_space<vmem>>) offsets(%dma_start3A_7 : memref<128xi32, #tpu.memory_space<vmem>>) semaphore(%arg14 : memref<!tpu.dma_semaphore, #tpu.memory_space<semaphore_mem>>)
    %dma_start3A_13 = arith.constant 1 : i32
    %dma_start3A_14 = arith.constant 0 : i32
    %dma_start3A_15 = tpu.memref_slice %arg6[%dma_start3A_13, %dma_start3A_14] : memref<160x128xi32, #tpu.memory_space<vmem>> -> memref<1x128xi32, #tpu.memory_space<vmem>>
    %dma_start3A_16 = tpu.memref_squeeze %dma_start3A_15 : memref<1x128xi32, #tpu.memory_space<vmem>> -> memref<128xi32, #tpu.memory_space<vmem>>
    %dma_start3A_17 = arith.constant 0 : i32
    %dma_start3A_18 = tpu.memref_slice %arg2[%mul3A_0, %dma_start3A_17] : memref<20480x64xf32, #tpu.memory_space<hbm>> -> memref<10240x64xf32, #tpu.memory_space<hbm>>
    %dma_start3A_19 = arith.constant 0 : i32
    %dma_start3A_20 = arith.constant 0 : i32
    %dma_start3A_21 = tpu.memref_slice %dma_start3A_18[%dma_start3A_19, %dma_start3A_20] : memref<10240x64xf32, #tpu.memory_space<hbm>> -> memref<10240x64xf32, #tpu.memory_space<hbm>>
    tpu.enqueue_indirect_dma source(%dma_start3A_21 : memref<10240x64xf32, #tpu.memory_space<hbm>>) target(%arg9 : memref<128x64xf32, #tpu.memory_space<vmem>>) offsets(%dma_start3A_16 : memref<128xi32, #tpu.memory_space<vmem>>) semaphore(%arg15 : memref<!tpu.dma_semaphore, #tpu.memory_space<semaphore_mem>>)
    %dma_start3A_22 = arith.constant 2 : i32
    %dma_start3A_23 = arith.constant 0 : i32
    %dma_start3A_24 = tpu.memref_slice %arg6[%dma_start3A_22, %dma_start3A_23] : memref<160x128xi32, #tpu.memory_space<vmem>> -> memref<1x128xi32, #tpu.memory_space<vmem>>
    %dma_start3A_25 = tpu.memref_squeeze %dma_start3A_24 : memref<1x128xi32, #tpu.memory_space<vmem>> -> memref<128xi32, #tpu.memory_space<vmem>>
    %dma_start3A_26 = arith.constant 0 : i32
    %dma_start3A_27 = tpu.memref_slice %arg2[%mul3A_0, %dma_start3A_26] : memref<20480x64xf32, #tpu.memory_space<hbm>> -> memref<10240x64xf32, #tpu.memory_space<hbm>>
    %dma_start3A_28 = arith.constant 0 : i32
    %dma_start3A_29 = arith.constant 0 : i32
    %dma_start3A_30 = tpu.memref_slice %dma_start3A_27[%dma_start3A_28, %dma_start3A_29] : memref<10240x64xf32, #tpu.memory_space<hbm>> -> memref<10240x64xf32, #tpu.memory_space<hbm>>
    tpu.enqueue_indirect_dma source(%dma_start3A_30 : memref<10240x64xf32, #tpu.memory_space<hbm>>) target(%arg10 : memref<128x64xf32, #tpu.memory_space<vmem>>) offsets(%dma_start3A_25 : memref<128xi32, #tpu.memory_space<vmem>>) semaphore(%arg16 : memref<!tpu.dma_semaphore, #tpu.memory_space<semaphore_mem>>)
    %dma_start3A_31 = arith.constant 3 : i32
    %dma_start3A_32 = arith.constant 0 : i32
    %dma_start3A_33 = tpu.memref_slice %arg6[%dma_start3A_31, %dma_start3A_32] : memref<160x128xi32, #tpu.memory_space<vmem>> -> memref<1x128xi32, #tpu.memory_space<vmem>>
    %dma_start3A_34 = tpu.memref_squeeze %dma_start3A_33 : memref<1x128xi32, #tpu.memory_space<vmem>> -> memref<128xi32, #tpu.memory_space<vmem>>
    %dma_start3A_35 = arith.constant 0 : i32
    %dma_start3A_36 = tpu.memref_slice %arg2[%mul3A_0, %dma_start3A_35] : memref<20480x64xf32, #tpu.memory_space<hbm>> -> memref<10240x64xf32, #tpu.memory_space<hbm>>
    %dma_start3A_37 = arith.constant 0 : i32
    %dma_start3A_38 = arith.constant 0 : i32
    %dma_start3A_39 = tpu.memref_slice %dma_start3A_36[%dma_start3A_37, %dma_start3A_38] : memref<10240x64xf32, #tpu.memory_space<hbm>> -> memref<10240x64xf32, #tpu.memory_space<hbm>>
    tpu.enqueue_indirect_dma source(%dma_start3A_39 : memref<10240x64xf32, #tpu.memory_space<hbm>>) target(%arg11 : memref<128x64xf32, #tpu.memory_space<vmem>>) offsets(%dma_start3A_34 : memref<128xi32, #tpu.memory_space<vmem>>) semaphore(%arg17 : memref<!tpu.dma_semaphore, #tpu.memory_space<semaphore_mem>>)
    %dma_start3A_40 = arith.constant 4 : i32
    %dma_start3A_41 = arith.constant 0 : i32
    %dma_start3A_42 = tpu.memref_slice %arg6[%dma_start3A_40, %dma_start3A_41] : memref<160x128xi32, #tpu.memory_space<vmem>> -> memref<1x128xi32, #tpu.memory_space<vmem>>
    %dma_start3A_43 = tpu.memref_squeeze %dma_start3A_42 : memref<1x128xi32, #tpu.memory_space<vmem>> -> memref<128xi32, #tpu.memory_space<vmem>>
    %dma_start3A_44 = arith.constant 0 : i32
    %dma_start3A_45 = tpu.memref_slice %arg2[%mul3A_0, %dma_start3A_44] : memref<20480x64xf32, #tpu.memory_space<hbm>> -> memref<10240x64xf32, #tpu.memory_space<hbm>>
    %dma_start3A_46 = arith.constant 0 : i32
    %dma_start3A_47 = arith.constant 0 : i32
    %dma_start3A_48 = tpu.memref_slice %dma_start3A_45[%dma_start3A_46, %dma_start3A_47] : memref<10240x64xf32, #tpu.memory_space<hbm>> -> memref<10240x64xf32, #tpu.memory_space<hbm>>
    tpu.enqueue_indirect_dma source(%dma_start3A_48 : memref<10240x64xf32, #tpu.memory_space<hbm>>) target(%arg12 : memref<128x64xf32, #tpu.memory_space<vmem>>) offsets(%dma_start3A_43 : memref<128xi32, #tpu.memory_space<vmem>>) semaphore(%arg18 : memref<!tpu.dma_semaphore, #tpu.memory_space<semaphore_mem>>)
    %scan3A = arith.constant 0 : i32
    %scan3A_49 = arith.constant 0 : i32
    %scan3A_50 = arith.constant 31 : i32
    %scan3A_51 = arith.addi %scan3A_49, %scan3A_50 : i32
    %scan3A_52 = arith.constant 1 : i32
    scf.for %scan3A_103 = %scan3A_49 to %scan3A_51 step %scan3A_52  : i32 {
      %mul3A_104 = arith.constant 5 : i32
      %mul3A_105 = arith.muli %scan3A_103, %mul3A_104 : i32
      %add3A_106 = arith.constant 0 : i32
      %add3A_107 = arith.addi %mul3A_105, %add3A_106 : i32
      %dma_wait3A_108 = arith.constant 0 : i32
      %dma_wait3A_109 = tpu.memref_slice %arg6[%add3A_107, %dma_wait3A_108] : memref<160x128xi32, #tpu.memory_space<vmem>> -> memref<1x128xi32, #tpu.memory_space<vmem>>
      %dma_wait3A_110 = tpu.memref_squeeze %dma_wait3A_109 : memref<1x128xi32, #tpu.memory_space<vmem>> -> memref<128xi32, #tpu.memory_space<vmem>>
      %dma_wait3A_111 = arith.constant 0 : i32
      %dma_wait3A_112 = tpu.memref_slice %arg2[%mul3A_0, %dma_wait3A_111] : memref<20480x64xf32, #tpu.memory_space<hbm>> -> memref<10240x64xf32, #tpu.memory_space<hbm>>
      %dma_wait3A_113 = arith.constant 0 : i32
      %dma_wait3A_114 = arith.constant 0 : i32
      %dma_wait3A_115 = tpu.memref_slice %dma_wait3A_112[%dma_wait3A_113, %dma_wait3A_114] : memref<10240x64xf32, #tpu.memory_space<hbm>> -> memref<10240x64xf32, #tpu.memory_space<hbm>>
      tpu.wait_indirect_dma semaphore(%arg14 : memref<!tpu.dma_semaphore, #tpu.memory_space<semaphore_mem>>) src(%dma_wait3A_115 : memref<10240x64xf32, #tpu.memory_space<hbm>>) dst(%arg8 : memref<128x64xf32, #tpu.memory_space<vmem>>)
      "tpu.region"() ({
        %run_scoped3A_214 = tpu.sem_alloc : memref<!tpu.dma_semaphore, #tpu.memory_space<semaphore_mem>>
        %dma_start3A_215 = arith.constant 0 : i32
        %dma_start3A_216 = tpu.memref_slice %arg7[%add3A_107, %dma_start3A_215] : memref<160x128xi32, #tpu.memory_space<vmem>> -> memref<1x128xi32, #tpu.memory_space<vmem>>
        %dma_start3A_217 = tpu.memref_squeeze %dma_start3A_216 : memref<1x128xi32, #tpu.memory_space<vmem>> -> memref<128xi32, #tpu.memory_space<vmem>>
        %dma_start3A_218 = arith.constant 0 : i32
        %dma_start3A_219 = arith.constant 0 : i32
        %dma_start3A_220 = tpu.memref_slice %arg13[%dma_start3A_218, %dma_start3A_219] : memref<10240x64xf32, #tpu.memory_space<vmem_shared>> -> memref<10240x64xf32, #tpu.memory_space<vmem_shared>>
        tpu.enqueue_indirect_dma source(%arg8 : memref<128x64xf32, #tpu.memory_space<vmem>>) target(%dma_start3A_220 : memref<10240x64xf32, #tpu.memory_space<vmem_shared>>) offsets(%dma_start3A_217 : memref<128xi32, #tpu.memory_space<vmem>>) semaphore(%run_scoped3A_214 : memref<!tpu.dma_semaphore, #tpu.memory_space<semaphore_mem>>) {add = true}
        %dma_wait3A_221 = arith.constant 0 : i32
        %dma_wait3A_222 = tpu.memref_slice %arg7[%add3A_107, %dma_wait3A_221] : memref<160x128xi32, #tpu.memory_space<vmem>> -> memref<1x128xi32, #tpu.memory_space<vmem>>
        %dma_wait3A_223 = tpu.memref_squeeze %dma_wait3A_222 : memref<1x128xi32, #tpu.memory_space<vmem>> -> memref<128xi32, #tpu.memory_space<vmem>>
        %dma_wait3A_224 = arith.constant 0 : i32
        %dma_wait3A_225 = arith.constant 0 : i32
        %dma_wait3A_226 = tpu.memref_slice %arg13[%dma_wait3A_224, %dma_wait3A_225] : memref<10240x64xf32, #tpu.memory_space<vmem_shared>> -> memref<10240x64xf32, #tpu.memory_space<vmem_shared>>
        tpu.wait_indirect_dma semaphore(%run_scoped3A_214 : memref<!tpu.dma_semaphore, #tpu.memory_space<semaphore_mem>>) src(%arg8 : memref<128x64xf32, #tpu.memory_space<vmem>>) dst(%dma_wait3A_226 : memref<10240x64xf32, #tpu.memory_space<vmem_shared>>)
        tpu.yield
      }) : () -> ()
      %add3A_116 = arith.constant 5 : i32
      %add3A_117 = arith.addi %add3A_107, %add3A_116 : i32
      %dma_start3A_118 = arith.constant 0 : i32
      %dma_start3A_119 = tpu.memref_slice %arg6[%add3A_117, %dma_start3A_118] : memref<160x128xi32, #tpu.memory_space<vmem>> -> memref<1x128xi32, #tpu.memory_space<vmem>>
      %dma_start3A_120 = tpu.memref_squeeze %dma_start3A_119 : memref<1x128xi32, #tpu.memory_space<vmem>> -> memref<128xi32, #tpu.memory_space<vmem>>
      %dma_start3A_121 = arith.constant 0 : i32
      %dma_start3A_122 = tpu.memref_slice %arg2[%mul3A_0, %dma_start3A_121] : memref<20480x64xf32, #tpu.memory_space<hbm>> -> memref<10240x64xf32, #tpu.memory_space<hbm>>
      %dma_start3A_123 = arith.constant 0 : i32
      %dma_start3A_124 = arith.constant 0 : i32
      %dma_start3A_125 = tpu.memref_slice %dma_start3A_122[%dma_start3A_123, %dma_start3A_124] : memref<10240x64xf32, #tpu.memory_space<hbm>> -> memref<10240x64xf32, #tpu.memory_space<hbm>>
      tpu.enqueue_indirect_dma source(%dma_start3A_125 : memref<10240x64xf32, #tpu.memory_space<hbm>>) target(%arg8 : memref<128x64xf32, #tpu.memory_space<vmem>>) offsets(%dma_start3A_120 : memref<128xi32, #tpu.memory_space<vmem>>) semaphore(%arg14 : memref<!tpu.dma_semaphore, #tpu.memory_space<semaphore_mem>>)
      %mul3A_126 = arith.constant 5 : i32
      %mul3A_127 = arith.muli %scan3A_103, %mul3A_126 : i32
      %add3A_128 = arith.constant 1 : i32
      %add3A_129 = arith.addi %mul3A_127, %add3A_128 : i32
      %dma_wait3A_130 = arith.constant 0 : i32
      %dma_wait3A_131 = tpu.memref_slice %arg6[%add3A_129, %dma_wait3A_130] : memref<160x128xi32, #tpu.memory_space<vmem>> -> memref<1x128xi32, #tpu.memory_space<vmem>>
      %dma_wait3A_132 = tpu.memref_squeeze %dma_wait3A_131 : memref<1x128xi32, #tpu.memory_space<vmem>> -> memref<128xi32, #tpu.memory_space<vmem>>
      %dma_wait3A_133 = arith.constant 0 : i32
      %dma_wait3A_134 = tpu.memref_slice %arg2[%mul3A_0, %dma_wait3A_133] : memref<20480x64xf32, #tpu.memory_space<hbm>> -> memref<10240x64xf32, #tpu.memory_space<hbm>>
      %dma_wait3A_135 = arith.constant 0 : i32
      %dma_wait3A_136 = arith.constant 0 : i32
      %dma_wait3A_137 = tpu.memref_slice %dma_wait3A_134[%dma_wait3A_135, %dma_wait3A_136] : memref<10240x64xf32, #tpu.memory_space<hbm>> -> memref<10240x64xf32, #tpu.memory_space<hbm>>
      tpu.wait_indirect_dma semaphore(%arg15 : memref<!tpu.dma_semaphore, #tpu.memory_space<semaphore_mem>>) src(%dma_wait3A_137 : memref<10240x64xf32, #tpu.memory_space<hbm>>) dst(%arg9 : memref<128x64xf32, #tpu.memory_space<vmem>>)
      "tpu.region"() ({
        %run_scoped3A_214 = tpu.sem_alloc : memref<!tpu.dma_semaphore, #tpu.memory_space<semaphore_mem>>
        %dma_start3A_215 = arith.constant 0 : i32
        %dma_start3A_216 = tpu.memref_slice %arg7[%add3A_129, %dma_start3A_215] : memref<160x128xi32, #tpu.memory_space<vmem>> -> memref<1x128xi32, #tpu.memory_space<vmem>>
        %dma_start3A_217 = tpu.memref_squeeze %dma_start3A_216 : memref<1x128xi32, #tpu.memory_space<vmem>> -> memref<128xi32, #tpu.memory_space<vmem>>
        %dma_start3A_218 = arith.constant 0 : i32
        %dma_start3A_219 = arith.constant 0 : i32
        %dma_start3A_220 = tpu.memref_slice %arg13[%dma_start3A_218, %dma_start3A_219] : memref<10240x64xf32, #tpu.memory_space<vmem_shared>> -> memref<10240x64xf32, #tpu.memory_space<vmem_shared>>
        tpu.enqueue_indirect_dma source(%arg9 : memref<128x64xf32, #tpu.memory_space<vmem>>) target(%dma_start3A_220 : memref<10240x64xf32, #tpu.memory_space<vmem_shared>>) offsets(%dma_start3A_217 : memref<128xi32, #tpu.memory_space<vmem>>) semaphore(%run_scoped3A_214 : memref<!tpu.dma_semaphore, #tpu.memory_space<semaphore_mem>>) {add = true}
        %dma_wait3A_221 = arith.constant 0 : i32
        %dma_wait3A_222 = tpu.memref_slice %arg7[%add3A_129, %dma_wait3A_221] : memref<160x128xi32, #tpu.memory_space<vmem>> -> memref<1x128xi32, #tpu.memory_space<vmem>>
        %dma_wait3A_223 = tpu.memref_squeeze %dma_wait3A_222 : memref<1x128xi32, #tpu.memory_space<vmem>> -> memref<128xi32, #tpu.memory_space<vmem>>
        %dma_wait3A_224 = arith.constant 0 : i32
        %dma_wait3A_225 = arith.constant 0 : i32
        %dma_wait3A_226 = tpu.memref_slice %arg13[%dma_wait3A_224, %dma_wait3A_225] : memref<10240x64xf32, #tpu.memory_space<vmem_shared>> -> memref<10240x64xf32, #tpu.memory_space<vmem_shared>>
        tpu.wait_indirect_dma semaphore(%run_scoped3A_214 : memref<!tpu.dma_semaphore, #tpu.memory_space<semaphore_mem>>) src(%arg9 : memref<128x64xf32, #tpu.memory_space<vmem>>) dst(%dma_wait3A_226 : memref<10240x64xf32, #tpu.memory_space<vmem_shared>>)
        tpu.yield
      }) : () -> ()
      %add3A_138 = arith.constant 5 : i32
      %add3A_139 = arith.addi %add3A_129, %add3A_138 : i32
      %dma_start3A_140 = arith.constant 0 : i32
      %dma_start3A_141 = tpu.memref_slice %arg6[%add3A_139, %dma_start3A_140] : memref<160x128xi32, #tpu.memory_space<vmem>> -> memref<1x128xi32, #tpu.memory_space<vmem>>
      %dma_start3A_142 = tpu.memref_squeeze %dma_start3A_141 : memref<1x128xi32, #tpu.memory_space<vmem>> -> memref<128xi32, #tpu.memory_space<vmem>>
      %dma_start3A_143 = arith.constant 0 : i32
      %dma_start3A_144 = tpu.memref_slice %arg2[%mul3A_0, %dma_start3A_143] : memref<20480x64xf32, #tpu.memory_space<hbm>> -> memref<10240x64xf32, #tpu.memory_space<hbm>>
      %dma_start3A_145 = arith.constant 0 : i32
      %dma_start3A_146 = arith.constant 0 : i32
      %dma_start3A_147 = tpu.memref_slice %dma_start3A_144[%dma_start3A_145, %dma_start3A_146] : memref<10240x64xf32, #tpu.memory_space<hbm>> -> memref<10240x64xf32, #tpu.memory_space<hbm>>
      tpu.enqueue_indirect_dma source(%dma_start3A_147 : memref<10240x64xf32, #tpu.memory_space<hbm>>) target(%arg9 : memref<128x64xf32, #tpu.memory_space<vmem>>) offsets(%dma_start3A_142 : memref<128xi32, #tpu.memory_space<vmem>>) semaphore(%arg15 : memref<!tpu.dma_semaphore, #tpu.memory_space<semaphore_mem>>)
      %mul3A_148 = arith.constant 5 : i32
      %mul3A_149 = arith.muli %scan3A_103, %mul3A_148 : i32
      %add3A_150 = arith.constant 2 : i32
      %add3A_151 = arith.addi %mul3A_149, %add3A_150 : i32
      %dma_wait3A_152 = arith.constant 0 : i32
      %dma_wait3A_153 = tpu.memref_slice %arg6[%add3A_151, %dma_wait3A_152] : memref<160x128xi32, #tpu.memory_space<vmem>> -> memref<1x128xi32, #tpu.memory_space<vmem>>
      %dma_wait3A_154 = tpu.memref_squeeze %dma_wait3A_153 : memref<1x128xi32, #tpu.memory_space<vmem>> -> memref<128xi32, #tpu.memory_space<vmem>>
      %dma_wait3A_155 = arith.constant 0 : i32
      %dma_wait3A_156 = tpu.memref_slice %arg2[%mul3A_0, %dma_wait3A_155] : memref<20480x64xf32, #tpu.memory_space<hbm>> -> memref<10240x64xf32, #tpu.memory_space<hbm>>
      %dma_wait3A_157 = arith.constant 0 : i32
      %dma_wait3A_158 = arith.constant 0 : i32
      %dma_wait3A_159 = tpu.memref_slice %dma_wait3A_156[%dma_wait3A_157, %dma_wait3A_158] : memref<10240x64xf32, #tpu.memory_space<hbm>> -> memref<10240x64xf32, #tpu.memory_space<hbm>>
      tpu.wait_indirect_dma semaphore(%arg16 : memref<!tpu.dma_semaphore, #tpu.memory_space<semaphore_mem>>) src(%dma_wait3A_159 : memref<10240x64xf32, #tpu.memory_space<hbm>>) dst(%arg10 : memref<128x64xf32, #tpu.memory_space<vmem>>)
      "tpu.region"() ({
        %run_scoped3A_214 = tpu.sem_alloc : memref<!tpu.dma_semaphore, #tpu.memory_space<semaphore_mem>>
        %dma_start3A_215 = arith.constant 0 : i32
        %dma_start3A_216 = tpu.memref_slice %arg7[%add3A_151, %dma_start3A_215] : memref<160x128xi32, #tpu.memory_space<vmem>> -> memref<1x128xi32, #tpu.memory_space<vmem>>
        %dma_start3A_217 = tpu.memref_squeeze %dma_start3A_216 : memref<1x128xi32, #tpu.memory_space<vmem>> -> memref<128xi32, #tpu.memory_space<vmem>>
        %dma_start3A_218 = arith.constant 0 : i32
        %dma_start3A_219 = arith.constant 0 : i32
        %dma_start3A_220 = tpu.memref_slice %arg13[%dma_start3A_218, %dma_start3A_219] : memref<10240x64xf32, #tpu.memory_space<vmem_shared>> -> memref<10240x64xf32, #tpu.memory_space<vmem_shared>>
        tpu.enqueue_indirect_dma source(%arg10 : memref<128x64xf32, #tpu.memory_space<vmem>>) target(%dma_start3A_220 : memref<10240x64xf32, #tpu.memory_space<vmem_shared>>) offsets(%dma_start3A_217 : memref<128xi32, #tpu.memory_space<vmem>>) semaphore(%run_scoped3A_214 : memref<!tpu.dma_semaphore, #tpu.memory_space<semaphore_mem>>) {add = true}
        %dma_wait3A_221 = arith.constant 0 : i32
        %dma_wait3A_222 = tpu.memref_slice %arg7[%add3A_151, %dma_wait3A_221] : memref<160x128xi32, #tpu.memory_space<vmem>> -> memref<1x128xi32, #tpu.memory_space<vmem>>
        %dma_wait3A_223 = tpu.memref_squeeze %dma_wait3A_222 : memref<1x128xi32, #tpu.memory_space<vmem>> -> memref<128xi32, #tpu.memory_space<vmem>>
        %dma_wait3A_224 = arith.constant 0 : i32
        %dma_wait3A_225 = arith.constant 0 : i32
        %dma_wait3A_226 = tpu.memref_slice %arg13[%dma_wait3A_224, %dma_wait3A_225] : memref<10240x64xf32, #tpu.memory_space<vmem_shared>> -> memref<10240x64xf32, #tpu.memory_space<vmem_shared>>
        tpu.wait_indirect_dma semaphore(%run_scoped3A_214 : memref<!tpu.dma_semaphore, #tpu.memory_space<semaphore_mem>>) src(%arg10 : memref<128x64xf32, #tpu.memory_space<vmem>>) dst(%dma_wait3A_226 : memref<10240x64xf32, #tpu.memory_space<vmem_shared>>)
        tpu.yield
      }) : () -> ()
      %add3A_160 = arith.constant 5 : i32
      %add3A_161 = arith.addi %add3A_151, %add3A_160 : i32
      %dma_start3A_162 = arith.constant 0 : i32
      %dma_start3A_163 = tpu.memref_slice %arg6[%add3A_161, %dma_start3A_162] : memref<160x128xi32, #tpu.memory_space<vmem>> -> memref<1x128xi32, #tpu.memory_space<vmem>>
      %dma_start3A_164 = tpu.memref_squeeze %dma_start3A_163 : memref<1x128xi32, #tpu.memory_space<vmem>> -> memref<128xi32, #tpu.memory_space<vmem>>
      %dma_start3A_165 = arith.constant 0 : i32
      %dma_start3A_166 = tpu.memref_slice %arg2[%mul3A_0, %dma_start3A_165] : memref<20480x64xf32, #tpu.memory_space<hbm>> -> memref<10240x64xf32, #tpu.memory_space<hbm>>
      %dma_start3A_167 = arith.constant 0 : i32
      %dma_start3A_168 = arith.constant 0 : i32
      %dma_start3A_169 = tpu.memref_slice %dma_start3A_166[%dma_start3A_167, %dma_start3A_168] : memref<10240x64xf32, #tpu.memory_space<hbm>> -> memref<10240x64xf32, #tpu.memory_space<hbm>>
      tpu.enqueue_indirect_dma source(%dma_start3A_169 : memref<10240x64xf32, #tpu.memory_space<hbm>>) target(%arg10 : memref<128x64xf32, #tpu.memory_space<vmem>>) offsets(%dma_start3A_164 : memref<128xi32, #tpu.memory_space<vmem>>) semaphore(%arg16 : memref<!tpu.dma_semaphore, #tpu.memory_space<semaphore_mem>>)
      %mul3A_170 = arith.constant 5 : i32
      %mul3A_171 = arith.muli %scan3A_103, %mul3A_170 : i32
      %add3A_172 = arith.constant 3 : i32
      %add3A_173 = arith.addi %mul3A_171, %add3A_172 : i32
      %dma_wait3A_174 = arith.constant 0 : i32
      %dma_wait3A_175 = tpu.memref_slice %arg6[%add3A_173, %dma_wait3A_174] : memref<160x128xi32, #tpu.memory_space<vmem>> -> memref<1x128xi32, #tpu.memory_space<vmem>>
      %dma_wait3A_176 = tpu.memref_squeeze %dma_wait3A_175 : memref<1x128xi32, #tpu.memory_space<vmem>> -> memref<128xi32, #tpu.memory_space<vmem>>
      %dma_wait3A_177 = arith.constant 0 : i32
      %dma_wait3A_178 = tpu.memref_slice %arg2[%mul3A_0, %dma_wait3A_177] : memref<20480x64xf32, #tpu.memory_space<hbm>> -> memref<10240x64xf32, #tpu.memory_space<hbm>>
      %dma_wait3A_179 = arith.constant 0 : i32
      %dma_wait3A_180 = arith.constant 0 : i32
      %dma_wait3A_181 = tpu.memref_slice %dma_wait3A_178[%dma_wait3A_179, %dma_wait3A_180] : memref<10240x64xf32, #tpu.memory_space<hbm>> -> memref<10240x64xf32, #tpu.memory_space<hbm>>
      tpu.wait_indirect_dma semaphore(%arg17 : memref<!tpu.dma_semaphore, #tpu.memory_space<semaphore_mem>>) src(%dma_wait3A_181 : memref<10240x64xf32, #tpu.memory_space<hbm>>) dst(%arg11 : memref<128x64xf32, #tpu.memory_space<vmem>>)
      "tpu.region"() ({
        %run_scoped3A_214 = tpu.sem_alloc : memref<!tpu.dma_semaphore, #tpu.memory_space<semaphore_mem>>
        %dma_start3A_215 = arith.constant 0 : i32
        %dma_start3A_216 = tpu.memref_slice %arg7[%add3A_173, %dma_start3A_215] : memref<160x128xi32, #tpu.memory_space<vmem>> -> memref<1x128xi32, #tpu.memory_space<vmem>>
        %dma_start3A_217 = tpu.memref_squeeze %dma_start3A_216 : memref<1x128xi32, #tpu.memory_space<vmem>> -> memref<128xi32, #tpu.memory_space<vmem>>
        %dma_start3A_218 = arith.constant 0 : i32
        %dma_start3A_219 = arith.constant 0 : i32
        %dma_start3A_220 = tpu.memref_slice %arg13[%dma_start3A_218, %dma_start3A_219] : memref<10240x64xf32, #tpu.memory_space<vmem_shared>> -> memref<10240x64xf32, #tpu.memory_space<vmem_shared>>
        tpu.enqueue_indirect_dma source(%arg11 : memref<128x64xf32, #tpu.memory_space<vmem>>) target(%dma_start3A_220 : memref<10240x64xf32, #tpu.memory_space<vmem_shared>>) offsets(%dma_start3A_217 : memref<128xi32, #tpu.memory_space<vmem>>) semaphore(%run_scoped3A_214 : memref<!tpu.dma_semaphore, #tpu.memory_space<semaphore_mem>>) {add = true}
        %dma_wait3A_221 = arith.constant 0 : i32
        %dma_wait3A_222 = tpu.memref_slice %arg7[%add3A_173, %dma_wait3A_221] : memref<160x128xi32, #tpu.memory_space<vmem>> -> memref<1x128xi32, #tpu.memory_space<vmem>>
        %dma_wait3A_223 = tpu.memref_squeeze %dma_wait3A_222 : memref<1x128xi32, #tpu.memory_space<vmem>> -> memref<128xi32, #tpu.memory_space<vmem>>
        %dma_wait3A_224 = arith.constant 0 : i32
        %dma_wait3A_225 = arith.constant 0 : i32
        %dma_wait3A_226 = tpu.memref_slice %arg13[%dma_wait3A_224, %dma_wait3A_225] : memref<10240x64xf32, #tpu.memory_space<vmem_shared>> -> memref<10240x64xf32, #tpu.memory_space<vmem_shared>>
        tpu.wait_indirect_dma semaphore(%run_scoped3A_214 : memref<!tpu.dma_semaphore, #tpu.memory_space<semaphore_mem>>) src(%arg11 : memref<128x64xf32, #tpu.memory_space<vmem>>) dst(%dma_wait3A_226 : memref<10240x64xf32, #tpu.memory_space<vmem_shared>>)
        tpu.yield
      }) : () -> ()
      %add3A_182 = arith.constant 5 : i32
      %add3A_183 = arith.addi %add3A_173, %add3A_182 : i32
      %dma_start3A_184 = arith.constant 0 : i32
      %dma_start3A_185 = tpu.memref_slice %arg6[%add3A_183, %dma_start3A_184] : memref<160x128xi32, #tpu.memory_space<vmem>> -> memref<1x128xi32, #tpu.memory_space<vmem>>
      %dma_start3A_186 = tpu.memref_squeeze %dma_start3A_185 : memref<1x128xi32, #tpu.memory_space<vmem>> -> memref<128xi32, #tpu.memory_space<vmem>>
      %dma_start3A_187 = arith.constant 0 : i32
      %dma_start3A_188 = tpu.memref_slice %arg2[%mul3A_0, %dma_start3A_187] : memref<20480x64xf32, #tpu.memory_space<hbm>> -> memref<10240x64xf32, #tpu.memory_space<hbm>>
      %dma_start3A_189 = arith.constant 0 : i32
      %dma_start3A_190 = arith.constant 0 : i32
      %dma_start3A_191 = tpu.memref_slice %dma_start3A_188[%dma_start3A_189, %dma_start3A_190] : memref<10240x64xf32, #tpu.memory_space<hbm>> -> memref<10240x64xf32, #tpu.memory_space<hbm>>
      tpu.enqueue_indirect_dma source(%dma_start3A_191 : memref<10240x64xf32, #tpu.memory_space<hbm>>) target(%arg11 : memref<128x64xf32, #tpu.memory_space<vmem>>) offsets(%dma_start3A_186 : memref<128xi32, #tpu.memory_space<vmem>>) semaphore(%arg17 : memref<!tpu.dma_semaphore, #tpu.memory_space<semaphore_mem>>)
      %mul3A_192 = arith.constant 5 : i32
      %mul3A_193 = arith.muli %scan3A_103, %mul3A_192 : i32
      %add3A_194 = arith.constant 4 : i32
      %add3A_195 = arith.addi %mul3A_193, %add3A_194 : i32
      %dma_wait3A_196 = arith.constant 0 : i32
      %dma_wait3A_197 = tpu.memref_slice %arg6[%add3A_195, %dma_wait3A_196] : memref<160x128xi32, #tpu.memory_space<vmem>> -> memref<1x128xi32, #tpu.memory_space<vmem>>
      %dma_wait3A_198 = tpu.memref_squeeze %dma_wait3A_197 : memref<1x128xi32, #tpu.memory_space<vmem>> -> memref<128xi32, #tpu.memory_space<vmem>>
      %dma_wait3A_199 = arith.constant 0 : i32
      %dma_wait3A_200 = tpu.memref_slice %arg2[%mul3A_0, %dma_wait3A_199] : memref<20480x64xf32, #tpu.memory_space<hbm>> -> memref<10240x64xf32, #tpu.memory_space<hbm>>
      %dma_wait3A_201 = arith.constant 0 : i32
      %dma_wait3A_202 = arith.constant 0 : i32
      %dma_wait3A_203 = tpu.memref_slice %dma_wait3A_200[%dma_wait3A_201, %dma_wait3A_202] : memref<10240x64xf32, #tpu.memory_space<hbm>> -> memref<10240x64xf32, #tpu.memory_space<hbm>>
      tpu.wait_indirect_dma semaphore(%arg18 : memref<!tpu.dma_semaphore, #tpu.memory_space<semaphore_mem>>) src(%dma_wait3A_203 : memref<10240x64xf32, #tpu.memory_space<hbm>>) dst(%arg12 : memref<128x64xf32, #tpu.memory_space<vmem>>)
      "tpu.region"() ({
        %run_scoped3A_214 = tpu.sem_alloc : memref<!tpu.dma_semaphore, #tpu.memory_space<semaphore_mem>>
        %dma_start3A_215 = arith.constant 0 : i32
        %dma_start3A_216 = tpu.memref_slice %arg7[%add3A_195, %dma_start3A_215] : memref<160x128xi32, #tpu.memory_space<vmem>> -> memref<1x128xi32, #tpu.memory_space<vmem>>
        %dma_start3A_217 = tpu.memref_squeeze %dma_start3A_216 : memref<1x128xi32, #tpu.memory_space<vmem>> -> memref<128xi32, #tpu.memory_space<vmem>>
        %dma_start3A_218 = arith.constant 0 : i32
        %dma_start3A_219 = arith.constant 0 : i32
        %dma_start3A_220 = tpu.memref_slice %arg13[%dma_start3A_218, %dma_start3A_219] : memref<10240x64xf32, #tpu.memory_space<vmem_shared>> -> memref<10240x64xf32, #tpu.memory_space<vmem_shared>>
        tpu.enqueue_indirect_dma source(%arg12 : memref<128x64xf32, #tpu.memory_space<vmem>>) target(%dma_start3A_220 : memref<10240x64xf32, #tpu.memory_space<vmem_shared>>) offsets(%dma_start3A_217 : memref<128xi32, #tpu.memory_space<vmem>>) semaphore(%run_scoped3A_214 : memref<!tpu.dma_semaphore, #tpu.memory_space<semaphore_mem>>) {add = true}
        %dma_wait3A_221 = arith.constant 0 : i32
        %dma_wait3A_222 = tpu.memref_slice %arg7[%add3A_195, %dma_wait3A_221] : memref<160x128xi32, #tpu.memory_space<vmem>> -> memref<1x128xi32, #tpu.memory_space<vmem>>
        %dma_wait3A_223 = tpu.memref_squeeze %dma_wait3A_222 : memref<1x128xi32, #tpu.memory_space<vmem>> -> memref<128xi32, #tpu.memory_space<vmem>>
        %dma_wait3A_224 = arith.constant 0 : i32
        %dma_wait3A_225 = arith.constant 0 : i32
        %dma_wait3A_226 = tpu.memref_slice %arg13[%dma_wait3A_224, %dma_wait3A_225] : memref<10240x64xf32, #tpu.memory_space<vmem_shared>> -> memref<10240x64xf32, #tpu.memory_space<vmem_shared>>
        tpu.wait_indirect_dma semaphore(%run_scoped3A_214 : memref<!tpu.dma_semaphore, #tpu.memory_space<semaphore_mem>>) src(%arg12 : memref<128x64xf32, #tpu.memory_space<vmem>>) dst(%dma_wait3A_226 : memref<10240x64xf32, #tpu.memory_space<vmem_shared>>)
        tpu.yield
      }) : () -> ()
      %add3A_204 = arith.constant 5 : i32
      %add3A_205 = arith.addi %add3A_195, %add3A_204 : i32
      %dma_start3A_206 = arith.constant 0 : i32
      %dma_start3A_207 = tpu.memref_slice %arg6[%add3A_205, %dma_start3A_206] : memref<160x128xi32, #tpu.memory_space<vmem>> -> memref<1x128xi32, #tpu.memory_space<vmem>>
      %dma_start3A_208 = tpu.memref_squeeze %dma_start3A_207 : memref<1x128xi32, #tpu.memory_space<vmem>> -> memref<128xi32, #tpu.memory_space<vmem>>
      %dma_start3A_209 = arith.constant 0 : i32
      %dma_start3A_210 = tpu.memref_slice %arg2[%mul3A_0, %dma_start3A_209] : memref<20480x64xf32, #tpu.memory_space<hbm>> -> memref<10240x64xf32, #tpu.memory_space<hbm>>
      %dma_start3A_211 = arith.constant 0 : i32
      %dma_start3A_212 = arith.constant 0 : i32
      %dma_start3A_213 = tpu.memref_slice %dma_start3A_210[%dma_start3A_211, %dma_start3A_212] : memref<10240x64xf32, #tpu.memory_space<hbm>> -> memref<10240x64xf32, #tpu.memory_space<hbm>>
      tpu.enqueue_indirect_dma source(%dma_start3A_213 : memref<10240x64xf32, #tpu.memory_space<hbm>>) target(%arg12 : memref<128x64xf32, #tpu.memory_space<vmem>>) offsets(%dma_start3A_208 : memref<128xi32, #tpu.memory_space<vmem>>) semaphore(%arg18 : memref<!tpu.dma_semaphore, #tpu.memory_space<semaphore_mem>>)
    }
    %scan3A_53 = arith.constant 31 : i32
    %dma_wait3A = arith.constant 155 : i32
    %dma_wait3A_54 = arith.constant 0 : i32
    %dma_wait3A_55 = tpu.memref_slice %arg6[%dma_wait3A, %dma_wait3A_54] : memref<160x128xi32, #tpu.memory_space<vmem>> -> memref<1x128xi32, #tpu.memory_space<vmem>>
    %dma_wait3A_56 = tpu.memref_squeeze %dma_wait3A_55 : memref<1x128xi32, #tpu.memory_space<vmem>> -> memref<128xi32, #tpu.memory_space<vmem>>
    %dma_wait3A_57 = arith.constant 0 : i32
    %dma_wait3A_58 = tpu.memref_slice %arg2[%mul3A_0, %dma_wait3A_57] : memref<20480x64xf32, #tpu.memory_space<hbm>> -> memref<10240x64xf32, #tpu.memory_space<hbm>>
    %dma_wait3A_59 = arith.constant 0 : i32
    %dma_wait3A_60 = arith.constant 0 : i32
    %dma_wait3A_61 = tpu.memref_slice %dma_wait3A_58[%dma_wait3A_59, %dma_wait3A_60] : memref<10240x64xf32, #tpu.memory_space<hbm>> -> memref<10240x64xf32, #tpu.memory_space<hbm>>
    tpu.wait_indirect_dma semaphore(%arg14 : memref<!tpu.dma_semaphore, #tpu.memory_space<semaphore_mem>>) src(%dma_wait3A_61 : memref<10240x64xf32, #tpu.memory_space<hbm>>) dst(%arg8 : memref<128x64xf32, #tpu.memory_space<vmem>>)
    %run_scoped3A = arith.constant 155 : i32
    "tpu.region"() ({
      %run_scoped3A_103 = tpu.sem_alloc : memref<!tpu.dma_semaphore, #tpu.memory_space<semaphore_mem>>
      %dma_start3A_104 = arith.constant 0 : i32
      %dma_start3A_105 = tpu.memref_slice %arg7[%run_scoped3A, %dma_start3A_104] : memref<160x128xi32, #tpu.memory_space<vmem>> -> memref<1x128xi32, #tpu.memory_space<vmem>>
      %dma_start3A_106 = tpu.memref_squeeze %dma_start3A_105 : memref<1x128xi32, #tpu.memory_space<vmem>> -> memref<128xi32, #tpu.memory_space<vmem>>
      %dma_start3A_107 = arith.constant 0 : i32
      %dma_start3A_108 = arith.constant 0 : i32
      %dma_start3A_109 = tpu.memref_slice %arg13[%dma_start3A_107, %dma_start3A_108] : memref<10240x64xf32, #tpu.memory_space<vmem_shared>> -> memref<10240x64xf32, #tpu.memory_space<vmem_shared>>
      tpu.enqueue_indirect_dma source(%arg8 : memref<128x64xf32, #tpu.memory_space<vmem>>) target(%dma_start3A_109 : memref<10240x64xf32, #tpu.memory_space<vmem_shared>>) offsets(%dma_start3A_106 : memref<128xi32, #tpu.memory_space<vmem>>) semaphore(%run_scoped3A_103 : memref<!tpu.dma_semaphore, #tpu.memory_space<semaphore_mem>>) {add = true}
      %dma_wait3A_110 = arith.constant 0 : i32
      %dma_wait3A_111 = tpu.memref_slice %arg7[%run_scoped3A, %dma_wait3A_110] : memref<160x128xi32, #tpu.memory_space<vmem>> -> memref<1x128xi32, #tpu.memory_space<vmem>>
      %dma_wait3A_112 = tpu.memref_squeeze %dma_wait3A_111 : memref<1x128xi32, #tpu.memory_space<vmem>> -> memref<128xi32, #tpu.memory_space<vmem>>
      %dma_wait3A_113 = arith.constant 0 : i32
      %dma_wait3A_114 = arith.constant 0 : i32
      %dma_wait3A_115 = tpu.memref_slice %arg13[%dma_wait3A_113, %dma_wait3A_114] : memref<10240x64xf32, #tpu.memory_space<vmem_shared>> -> memref<10240x64xf32, #tpu.memory_space<vmem_shared>>
      tpu.wait_indirect_dma semaphore(%run_scoped3A_103 : memref<!tpu.dma_semaphore, #tpu.memory_space<semaphore_mem>>) src(%arg8 : memref<128x64xf32, #tpu.memory_space<vmem>>) dst(%dma_wait3A_115 : memref<10240x64xf32, #tpu.memory_space<vmem_shared>>)
      tpu.yield
    }) : () -> ()
    %dma_wait3A_62 = arith.constant 156 : i32
    %dma_wait3A_63 = arith.constant 0 : i32
    %dma_wait3A_64 = tpu.memref_slice %arg6[%dma_wait3A_62, %dma_wait3A_63] : memref<160x128xi32, #tpu.memory_space<vmem>> -> memref<1x128xi32, #tpu.memory_space<vmem>>
    %dma_wait3A_65 = tpu.memref_squeeze %dma_wait3A_64 : memref<1x128xi32, #tpu.memory_space<vmem>> -> memref<128xi32, #tpu.memory_space<vmem>>
    %dma_wait3A_66 = arith.constant 0 : i32
    %dma_wait3A_67 = tpu.memref_slice %arg2[%mul3A_0, %dma_wait3A_66] : memref<20480x64xf32, #tpu.memory_space<hbm>> -> memref<10240x64xf32, #tpu.memory_space<hbm>>
    %dma_wait3A_68 = arith.constant 0 : i32
    %dma_wait3A_69 = arith.constant 0 : i32
    %dma_wait3A_70 = tpu.memref_slice %dma_wait3A_67[%dma_wait3A_68, %dma_wait3A_69] : memref<10240x64xf32, #tpu.memory_space<hbm>> -> memref<10240x64xf32, #tpu.memory_space<hbm>>
    tpu.wait_indirect_dma semaphore(%arg15 : memref<!tpu.dma_semaphore, #tpu.memory_space<semaphore_mem>>) src(%dma_wait3A_70 : memref<10240x64xf32, #tpu.memory_space<hbm>>) dst(%arg9 : memref<128x64xf32, #tpu.memory_space<vmem>>)
    %run_scoped3A_71 = arith.constant 156 : i32
    "tpu.region"() ({
      %run_scoped3A_103 = tpu.sem_alloc : memref<!tpu.dma_semaphore, #tpu.memory_space<semaphore_mem>>
      %dma_start3A_104 = arith.constant 0 : i32
      %dma_start3A_105 = tpu.memref_slice %arg7[%run_scoped3A_71, %dma_start3A_104] : memref<160x128xi32, #tpu.memory_space<vmem>> -> memref<1x128xi32, #tpu.memory_space<vmem>>
      %dma_start3A_106 = tpu.memref_squeeze %dma_start3A_105 : memref<1x128xi32, #tpu.memory_space<vmem>> -> memref<128xi32, #tpu.memory_space<vmem>>
      %dma_start3A_107 = arith.constant 0 : i32
      %dma_start3A_108 = arith.constant 0 : i32
      %dma_start3A_109 = tpu.memref_slice %arg13[%dma_start3A_107, %dma_start3A_108] : memref<10240x64xf32, #tpu.memory_space<vmem_shared>> -> memref<10240x64xf32, #tpu.memory_space<vmem_shared>>
      tpu.enqueue_indirect_dma source(%arg9 : memref<128x64xf32, #tpu.memory_space<vmem>>) target(%dma_start3A_109 : memref<10240x64xf32, #tpu.memory_space<vmem_shared>>) offsets(%dma_start3A_106 : memref<128xi32, #tpu.memory_space<vmem>>) semaphore(%run_scoped3A_103 : memref<!tpu.dma_semaphore, #tpu.memory_space<semaphore_mem>>) {add = true}
      %dma_wait3A_110 = arith.constant 0 : i32
      %dma_wait3A_111 = tpu.memref_slice %arg7[%run_scoped3A_71, %dma_wait3A_110] : memref<160x128xi32, #tpu.memory_space<vmem>> -> memref<1x128xi32, #tpu.memory_space<vmem>>
      %dma_wait3A_112 = tpu.memref_squeeze %dma_wait3A_111 : memref<1x128xi32, #tpu.memory_space<vmem>> -> memref<128xi32, #tpu.memory_space<vmem>>
      %dma_wait3A_113 = arith.constant 0 : i32
      %dma_wait3A_114 = arith.constant 0 : i32
      %dma_wait3A_115 = tpu.memref_slice %arg13[%dma_wait3A_113, %dma_wait3A_114] : memref<10240x64xf32, #tpu.memory_space<vmem_shared>> -> memref<10240x64xf32, #tpu.memory_space<vmem_shared>>
      tpu.wait_indirect_dma semaphore(%run_scoped3A_103 : memref<!tpu.dma_semaphore, #tpu.memory_space<semaphore_mem>>) src(%arg9 : memref<128x64xf32, #tpu.memory_space<vmem>>) dst(%dma_wait3A_115 : memref<10240x64xf32, #tpu.memory_space<vmem_shared>>)
      tpu.yield
    }) : () -> ()
    %dma_wait3A_72 = arith.constant 157 : i32
    %dma_wait3A_73 = arith.constant 0 : i32
    %dma_wait3A_74 = tpu.memref_slice %arg6[%dma_wait3A_72, %dma_wait3A_73] : memref<160x128xi32, #tpu.memory_space<vmem>> -> memref<1x128xi32, #tpu.memory_space<vmem>>
    %dma_wait3A_75 = tpu.memref_squeeze %dma_wait3A_74 : memref<1x128xi32, #tpu.memory_space<vmem>> -> memref<128xi32, #tpu.memory_space<vmem>>
    %dma_wait3A_76 = arith.constant 0 : i32
    %dma_wait3A_77 = tpu.memref_slice %arg2[%mul3A_0, %dma_wait3A_76] : memref<20480x64xf32, #tpu.memory_space<hbm>> -> memref<10240x64xf32, #tpu.memory_space<hbm>>
    %dma_wait3A_78 = arith.constant 0 : i32
    %dma_wait3A_79 = arith.constant 0 : i32
    %dma_wait3A_80 = tpu.memref_slice %dma_wait3A_77[%dma_wait3A_78, %dma_wait3A_79] : memref<10240x64xf32, #tpu.memory_space<hbm>> -> memref<10240x64xf32, #tpu.memory_space<hbm>>
    tpu.wait_indirect_dma semaphore(%arg16 : memref<!tpu.dma_semaphore, #tpu.memory_space<semaphore_mem>>) src(%dma_wait3A_80 : memref<10240x64xf32, #tpu.memory_space<hbm>>) dst(%arg10 : memref<128x64xf32, #tpu.memory_space<vmem>>)
    %run_scoped3A_81 = arith.constant 157 : i32
    "tpu.region"() ({
      %run_scoped3A_103 = tpu.sem_alloc : memref<!tpu.dma_semaphore, #tpu.memory_space<semaphore_mem>>
      %dma_start3A_104 = arith.constant 0 : i32
      %dma_start3A_105 = tpu.memref_slice %arg7[%run_scoped3A_81, %dma_start3A_104] : memref<160x128xi32, #tpu.memory_space<vmem>> -> memref<1x128xi32, #tpu.memory_space<vmem>>
      %dma_start3A_106 = tpu.memref_squeeze %dma_start3A_105 : memref<1x128xi32, #tpu.memory_space<vmem>> -> memref<128xi32, #tpu.memory_space<vmem>>
      %dma_start3A_107 = arith.constant 0 : i32
      %dma_start3A_108 = arith.constant 0 : i32
      %dma_start3A_109 = tpu.memref_slice %arg13[%dma_start3A_107, %dma_start3A_108] : memref<10240x64xf32, #tpu.memory_space<vmem_shared>> -> memref<10240x64xf32, #tpu.memory_space<vmem_shared>>
      tpu.enqueue_indirect_dma source(%arg10 : memref<128x64xf32, #tpu.memory_space<vmem>>) target(%dma_start3A_109 : memref<10240x64xf32, #tpu.memory_space<vmem_shared>>) offsets(%dma_start3A_106 : memref<128xi32, #tpu.memory_space<vmem>>) semaphore(%run_scoped3A_103 : memref<!tpu.dma_semaphore, #tpu.memory_space<semaphore_mem>>) {add = true}
      %dma_wait3A_110 = arith.constant 0 : i32
      %dma_wait3A_111 = tpu.memref_slice %arg7[%run_scoped3A_81, %dma_wait3A_110] : memref<160x128xi32, #tpu.memory_space<vmem>> -> memref<1x128xi32, #tpu.memory_space<vmem>>
      %dma_wait3A_112 = tpu.memref_squeeze %dma_wait3A_111 : memref<1x128xi32, #tpu.memory_space<vmem>> -> memref<128xi32, #tpu.memory_space<vmem>>
      %dma_wait3A_113 = arith.constant 0 : i32
      %dma_wait3A_114 = arith.constant 0 : i32
      %dma_wait3A_115 = tpu.memref_slice %arg13[%dma_wait3A_113, %dma_wait3A_114] : memref<10240x64xf32, #tpu.memory_space<vmem_shared>> -> memref<10240x64xf32, #tpu.memory_space<vmem_shared>>
      tpu.wait_indirect_dma semaphore(%run_scoped3A_103 : memref<!tpu.dma_semaphore, #tpu.memory_space<semaphore_mem>>) src(%arg10 : memref<128x64xf32, #tpu.memory_space<vmem>>) dst(%dma_wait3A_115 : memref<10240x64xf32, #tpu.memory_space<vmem_shared>>)
      tpu.yield
    }) : () -> ()
    %dma_wait3A_82 = arith.constant 158 : i32
    %dma_wait3A_83 = arith.constant 0 : i32
    %dma_wait3A_84 = tpu.memref_slice %arg6[%dma_wait3A_82, %dma_wait3A_83] : memref<160x128xi32, #tpu.memory_space<vmem>> -> memref<1x128xi32, #tpu.memory_space<vmem>>
    %dma_wait3A_85 = tpu.memref_squeeze %dma_wait3A_84 : memref<1x128xi32, #tpu.memory_space<vmem>> -> memref<128xi32, #tpu.memory_space<vmem>>
    %dma_wait3A_86 = arith.constant 0 : i32
    %dma_wait3A_87 = tpu.memref_slice %arg2[%mul3A_0, %dma_wait3A_86] : memref<20480x64xf32, #tpu.memory_space<hbm>> -> memref<10240x64xf32, #tpu.memory_space<hbm>>
    %dma_wait3A_88 = arith.constant 0 : i32
    %dma_wait3A_89 = arith.constant 0 : i32
    %dma_wait3A_90 = tpu.memref_slice %dma_wait3A_87[%dma_wait3A_88, %dma_wait3A_89] : memref<10240x64xf32, #tpu.memory_space<hbm>> -> memref<10240x64xf32, #tpu.memory_space<hbm>>
    tpu.wait_indirect_dma semaphore(%arg17 : memref<!tpu.dma_semaphore, #tpu.memory_space<semaphore_mem>>) src(%dma_wait3A_90 : memref<10240x64xf32, #tpu.memory_space<hbm>>) dst(%arg11 : memref<128x64xf32, #tpu.memory_space<vmem>>)
    %run_scoped3A_91 = arith.constant 158 : i32
    "tpu.region"() ({
      %run_scoped3A_103 = tpu.sem_alloc : memref<!tpu.dma_semaphore, #tpu.memory_space<semaphore_mem>>
      %dma_start3A_104 = arith.constant 0 : i32
      %dma_start3A_105 = tpu.memref_slice %arg7[%run_scoped3A_91, %dma_start3A_104] : memref<160x128xi32, #tpu.memory_space<vmem>> -> memref<1x128xi32, #tpu.memory_space<vmem>>
      %dma_start3A_106 = tpu.memref_squeeze %dma_start3A_105 : memref<1x128xi32, #tpu.memory_space<vmem>> -> memref<128xi32, #tpu.memory_space<vmem>>
      %dma_start3A_107 = arith.constant 0 : i32
      %dma_start3A_108 = arith.constant 0 : i32
      %dma_start3A_109 = tpu.memref_slice %arg13[%dma_start3A_107, %dma_start3A_108] : memref<10240x64xf32, #tpu.memory_space<vmem_shared>> -> memref<10240x64xf32, #tpu.memory_space<vmem_shared>>
      tpu.enqueue_indirect_dma source(%arg11 : memref<128x64xf32, #tpu.memory_space<vmem>>) target(%dma_start3A_109 : memref<10240x64xf32, #tpu.memory_space<vmem_shared>>) offsets(%dma_start3A_106 : memref<128xi32, #tpu.memory_space<vmem>>) semaphore(%run_scoped3A_103 : memref<!tpu.dma_semaphore, #tpu.memory_space<semaphore_mem>>) {add = true}
      %dma_wait3A_110 = arith.constant 0 : i32
      %dma_wait3A_111 = tpu.memref_slice %arg7[%run_scoped3A_91, %dma_wait3A_110] : memref<160x128xi32, #tpu.memory_space<vmem>> -> memref<1x128xi32, #tpu.memory_space<vmem>>
      %dma_wait3A_112 = tpu.memref_squeeze %dma_wait3A_111 : memref<1x128xi32, #tpu.memory_space<vmem>> -> memref<128xi32, #tpu.memory_space<vmem>>
      %dma_wait3A_113 = arith.constant 0 : i32
      %dma_wait3A_114 = arith.constant 0 : i32
      %dma_wait3A_115 = tpu.memref_slice %arg13[%dma_wait3A_113, %dma_wait3A_114] : memref<10240x64xf32, #tpu.memory_space<vmem_shared>> -> memref<10240x64xf32, #tpu.memory_space<vmem_shared>>
      tpu.wait_indirect_dma semaphore(%run_scoped3A_103 : memref<!tpu.dma_semaphore, #tpu.memory_space<semaphore_mem>>) src(%arg11 : memref<128x64xf32, #tpu.memory_space<vmem>>) dst(%dma_wait3A_115 : memref<10240x64xf32, #tpu.memory_space<vmem_shared>>)
      tpu.yield
    }) : () -> ()
    %dma_wait3A_92 = arith.constant 159 : i32
    %dma_wait3A_93 = arith.constant 0 : i32
    %dma_wait3A_94 = tpu.memref_slice %arg6[%dma_wait3A_92, %dma_wait3A_93] : memref<160x128xi32, #tpu.memory_space<vmem>> -> memref<1x128xi32, #tpu.memory_space<vmem>>
    %dma_wait3A_95 = tpu.memref_squeeze %dma_wait3A_94 : memref<1x128xi32, #tpu.memory_space<vmem>> -> memref<128xi32, #tpu.memory_space<vmem>>
    %dma_wait3A_96 = arith.constant 0 : i32
    %dma_wait3A_97 = tpu.memref_slice %arg2[%mul3A_0, %dma_wait3A_96] : memref<20480x64xf32, #tpu.memory_space<hbm>> -> memref<10240x64xf32, #tpu.memory_space<hbm>>
    %dma_wait3A_98 = arith.constant 0 : i32
    %dma_wait3A_99 = arith.constant 0 : i32
    %dma_wait3A_100 = tpu.memref_slice %dma_wait3A_97[%dma_wait3A_98, %dma_wait3A_99] : memref<10240x64xf32, #tpu.memory_space<hbm>> -> memref<10240x64xf32, #tpu.memory_space<hbm>>
    tpu.wait_indirect_dma semaphore(%arg18 : memref<!tpu.dma_semaphore, #tpu.memory_space<semaphore_mem>>) src(%dma_wait3A_100 : memref<10240x64xf32, #tpu.memory_space<hbm>>) dst(%arg12 : memref<128x64xf32, #tpu.memory_space<vmem>>)
    %run_scoped3A_101 = arith.constant 159 : i32
    "tpu.region"() ({
      %run_scoped3A_103 = tpu.sem_alloc : memref<!tpu.dma_semaphore, #tpu.memory_space<semaphore_mem>>
      %dma_start3A_104 = arith.constant 0 : i32
      %dma_start3A_105 = tpu.memref_slice %arg7[%run_scoped3A_101, %dma_start3A_104] : memref<160x128xi32, #tpu.memory_space<vmem>> -> memref<1x128xi32, #tpu.memory_space<vmem>>
      %dma_start3A_106 = tpu.memref_squeeze %dma_start3A_105 : memref<1x128xi32, #tpu.memory_space<vmem>> -> memref<128xi32, #tpu.memory_space<vmem>>
      %dma_start3A_107 = arith.constant 0 : i32
      %dma_start3A_108 = arith.constant 0 : i32
      %dma_start3A_109 = tpu.memref_slice %arg13[%dma_start3A_107, %dma_start3A_108] : memref<10240x64xf32, #tpu.memory_space<vmem_shared>> -> memref<10240x64xf32, #tpu.memory_space<vmem_shared>>
      tpu.enqueue_indirect_dma source(%arg12 : memref<128x64xf32, #tpu.memory_space<vmem>>) target(%dma_start3A_109 : memref<10240x64xf32, #tpu.memory_space<vmem_shared>>) offsets(%dma_start3A_106 : memref<128xi32, #tpu.memory_space<vmem>>) semaphore(%run_scoped3A_103 : memref<!tpu.dma_semaphore, #tpu.memory_space<semaphore_mem>>) {add = true}
      %dma_wait3A_110 = arith.constant 0 : i32
      %dma_wait3A_111 = tpu.memref_slice %arg7[%run_scoped3A_101, %dma_wait3A_110] : memref<160x128xi32, #tpu.memory_space<vmem>> -> memref<1x128xi32, #tpu.memory_space<vmem>>
      %dma_wait3A_112 = tpu.memref_squeeze %dma_wait3A_111 : memref<1x128xi32, #tpu.memory_space<vmem>> -> memref<128xi32, #tpu.memory_space<vmem>>
      %dma_wait3A_113 = arith.constant 0 : i32
      %dma_wait3A_114 = arith.constant 0 : i32
      %dma_wait3A_115 = tpu.memref_slice %arg13[%dma_wait3A_113, %dma_wait3A_114] : memref<10240x64xf32, #tpu.memory_space<vmem_shared>> -> memref<10240x64xf32, #tpu.memory_space<vmem_shared>>
      tpu.wait_indirect_dma semaphore(%run_scoped3A_103 : memref<!tpu.dma_semaphore, #tpu.memory_space<semaphore_mem>>) src(%arg12 : memref<128x64xf32, #tpu.memory_space<vmem>>) dst(%dma_wait3A_115 : memref<10240x64xf32, #tpu.memory_space<vmem_shared>>)
      tpu.yield
    }) : () -> ()
    %barrier3A_102 = arith.constant 0 : index
    tpu.barrier barrier_id(%barrier3A_102)
    "tpu.region"() ({
      %run_scoped3A_103 = tpu.sem_alloc : memref<!tpu.dma_semaphore, #tpu.memory_space<semaphore_mem>>
      %dma_start3A_104 = arith.constant 0 : i32
      %dma_start3A_105 = tpu.memref_slice %arg5[%arg0, %mul3A_2, %dma_start3A_104] : memref<2x10240x64xf32, #tpu.memory_space<hbm>> -> memref<1x640x64xf32, #tpu.memory_space<hbm>>
      %dma_start3A_106 = tpu.memref_squeeze %dma_start3A_105 : memref<1x640x64xf32, #tpu.memory_space<hbm>> -> memref<640x64xf32, #tpu.memory_space<hbm>>
      %dma_start3A_107 = arith.constant 0 : i32
      %dma_start3A_108 = tpu.memref_slice %arg13[%mul3A_2, %dma_start3A_107] : memref<10240x64xf32, #tpu.memory_space<vmem_shared>> -> memref<640x64xf32, #tpu.memory_space<vmem_shared>>
      tpu.enqueue_dma source(%dma_start3A_108 : memref<640x64xf32, #tpu.memory_space<vmem_shared>>) target(%dma_start3A_106 : memref<640x64xf32, #tpu.memory_space<hbm>>) target_semaphore(%run_scoped3A_103 : memref<!tpu.dma_semaphore, #tpu.memory_space<semaphore_mem>>)
      %dma_wait3A_109 = arith.constant 0 : i32
      %dma_wait3A_110 = tpu.memref_slice %arg5[%arg0, %mul3A_2, %dma_wait3A_109] : memref<2x10240x64xf32, #tpu.memory_space<hbm>> -> memref<1x640x64xf32, #tpu.memory_space<hbm>>
      %dma_wait3A_111 = tpu.memref_squeeze %dma_wait3A_110 : memref<1x640x64xf32, #tpu.memory_space<hbm>> -> memref<640x64xf32, #tpu.memory_space<hbm>>
      %dma_wait3A_112 = arith.constant 0 : i32
      %dma_wait3A_113 = tpu.memref_slice %arg13[%mul3A_2, %dma_wait3A_112] : memref<10240x64xf32, #tpu.memory_space<vmem_shared>> -> memref<640x64xf32, #tpu.memory_space<vmem_shared>>
      tpu.wait_dma2 semaphore(%run_scoped3A_103 : memref<!tpu.dma_semaphore, #tpu.memory_space<semaphore_mem>>) src(%dma_wait3A_113 : memref<640x64xf32, #tpu.memory_space<vmem_shared>>) dst(%dma_wait3A_111 : memref<640x64xf32, #tpu.memory_space<hbm>>)
      tpu.yield
    }) : () -> ()
    return
  }
}

module attributes {stable_mosaic.version = 14 : i64} {
  func.func @_degsum_body(%arg0: memref<32x80x128xf32, #tpu.memory_space<vmem>>, %arg1: memref<80x128xf32, #tpu.memory_space<vmem>>) attributes {dimension_semantics = [], scalar_prefetch = 0 : i64, scratch_operands = 0 : i64, tpu.core_type = #tpu.core_type<tc>} {
    %get3A = arith.constant 0 : index
    %get3A_0 = arith.constant 0 : index
    %get3A_1 = arith.constant 0 : index
    %get3A_2 = vector.load %arg0[%get3A, %get3A_0, %get3A_1] : memref<32x80x128xf32, #tpu.memory_space<vmem>>, vector<32x80x128xf32>
    %reduce_sum3A = arith.constant dense<0.000000e+00> : vector<80x128xf32>
    %reduce_sum3A_3 = vector.multi_reduction <add>, %get3A_2, %reduce_sum3A [0] : vector<32x80x128xf32> to vector<80x128xf32>
    %swap3A = arith.constant 0 : index
    %swap3A_4 = arith.constant 0 : index
    %swap3A_5 = vector.load %arg1[%swap3A, %swap3A_4] : memref<80x128xf32, #tpu.memory_space<vmem>>, vector<80x128xf32>
    tpu.vector_store %arg1[%swap3A, %swap3A_4], %reduce_sum3A_3 {strides = array<i32>} : memref<80x128xf32, #tpu.memory_space<vmem>>, vector<80x128xf32>,
    return
  }
}

module attributes {stable_mosaic.version = 14 : i64} {
  func.func @_u_body(%arg0: i32, %arg1: memref<256x128xf32, #tpu.memory_space<vmem>>, %arg2: memref<128x128xf32, #tpu.memory_space<vmem>>, %arg3: memref<256x1xf32, #tpu.memory_space<vmem>>, %arg4: memref<2x256x64xf32, #tpu.memory_space<vmem>>) attributes {dimension_semantics = [#tpu.dimension_semantics<arbitrary>], iteration_bounds = array<i64: 40>, scalar_prefetch = 0 : i64, scratch_operands = 0 : i64, tpu.core_type = #tpu.core_type<tc>, window_params = [{transform_indices = @transform_0, window_bounds = array<i64: 256, 128>}, {pipeline_mode = #tpu.pipeline_mode<synchronous>, transform_indices = @transform_1, window_bounds = array<i64: 128, 128>}, {transform_indices = @transform_2, window_bounds = array<i64: 256, 1>}, {transform_indices = @transform_3, window_bounds = array<i64: 2, 256, 64>}]} {
    %get3A = arith.constant 0 : index
    %get3A_0 = arith.constant 0 : index
    %get3A_1 = vector.load %arg1[%get3A, %get3A_0] : memref<256x128xf32, #tpu.memory_space<vmem>>, vector<256x128xf32>
    %get3A_2 = arith.constant 0 : index
    %get3A_3 = arith.constant 0 : index
    %get3A_4 = vector.load %arg2[%get3A_2, %get3A_3] : memref<128x128xf32, #tpu.memory_space<vmem>>, vector<128x128xf32>
    %dot_general3A = arith.constant dense<0.000000e+00> : vector<256x128xf32>
    %dot_general3A_5 = tpu.matmul %get3A_1, %get3A_4, %dot_general3A {dimension_numbers = #tpu.dot_dimension_numbers<[1], [0], [0], [1], [0, 0, 1, 1], [], []>, transpose_lhs_hint = false} : vector<256x128xf32>, vector<128x128xf32>, vector<256x128xf32> -> vector<256x128xf32>
    %get3A_6 = arith.constant 0 : index
    %get3A_7 = arith.constant 0 : index
    %get3A_8 = vector.load %arg3[%get3A_6, %get3A_7] : memref<256x1xf32, #tpu.memory_space<vmem>>, vector<256x1xf32>
    %add3A = arith.constant 1.000000e+00 : f32
    %add3A_9 = vector.broadcast %add3A : f32 to vector<256x1xf32>
    %add3A_10 = arith.addf %get3A_8, %add3A_9 : vector<256x1xf32>
    %rsqrt3A = math.rsqrt %add3A_10 : vector<256x1xf32>
    %mul3A = vector.broadcast %rsqrt3A : vector<256x1xf32> to vector<256x128xf32>
    %mul3A_11 = arith.mulf %dot_general3A_5, %mul3A : vector<256x128xf32>
    %slice3A = vector.extract_strided_slice %mul3A_11 {offsets = [0, 0], sizes = [256, 64], strides = [1, 1]} : vector<256x128xf32> to vector<256x64xf32>
    %swap3A = arith.constant 0 : index
    %swap3A_12 = arith.constant 0 : index
    %swap3A_13 = arith.constant 0 : index
    %swap3A_14 = vector.load %arg4[%swap3A, %swap3A_12, %swap3A_13] : memref<2x256x64xf32, #tpu.memory_space<vmem>>, vector<1x256x64xf32>
    %swap3A_15 = vector.shape_cast %swap3A_14 : vector<1x256x64xf32> to vector<256x64xf32>
    %swap3A_16 = vector.shape_cast %slice3A : vector<256x64xf32> to vector<1x256x64xf32>
    tpu.vector_store %arg4[%swap3A, %swap3A_12, %swap3A_13], %swap3A_16 {strides = array<i32>} : memref<2x256x64xf32, #tpu.memory_space<vmem>>, vector<1x256x64xf32>,
    %slice3A_17 = vector.extract_strided_slice %mul3A_11 {offsets = [0, 64], sizes = [256, 64], strides = [1, 1]} : vector<256x128xf32> to vector<256x64xf32>
    %swap3A_18 = arith.constant 1 : index
    %swap3A_19 = arith.constant 0 : index
    %swap3A_20 = arith.constant 0 : index
    %swap3A_21 = vector.load %arg4[%swap3A_18, %swap3A_19, %swap3A_20] : memref<2x256x64xf32, #tpu.memory_space<vmem>>, vector<1x256x64xf32>
    %swap3A_22 = vector.shape_cast %swap3A_21 : vector<1x256x64xf32> to vector<256x64xf32>
    %swap3A_23 = vector.shape_cast %slice3A_17 : vector<256x64xf32> to vector<1x256x64xf32>
    tpu.vector_store %arg4[%swap3A_18, %swap3A_19, %swap3A_20], %swap3A_23 {strides = array<i32>} : memref<2x256x64xf32, #tpu.memory_space<vmem>>, vector<1x256x64xf32>,
    return
  }
  func.func @transform_0(%arg0: i32) -> (i32, i32) {
    %c0_i32 = arith.constant 0 : i32
    %c0_i32_0 = arith.constant 0 : i32
    return %arg0, %c0_i32 : i32, i32
  }
  func.func @transform_1(%arg0: i32) -> (i32, i32) {
    %c0_i32 = arith.constant 0 : i32
    %c0_i32_0 = arith.constant 0 : i32
    %c0_i32_1 = arith.constant 0 : i32
    return %c0_i32, %c0_i32_0 : i32, i32
  }
  func.func @transform_2(%arg0: i32) -> (i32, i32) {
    %c0_i32 = arith.constant 0 : i32
    %c0_i32_0 = arith.constant 0 : i32
    return %arg0, %c0_i32 : i32, i32
  }
  func.func @transform_3(%arg0: i32) -> (i32, i32, i32) {
    %c0_i32 = arith.constant 0 : i32
    %c0_i32_0 = arith.constant 0 : i32
    %c0_i32_1 = arith.constant 0 : i32
    return %c0_i32, %arg0, %c0_i32_0 : i32, i32, i32
  }
}

module attributes {stable_mosaic.version = 14 : i64} {
  func.func @_mid_body(%arg0: i32, %arg1: memref<2x256x64xf32, #tpu.memory_space<vmem>>, %arg2: memref<256x128xf32, #tpu.memory_space<vmem>>, %arg3: memref<128x128xf32, #tpu.memory_space<vmem>>, %arg4: memref<1x128xf32, #tpu.memory_space<vmem>>, %arg5: memref<1x128xf32, #tpu.memory_space<vmem>>, %arg6: memref<1x128xf32, #tpu.memory_space<vmem>>, %arg7: memref<256x1xf32, #tpu.memory_space<vmem>>, %arg8: memref<256x128xf32, #tpu.memory_space<vmem>>, %arg9: memref<2x256x64xf32, #tpu.memory_space<vmem>>) attributes {dimension_semantics = [#tpu.dimension_semantics<arbitrary>], iteration_bounds = array<i64: 40>, scalar_prefetch = 0 : i64, scratch_operands = 0 : i64, tpu.core_type = #tpu.core_type<tc>, window_params = [{transform_indices = @transform_0, window_bounds = array<i64: 2, 256, 64>}, {transform_indices = @transform_1, window_bounds = array<i64: 256, 128>}, {pipeline_mode = #tpu.pipeline_mode<synchronous>, transform_indices = @transform_2, window_bounds = array<i64: 128, 128>}, {pipeline_mode = #tpu.pipeline_mode<synchronous>, transform_indices = @transform_3, window_bounds = array<i64: 1, 128>}, {pipeline_mode = #tpu.pipeline_mode<synchronous>, transform_indices = @transform_4, window_bounds = array<i64: 1, 128>}, {pipeline_mode = #tpu.pipeline_mode<synchronous>, transform_indices = @transform_5, window_bounds = array<i64: 1, 128>}, {transform_indices = @transform_6, window_bounds = array<i64: 256, 1>}, {transform_indices = @transform_7, window_bounds = array<i64: 256, 128>}, {transform_indices = @transform_8, window_bounds = array<i64: 2, 256, 64>}]} {
    %get3A = arith.constant 0 : index
    %get3A_0 = arith.constant 0 : index
    %get3A_1 = vector.load %arg7[%get3A, %get3A_0] : memref<256x1xf32, #tpu.memory_space<vmem>>, vector<256x1xf32>
    %add3A = arith.constant 1.000000e+00 : f32
    %add3A_2 = vector.broadcast %add3A : f32 to vector<256x1xf32>
    %add3A_3 = arith.addf %get3A_1, %add3A_2 : vector<256x1xf32>
    %rsqrt3A = math.rsqrt %add3A_3 : vector<256x1xf32>
    %get3A_4 = arith.constant 0 : index
    %get3A_5 = arith.constant 0 : index
    %get3A_6 = arith.constant 0 : index
    %get3A_7 = vector.load %arg1[%get3A_4, %get3A_5, %get3A_6] : memref<2x256x64xf32, #tpu.memory_space<vmem>>, vector<1x256x64xf32>
    %get3A_8 = vector.shape_cast %get3A_7 : vector<1x256x64xf32> to vector<256x64xf32>
    %get3A_9 = arith.constant 1 : index
    %get3A_10 = arith.constant 0 : index
    %get3A_11 = arith.constant 0 : index
    %get3A_12 = vector.load %arg1[%get3A_9, %get3A_10, %get3A_11] : memref<2x256x64xf32, #tpu.memory_space<vmem>>, vector<1x256x64xf32>
    %get3A_13 = vector.shape_cast %get3A_12 : vector<1x256x64xf32> to vector<256x64xf32>
    %concatenate3A = tpu.concatenate %get3A_8, %get3A_13 in 1 : vector<256x64xf32>, vector<256x64xf32> -> vector<256x128xf32>
    %mul3A = vector.broadcast %rsqrt3A : vector<256x1xf32> to vector<256x128xf32>
    %mul3A_14 = arith.mulf %concatenate3A, %mul3A : vector<256x128xf32>
    %get3A_15 = arith.constant 0 : index
    %get3A_16 = arith.constant 0 : index
    %get3A_17 = vector.load %arg4[%get3A_15, %get3A_16] : memref<1x128xf32, #tpu.memory_space<vmem>>, vector<1x128xf32>
    %add3A_18 = vector.broadcast %get3A_17 : vector<1x128xf32> to vector<256x128xf32>
    %add3A_19 = arith.addf %mul3A_14, %add3A_18 : vector<256x128xf32>
    %get3A_20 = arith.constant 0 : index
    %get3A_21 = arith.constant 0 : index
    %get3A_22 = vector.load %arg5[%get3A_20, %get3A_21] : memref<1x128xf32, #tpu.memory_space<vmem>>, vector<1x128xf32>
    %get3A_23 = arith.constant 0 : index
    %get3A_24 = arith.constant 0 : index
    %get3A_25 = vector.load %arg6[%get3A_23, %get3A_24] : memref<1x128xf32, #tpu.memory_space<vmem>>, vector<1x128xf32>
    %reduce_sum3A = arith.constant dense<0.000000e+00> : vector<256xf32>
    %reduce_sum3A_26 = vector.multi_reduction <add>, %add3A_19, %reduce_sum3A [1] : vector<256x128xf32> to vector<256xf32>
    %broadcast_in_dim3A = vector.shape_cast %reduce_sum3A_26 : vector<256xf32> to vector<256x1xf32>
    %div3A = arith.constant 1.280000e+02 : f32
    %div3A_27 = vector.broadcast %div3A : f32 to vector<256x1xf32>
    %div3A_28 = arith.divf %broadcast_in_dim3A, %div3A_27 : vector<256x1xf32>
    %sub3A = vector.broadcast %div3A_28 : vector<256x1xf32> to vector<256x128xf32>
    %sub3A_29 = arith.subf %add3A_19, %sub3A : vector<256x128xf32>
    %integer_pow3A = arith.mulf %sub3A_29, %sub3A_29 : vector<256x128xf32>
    %reduce_sum3A_30 = arith.constant dense<0.000000e+00> : vector<256xf32>
    %reduce_sum3A_31 = vector.multi_reduction <add>, %integer_pow3A, %reduce_sum3A_30 [1] : vector<256x128xf32> to vector<256xf32>
    %broadcast_in_dim3A_32 = vector.shape_cast %reduce_sum3A_31 : vector<256xf32> to vector<256x1xf32>
    %div3A_33 = arith.constant 1.280000e+02 : f32
    %div3A_34 = vector.broadcast %div3A_33 : f32 to vector<256x1xf32>
    %div3A_35 = arith.divf %broadcast_in_dim3A_32, %div3A_34 : vector<256x1xf32>
    %sub3A_36 = vector.broadcast %div3A_28 : vector<256x1xf32> to vector<256x128xf32>
    %sub3A_37 = arith.subf %add3A_19, %sub3A_36 : vector<256x128xf32>
    %add3A_38 = arith.constant 9.99999974E-6 : f32
    %add3A_39 = vector.broadcast %add3A_38 : f32 to vector<256x1xf32>
    %add3A_40 = arith.addf %div3A_35, %add3A_39 : vector<256x1xf32>
    %rsqrt3A_41 = math.rsqrt %add3A_40 : vector<256x1xf32>
    %mul3A_42 = vector.broadcast %rsqrt3A_41 : vector<256x1xf32> to vector<256x128xf32>
    %mul3A_43 = arith.mulf %sub3A_37, %mul3A_42 : vector<256x128xf32>
    %mul3A_44 = vector.broadcast %get3A_22 : vector<1x128xf32> to vector<256x128xf32>
    %mul3A_45 = arith.mulf %mul3A_43, %mul3A_44 : vector<256x128xf32>
    %add3A_46 = vector.broadcast %get3A_25 : vector<1x128xf32> to vector<256x128xf32>
    %add3A_47 = arith.addf %mul3A_45, %add3A_46 : vector<256x128xf32>
    %max3A = arith.constant 0.000000e+00 : f32
    %max3A_48 = vector.broadcast %max3A : f32 to vector<256x128xf32>
    %max3A_49 = arith.maximumf %add3A_47, %max3A_48 : vector<256x128xf32>
    %get3A_50 = arith.constant 0 : index
    %get3A_51 = arith.constant 0 : index
    %get3A_52 = vector.load %arg2[%get3A_50, %get3A_51] : memref<256x128xf32, #tpu.memory_space<vmem>>, vector<256x128xf32>
    %add3A_53 = arith.addf %max3A_49, %get3A_52 : vector<256x128xf32>
    %swap3A = arith.constant 0 : index
    %swap3A_54 = arith.constant 0 : index
    %swap3A_55 = vector.load %arg8[%swap3A, %swap3A_54] : memref<256x128xf32, #tpu.memory_space<vmem>>, vector<256x128xf32>
    tpu.vector_store %arg8[%swap3A, %swap3A_54], %add3A_53 {strides = array<i32>} : memref<256x128xf32, #tpu.memory_space<vmem>>, vector<256x128xf32>,
    %get3A_56 = arith.constant 0 : index
    %get3A_57 = arith.constant 0 : index
    %get3A_58 = vector.load %arg3[%get3A_56, %get3A_57] : memref<128x128xf32, #tpu.memory_space<vmem>>, vector<128x128xf32>
    %dot_general3A = arith.constant dense<0.000000e+00> : vector<256x128xf32>
    %dot_general3A_59 = tpu.matmul %add3A_53, %get3A_58, %dot_general3A {dimension_numbers = #tpu.dot_dimension_numbers<[1], [0], [0], [1], [0, 0, 1, 1], [], []>, transpose_lhs_hint = false} : vector<256x128xf32>, vector<128x128xf32>, vector<256x128xf32> -> vector<256x128xf32>
    %mul3A_60 = vector.broadcast %rsqrt3A : vector<256x1xf32> to vector<256x128xf32>
    %mul3A_61 = arith.mulf %dot_general3A_59, %mul3A_60 : vector<256x128xf32>
    %slice3A = vector.extract_strided_slice %mul3A_61 {offsets = [0, 0], sizes = [256, 64], strides = [1, 1]} : vector<256x128xf32> to vector<256x64xf32>
    %swap3A_62 = arith.constant 0 : index
    %swap3A_63 = arith.constant 0 : index
    %swap3A_64 = arith.constant 0 : index
    %swap3A_65 = vector.load %arg9[%swap3A_62, %swap3A_63, %swap3A_64] : memref<2x256x64xf32, #tpu.memory_space<vmem>>, vector<1x256x64xf32>
    %swap3A_66 = vector.shape_cast %swap3A_65 : vector<1x256x64xf32> to vector<256x64xf32>
    %swap3A_67 = vector.shape_cast %slice3A : vector<256x64xf32> to vector<1x256x64xf32>
    tpu.vector_store %arg9[%swap3A_62, %swap3A_63, %swap3A_64], %swap3A_67 {strides = array<i32>} : memref<2x256x64xf32, #tpu.memory_space<vmem>>, vector<1x256x64xf32>,
    %slice3A_68 = vector.extract_strided_slice %mul3A_61 {offsets = [0, 64], sizes = [256, 64], strides = [1, 1]} : vector<256x128xf32> to vector<256x64xf32>
    %swap3A_69 = arith.constant 1 : index
    %swap3A_70 = arith.constant 0 : index
    %swap3A_71 = arith.constant 0 : index
    %swap3A_72 = vector.load %arg9[%swap3A_69, %swap3A_70, %swap3A_71] : memref<2x256x64xf32, #tpu.memory_space<vmem>>, vector<1x256x64xf32>
    %swap3A_73 = vector.shape_cast %swap3A_72 : vector<1x256x64xf32> to vector<256x64xf32>
    %swap3A_74 = vector.shape_cast %slice3A_68 : vector<256x64xf32> to vector<1x256x64xf32>
    tpu.vector_store %arg9[%swap3A_69, %swap3A_70, %swap3A_71], %swap3A_74 {strides = array<i32>} : memref<2x256x64xf32, #tpu.memory_space<vmem>>, vector<1x256x64xf32>,
    return
  }
  func.func @transform_0(%arg0: i32) -> (i32, i32, i32) {
    %c0_i32 = arith.constant 0 : i32
    %c0_i32_0 = arith.constant 0 : i32
    %c0_i32_1 = arith.constant 0 : i32
    return %c0_i32, %arg0, %c0_i32_0 : i32, i32, i32
  }
  func.func @transform_1(%arg0: i32) -> (i32, i32) {
    %c0_i32 = arith.constant 0 : i32
    %c0_i32_0 = arith.constant 0 : i32
    return %arg0, %c0_i32 : i32, i32
  }
  func.func @transform_2(%arg0: i32) -> (i32, i32) {
    %c0_i32 = arith.constant 0 : i32
    %c0_i32_0 = arith.constant 0 : i32
    %c0_i32_1 = arith.constant 0 : i32
    return %c0_i32, %c0_i32_0 : i32, i32
  }
  func.func @transform_3(%arg0: i32) -> (i32, i32) {
    %c0_i32 = arith.constant 0 : i32
    %c0_i32_0 = arith.constant 0 : i32
    %c0_i32_1 = arith.constant 0 : i32
    return %c0_i32, %c0_i32_0 : i32, i32
  }
  func.func @transform_4(%arg0: i32) -> (i32, i32) {
    %c0_i32 = arith.constant 0 : i32
    %c0_i32_0 = arith.constant 0 : i32
    %c0_i32_1 = arith.constant 0 : i32
    return %c0_i32, %c0_i32_0 : i32, i32
  }
  func.func @transform_5(%arg0: i32) -> (i32, i32) {
    %c0_i32 = arith.constant 0 : i32
    %c0_i32_0 = arith.constant 0 : i32
    %c0_i32_1 = arith.constant 0 : i32
    return %c0_i32, %c0_i32_0 : i32, i32
  }
  func.func @transform_6(%arg0: i32) -> (i32, i32) {
    %c0_i32 = arith.constant 0 : i32
    %c0_i32_0 = arith.constant 0 : i32
    return %arg0, %c0_i32 : i32, i32
  }
  func.func @transform_7(%arg0: i32) -> (i32, i32) {
    %c0_i32 = arith.constant 0 : i32
    %c0_i32_0 = arith.constant 0 : i32
    return %arg0, %c0_i32 : i32, i32
  }
  func.func @transform_8(%arg0: i32) -> (i32, i32, i32) {
    %c0_i32 = arith.constant 0 : i32
    %c0_i32_0 = arith.constant 0 : i32
    %c0_i32_1 = arith.constant 0 : i32
    return %c0_i32, %arg0, %c0_i32_0 : i32, i32, i32
  }
}

module attributes {stable_mosaic.version = 14 : i64} {
  func.func @_final_body(%arg0: i32, %arg1: memref<2x256x64xf32, #tpu.memory_space<vmem>>, %arg2: memref<256x128xf32, #tpu.memory_space<vmem>>, %arg3: memref<1x128xf32, #tpu.memory_space<vmem>>, %arg4: memref<1x128xf32, #tpu.memory_space<vmem>>, %arg5: memref<1x128xf32, #tpu.memory_space<vmem>>, %arg6: memref<256x1xf32, #tpu.memory_space<vmem>>, %arg7: memref<256x128xf32, #tpu.memory_space<vmem>>) attributes {dimension_semantics = [#tpu.dimension_semantics<arbitrary>], iteration_bounds = array<i64: 40>, scalar_prefetch = 0 : i64, scratch_operands = 0 : i64, tpu.core_type = #tpu.core_type<tc>, window_params = [{transform_indices = @transform_0, window_bounds = array<i64: 2, 256, 64>}, {transform_indices = @transform_1, window_bounds = array<i64: 256, 128>}, {pipeline_mode = #tpu.pipeline_mode<synchronous>, transform_indices = @transform_2, window_bounds = array<i64: 1, 128>}, {pipeline_mode = #tpu.pipeline_mode<synchronous>, transform_indices = @transform_3, window_bounds = array<i64: 1, 128>}, {pipeline_mode = #tpu.pipeline_mode<synchronous>, transform_indices = @transform_4, window_bounds = array<i64: 1, 128>}, {transform_indices = @transform_5, window_bounds = array<i64: 256, 1>}, {transform_indices = @transform_6, window_bounds = array<i64: 256, 128>}]} {
    %get3A = arith.constant 0 : index
    %get3A_0 = arith.constant 0 : index
    %get3A_1 = vector.load %arg6[%get3A, %get3A_0] : memref<256x1xf32, #tpu.memory_space<vmem>>, vector<256x1xf32>
    %add3A = arith.constant 1.000000e+00 : f32
    %add3A_2 = vector.broadcast %add3A : f32 to vector<256x1xf32>
    %add3A_3 = arith.addf %get3A_1, %add3A_2 : vector<256x1xf32>
    %rsqrt3A = math.rsqrt %add3A_3 : vector<256x1xf32>
    %get3A_4 = arith.constant 0 : index
    %get3A_5 = arith.constant 0 : index
    %get3A_6 = arith.constant 0 : index
    %get3A_7 = vector.load %arg1[%get3A_4, %get3A_5, %get3A_6] : memref<2x256x64xf32, #tpu.memory_space<vmem>>, vector<1x256x64xf32>
    %get3A_8 = vector.shape_cast %get3A_7 : vector<1x256x64xf32> to vector<256x64xf32>
    %get3A_9 = arith.constant 1 : index
    %get3A_10 = arith.constant 0 : index
    %get3A_11 = arith.constant 0 : index
    %get3A_12 = vector.load %arg1[%get3A_9, %get3A_10, %get3A_11] : memref<2x256x64xf32, #tpu.memory_space<vmem>>, vector<1x256x64xf32>
    %get3A_13 = vector.shape_cast %get3A_12 : vector<1x256x64xf32> to vector<256x64xf32>
    %concatenate3A = tpu.concatenate %get3A_8, %get3A_13 in 1 : vector<256x64xf32>, vector<256x64xf32> -> vector<256x128xf32>
    %mul3A = vector.broadcast %rsqrt3A : vector<256x1xf32> to vector<256x128xf32>
    %mul3A_14 = arith.mulf %concatenate3A, %mul3A : vector<256x128xf32>
    %get3A_15 = arith.constant 0 : index
    %get3A_16 = arith.constant 0 : index
    %get3A_17 = vector.load %arg3[%get3A_15, %get3A_16] : memref<1x128xf32, #tpu.memory_space<vmem>>, vector<1x128xf32>
    %add3A_18 = vector.broadcast %get3A_17 : vector<1x128xf32> to vector<256x128xf32>
    %add3A_19 = arith.addf %mul3A_14, %add3A_18 : vector<256x128xf32>
    %get3A_20 = arith.constant 0 : index
    %get3A_21 = arith.constant 0 : index
    %get3A_22 = vector.load %arg4[%get3A_20, %get3A_21] : memref<1x128xf32, #tpu.memory_space<vmem>>, vector<1x128xf32>
    %get3A_23 = arith.constant 0 : index
    %get3A_24 = arith.constant 0 : index
    %get3A_25 = vector.load %arg5[%get3A_23, %get3A_24] : memref<1x128xf32, #tpu.memory_space<vmem>>, vector<1x128xf32>
    %reduce_sum3A = arith.constant dense<0.000000e+00> : vector<256xf32>
    %reduce_sum3A_26 = vector.multi_reduction <add>, %add3A_19, %reduce_sum3A [1] : vector<256x128xf32> to vector<256xf32>
    %broadcast_in_dim3A = vector.shape_cast %reduce_sum3A_26 : vector<256xf32> to vector<256x1xf32>
    %div3A = arith.constant 1.280000e+02 : f32
    %div3A_27 = vector.broadcast %div3A : f32 to vector<256x1xf32>
    %div3A_28 = arith.divf %broadcast_in_dim3A, %div3A_27 : vector<256x1xf32>
    %sub3A = vector.broadcast %div3A_28 : vector<256x1xf32> to vector<256x128xf32>
    %sub3A_29 = arith.subf %add3A_19, %sub3A : vector<256x128xf32>
    %integer_pow3A = arith.mulf %sub3A_29, %sub3A_29 : vector<256x128xf32>
    %reduce_sum3A_30 = arith.constant dense<0.000000e+00> : vector<256xf32>
    %reduce_sum3A_31 = vector.multi_reduction <add>, %integer_pow3A, %reduce_sum3A_30 [1] : vector<256x128xf32> to vector<256xf32>
    %broadcast_in_dim3A_32 = vector.shape_cast %reduce_sum3A_31 : vector<256xf32> to vector<256x1xf32>
    %div3A_33 = arith.constant 1.280000e+02 : f32
    %div3A_34 = vector.broadcast %div3A_33 : f32 to vector<256x1xf32>
    %div3A_35 = arith.divf %broadcast_in_dim3A_32, %div3A_34 : vector<256x1xf32>
    %sub3A_36 = vector.broadcast %div3A_28 : vector<256x1xf32> to vector<256x128xf32>
    %sub3A_37 = arith.subf %add3A_19, %sub3A_36 : vector<256x128xf32>
    %add3A_38 = arith.constant 9.99999974E-6 : f32
    %add3A_39 = vector.broadcast %add3A_38 : f32 to vector<256x1xf32>
    %add3A_40 = arith.addf %div3A_35, %add3A_39 : vector<256x1xf32>
    %rsqrt3A_41 = math.rsqrt %add3A_40 : vector<256x1xf32>
    %mul3A_42 = vector.broadcast %rsqrt3A_41 : vector<256x1xf32> to vector<256x128xf32>
    %mul3A_43 = arith.mulf %sub3A_37, %mul3A_42 : vector<256x128xf32>
    %mul3A_44 = vector.broadcast %get3A_22 : vector<1x128xf32> to vector<256x128xf32>
    %mul3A_45 = arith.mulf %mul3A_43, %mul3A_44 : vector<256x128xf32>
    %add3A_46 = vector.broadcast %get3A_25 : vector<1x128xf32> to vector<256x128xf32>
    %add3A_47 = arith.addf %mul3A_45, %add3A_46 : vector<256x128xf32>
    %max3A = arith.constant 0.000000e+00 : f32
    %max3A_48 = vector.broadcast %max3A : f32 to vector<256x128xf32>
    %max3A_49 = arith.maximumf %add3A_47, %max3A_48 : vector<256x128xf32>
    %get3A_50 = arith.constant 0 : index
    %get3A_51 = arith.constant 0 : index
    %get3A_52 = vector.load %arg2[%get3A_50, %get3A_51] : memref<256x128xf32, #tpu.memory_space<vmem>>, vector<256x128xf32>
    %add3A_53 = arith.addf %max3A_49, %get3A_52 : vector<256x128xf32>
    %swap3A = arith.constant 0 : index
    %swap3A_54 = arith.constant 0 : index
    %swap3A_55 = vector.load %arg7[%swap3A, %swap3A_54] : memref<256x128xf32, #tpu.memory_space<vmem>>, vector<256x128xf32>
    tpu.vector_store %arg7[%swap3A, %swap3A_54], %add3A_53 {strides = array<i32>} : memref<256x128xf32, #tpu.memory_space<vmem>>, vector<256x128xf32>,
    return
  }
  func.func @transform_0(%arg0: i32) -> (i32, i32, i32) {
    %c0_i32 = arith.constant 0 : i32
    %c0_i32_0 = arith.constant 0 : i32
    %c0_i32_1 = arith.constant 0 : i32
    return %c0_i32, %arg0, %c0_i32_0 : i32, i32, i32
  }
  func.func @transform_1(%arg0: i32) -> (i32, i32) {
    %c0_i32 = arith.constant 0 : i32
    %c0_i32_0 = arith.constant 0 : i32
    return %arg0, %c0_i32 : i32, i32
  }
  func.func @transform_2(%arg0: i32) -> (i32, i32) {
    %c0_i32 = arith.constant 0 : i32
    %c0_i32_0 = arith.constant 0 : i32
    %c0_i32_1 = arith.constant 0 : i32
    return %c0_i32, %c0_i32_0 : i32, i32
  }
  func.func @transform_3(%arg0: i32) -> (i32, i32) {
    %c0_i32 = arith.constant 0 : i32
    %c0_i32_0 = arith.constant 0 : i32
    %c0_i32_1 = arith.constant 0 : i32
    return %c0_i32, %c0_i32_0 : i32, i32
  }
  func.func @transform_4(%arg0: i32) -> (i32, i32) {
    %c0_i32 = arith.constant 0 : i32
    %c0_i32_0 = arith.constant 0 : i32
    %c0_i32_1 = arith.constant 0 : i32
    return %c0_i32, %c0_i32_0 : i32, i32
  }
  func.func @transform_5(%arg0: i32) -> (i32, i32) {
    %c0_i32 = arith.constant 0 : i32
    %c0_i32_0 = arith.constant 0 : i32
    return %arg0, %c0_i32 : i32, i32
  }
  func.func @transform_6(%arg0: i32) -> (i32, i32) {
    %c0_i32 = arith.constant 0 : i32
    %c0_i32_0 = arith.constant 0 : i32
    return %arg0, %c0_i32 : i32, i32
  }
}

</mosaic_0001>

<sc_bundles>
// kernel: kernel.12.cloned.1.call-start
scs
__scs_entry_jumppad:
0x0: {  	(pc) =	sbr.rel $0x88, $3  }
0x1: {  	(tag) =	ssettag $0x0;
	lr =	simm.s32 $0x1  }
0x2: {  	[smem:$0x3F97] =	sst lr;
	_ =	strace $0xD0000000  }
0x3: {  	_ = 	snop  }
0x4: {  	_ = 	snop  }
0x5: {  	_ = 	snop  }
0x6: {  	_ = 	snop  }
0x7: {  	_ = 	snop  }
__scs_overlays_trampoline_lowered:
0x8: {  	[smem:$0x3FA6] =	sst s0  }
0x9: {  	[smem:$0x3FA7] =	sst s1  }
0xa: {  	[smem:$0x3FA8] =	sst s2  }
0xb: {  	[smem:$0x3FA9] =	sst s3  }
0xc: {  	[smem:$0x3FAA] =	sst s4  }
0xd: {  	[smem:$0x3FAB] =	sst s5  }
0xe: {  	[smem:$0x3FAC] =	sst s6  }
0xf: {  	[smem:$0x3FAD] =	sst s7  }
0x10: {  	[smem:$0x3FAE] =	sst s8  }
0x11: {  	[smem:$0x3FAF] =	sst s9;
	s0 =	simm.s32 @!p0 $0x0  }
0x12: {  	s1 =	sld [smem:$0x3F95];
	s0 =	simm.s32 @p0 $0x1  }
0x13: {  	[smem:$0x3FB0] =	sst s0;
	s0 =	simm.s32 @!p1 $0x0  }
0x14: {  	s2 =	sld [smem:$0x3F94];
	s0 =	simm.s32 @p1 $0x1  }
0x15: {  	[smem:$0x3FB1] =	sst s0;
	s0 =	simm.s32 @!p2 $0x0  }
0x16: {  	s3 =	sld [smem:$0x3FDB];
	s0 =	simm.s32 @p2 $0x1  }
0x17: {  	s4 =	simm.s32 $0x1BF5;
	[smem:$0x3FB3] =	sst s0  }
0x18: {  	s0 =	sld [smem:$0x3F96];
	_ =	swait.ge [sflag:s4], $0x0  }
0x19: {  	s7 =	sld [smem:$0x3F97]  }
0x1a: {  	s8 =	sadd.s32 $0xFFFFE003, lr  }
0x1b: {  	s9 =	sadd.s32 $0xFFFFFEF7, lr;
	s5 =	simm.s32 $0xFFFFFFFF;
	p2 =	slt.u32 s8, $0xFFFFF086  }
0x1c: {  	p1 =	slt.u32 s9, $0xF7A;
	s5 =	simm.s32 @!p2 $0x0  }
0x1d: {  	s5 =	simm.s32 @p1 $0x1;
	p0 =	seq.s32 s7, s2  }
0x1e: {  	s7 =	smul.u32 @!p0 $0xF7A, s2;
	p2 =	seq.s32 @!p0 s5, $0x0  }
0x1f: {  	s9 =	smul.u32 $0xF7A, s1;
	s8 =	simm.s32 @!p0 $0x1BF5;
	p2 =	por !p2, p0  }
0x20: {  	[sflag:s8] =	ssyncset.s32 @!p0 $0xFFFFF086;
	s6 =	sadd.s32 @!p0 s3, s7;
	s7 =	simm.s32 @!p0 $0x108  }
0x21: {  	s3 =	sadd.s32 s3, s9;
	s6 =	sadd.s32 @!p0 $0x88, s6;
	s7 =	simm.s32 @p2 $0x1082  }
0x22: {  	[simem:s7], [sflag:s8] =	dma.local @!p0 [hbm:s6], $0xF7A  }
0x23: {  	s9 =	sor.u32 $0xD0000000, s2;
	s6 =	simm.s32 $0x108;
	_ =	swait.ge @!p0 [sflag:s8], $0x0  }
0x24: {  	s3 =	sadd.s32 $0x88, s3;
	s6 =	simm.s32 @!p1 $0x1082;
	[sflag:s4] =	ssyncset.s32 $0xFFFFF086  }
0x25: {  	[simem:s6], [sflag:s4] =	dma.local [hbm:s3], $0xF7A  }
0x26: {  	[smem:$0x3F97] =	sst s1;
	(tag) =	ssettag s2;
	_ =	strace s9  }
0x27: {  	s1 =	sld [smem:$0x3FA7]  }
0x28: {  	s2 =	sld [smem:$0x3FA8]  }
0x29: {  	s4 =	sld [smem:$0x3FAA]  }
0x2a: {  	p0 =	seq.s32 s5, $0x0;
	s5 =	sld [smem:$0x3FAB]  }
0x2b: {  	s6 =	sld [smem:$0x3FAC]  }
0x2c: {  	s7 =	sld [smem:$0x3FAD]  }
0x2d: {  	s3 =	simm.s32 $0x108;
	s8 =	sld [smem:$0x3FAE]  }
0x2e: {  	s3 =	simm.s32 @!p0 $0x1082;
	s9 =	sld [smem:$0x3FAF]  }
0x2f: {  	lr =	sadd.s32 s0, s3;
	s0 =	sld [smem:$0x3FA6]  }
0x30: {  	s3 =	sld [smem:$0x3FA9]  }
0x31: {  	[smem:$0x3FB2] =	sst s10  }
0x32: {  	s10 =	sld [smem:$0x3FB0];
	_ =	sdelay $0x3  }
0x33: {  	p0 =	seq.s32 s10, $0x1;
	s10 =	sld [smem:$0x3FB2];
	_ =	sdelay $0x3  }
0x34: {  	[smem:$0x3FB2] =	sst s10  }
0x35: {  	s10 =	sld [smem:$0x3FB1];
	_ =	sdelay $0x3  }
0x36: {  	p1 =	seq.s32 s10, $0x1;
	s10 =	sld [smem:$0x3FB2];
	_ =	sdelay $0x3  }
0x37: {  	[smem:$0x3FB2] =	sst s10  }
0x38: {  	s10 =	sld [smem:$0x3FB3]  }
0x39: {  	_ = 	snop;
	(pc) =	sbr.ind lr, $3  }
0x3a: {  	_ = 	snop  }
0x3b: {  	_ = 	snop  }
0x3c: {  	p2 =	seq.s32 s10, $0x1;
	s10 =	sld [smem:$0x3FB2]  }
0x3d: {  	_ =	shalt  }
0x3e: {  	_ =	shalt  }
0x3f: {  	_ =	shalt  }
0x40: {  	_ =	shalt  }
0x41: {  	_ =	shalt  }
0x42: {  	_ =	shalt  }
0x43: {  	_ =	shalt  }
0x44: {  	_ =	shalt  }
0x45: {  	_ =	shalt  }
0x46: {  	_ =	shalt  }
0x47: {  	_ =	shalt  }
0x48: {  	_ =	shalt  }
0x49: {  	_ =	shalt  }
0x4a: {  	_ =	shalt  }
0x4b: {  	_ =	shalt  }
0x4c: {  	_ =	shalt  }
0x4d: {  	_ =	shalt  }
0x4e: {  	_ =	shalt  }
0x4f: {  	_ =	shalt  }
0x50: {  	_ =	shalt  }
0x51: {  	_ =	shalt  }
0x52: {  	_ =	shalt  }
0x53: {  	_ =	shalt  }
0x54: {  	_ =	shalt  }
0x55: {  	_ =	shalt  }
0x56: {  	_ =	shalt  }
0x57: {  	_ =	shalt  }
0x58: {  	_ =	shalt  }
0x59: {  	_ =	shalt  }
0x5a: {  	_ =	shalt  }
0x5b: {  	_ =	shalt  }
0x5c: {  	_ =	shalt  }
0x5d: {  	_ =	shalt  }
0x5e: {  	_ =	shalt  }
0x5f: {  	_ =	shalt  }
0x60: {  	_ =	shalt  }
0x61: {  	_ =	shalt  }
0x62: {  	_ =	shalt  }
0x63: {  	_ =	shalt  }
0x64: {  	_ =	shalt  }
0x65: {  	_ =	shalt  }
0x66: {  	_ =	shalt  }
0x67: {  	_ =	shalt  }
0x68: {  	_ =	shalt  }
0x69: {  	_ =	shalt  }
0x6a: {  	_ =	shalt  }
0x6b: {  	_ =	shalt  }
0x6c: {  	_ =	shalt  }
0x6d: {  	_ =	shalt  }
0x6e: {  	_ =	shalt  }
0x6f: {  	_ =	shalt  }
0x70: {  	_ =	shalt  }
0x71: {  	_ =	shalt  }
0x72: {  	_ =	shalt  }
0x73: {  	_ =	shalt  }
0x74: {  	_ =	shalt  }
0x75: {  	_ =	shalt  }
0x76: {  	_ =	shalt  }
0x77: {  	_ =	shalt  }
0x78: {  	_ =	shalt  }
0x79: {  	_ =	shalt  }
0x7a: {  	_ =	shalt  }
0x7b: {  	_ =	shalt  }
0x7c: {  	_ =	shalt  }
0x7d: {  	_ =	shalt  }
0x7e: {  	_ =	shalt  }
0x7f: {  	_ =	shalt  }
0x80: {  	_ =	shalt  }
0x81: {  	_ =	shalt  }
0x82: {  	_ =	shalt  }
0x83: {  	_ =	shalt  }
0x84: {  	_ =	shalt  }
0x85: {  	_ =	shalt  }
0x86: {  	_ =	shalt  }
0x87: {  	_ =	shalt  }
.Lfunc_end0:
.L_simem_size_0:
called_computation.1_lowered:
.L_overlay_start_0:
0x88: {  	s2 =	sld [smem:$0x3FD9]  }
0x89: {  	s3 =	sld [smem:$0x3FFE];
	_ =	sdelay $0x1  }
0x8a: {  	s1 =	srdreg.scid  }
0x8b: {  	s0 =	sand.u32 $0x1, s1  }
0x8c: {  	s17 =	sshll.u32 s0, $0xA;
	s2 =	sadd.s32 s3, s2  }
0x8d: {  	s2 =	sadd.s32 s2, s17  }
0x8e: {  	[smem:$0x3FBE] =	sst s2  }
0x8f: {  	_ = 	snop  }
0x90: {  	s2 =	sld [smem:$0x3FD0];
	(tm) =	ssettm $0x1  }
0x91: {  	s18 =	sld [smem:$0x3FFB];
	_ =	sdelay $0x3  }
0x92: {  	_ =	strace s18  }
0x93: {  	s3 =	sld [smem:$0x3FFC];
	_ =	sdelay $0x3  }
0x94: {  	_ =	strace s3  }
0x95: {  	s3 =	sld [smem:$0x3FFD];
	_ =	sdelay $0x3  }
0x96: {  	_ =	strace s3  }
0x97: {  	_ =	strace $0x8FFFFFFF  }
0x98: {  	s19 =	sld [smem:$0x3FDB];
	_ =	sdelay $0x1  }
0x99: {  	s4 =	simm.s32 $_scs_section_size  }
0x9a: {  	s5 =	simm.s32 $_size__tile_overlayer_lowered;
	s6 =	simm.s32 $_tile_overlayer_lowered  }
0x9b: {  	s22 =	simm.s32 $0x1BFF;
	s21 =	sshll.u32 s6, $0x1;
	s3 =	sadd.s32 s4, s19  }
0x9c: {  	s7 =	simm.s32 $0x0;
	s20 =	sshll.u32 s5, $0x1;
	s5 =	sadd.s32 s21, s3  }
0x9d: {  	[timem:s7], [sflag:s22] =	dma.local [hbm:s5], s20  }
0x9e: {  	_ =	swait.ge [sflag:s22], s20  }
0x9f: {  	s4 =	ssub.s32 $0x0, s20;
	[sflag:s22] =	ssyncset.done $0x0  }
0xa0: {  	[sflag:s22] =	ssyncadd.s32 s4;
	_ =	sdelay $0x1  }
0xa1: {  	s23 =	simm.s32 $0x1B8B  }
0xa2: {  	_ =	swait.ge [sflag:s23], $0x1  }
0xa3: {  	[sflag:s23] =	ssyncset.done $0x0  }
0xa4: {  	s25 =	simm.s32 $0x1B8E;
	s24 =	sld [smem:$0x3FFE];
	[sflag:s23] =	ssyncadd.s32 $0xFFFFFFFF  }
0xa5: {  	s26 =	simm.s32 $execute0_lowered;
	[smem:$0x3FD2] =	sst s25  }
0xa6: {  	s5 =	sshll.u32 s26, $0x1;
	_ =	strace $0x80000049;
	[dreg:$0x1] =	wrdreg $0xFFFFFFFF  }
0xa7: {  	s28 =	simm.s32 $_size_execute0_lowered;
	s3 =	sadd.s32 s3, s5;
	[dreg:$0x0] =	wrdreg $0x0  }
0xa8: {  	s5 =	sshll.u32 s28, $0x1;
	[dreg:$0x2] =	wrdreg s3  }
0xa9: {  	[dreg:$0x3] =	wrdreg s5  }
0xaa: {  	[dreg:$0x4] =	wrdreg $0xC0  }
0xab: {  	_ =	task [dreg:s7], $0x5FFFF  }
0xac: {  	[dreg:$0x1] =	wrdreg $0xFFFFFFFF  }
0xad: {  	[dreg:$0x0] =	wrdreg $0x60  }
0xae: {  	[dreg:$0x2] =	wrdreg s24  }
0xaf: {  	[dreg:$0x3] =	wrdreg s2  }
0xb0: {  	[dreg:$0x4] =	wrdreg $0x140000  }
0xb1: {  	[dreg:$0x5] =	wrdreg $0x9  }
0xb2: {  	_ =	task.clear_ibuf [dreg:s7], $0x6FFFF;
	_ =	strace $0x90000049  }
0xb3: {  	s29 =	simm.s32 $0x9;
	_ =	strace $0x8000004B  }
0xb4: {  	_ =	swait.ge [sflag:s29], $0x1  }
0xb5: {  	[sflag:s29] =	ssyncadd.s32 $0xFFFFFFFF  }
0xb6: {  	_ =	strace $0x9000004B  }
0xb7: {  	_ =	sfence  }
0xb8: {  	s30 =	sld [smem:$0x0];
	_ =	sdelay $0x2  }
0xb9: {  	s31 =	sshll.u32 s1, $0xD;
	s1 =	sshrl.u32 s1, $0x2  }
0xba: {  	s3 =	sand.u32 $0x4000, s31;
	s1 =	sadd.s32 s1, s30  }
0xbb: {  	s0 =	sor.u32 s3, s0;
	s1 =	sshll.u32 s1, $0x11  }
0xbc: {  	s0 =	sor.u32 s1, s0  }
0xbd: {  	s0 =	sadd.s32 $0x8F2B, s0  }
0xbe: {  	[sflag:s0] =	ssyncadd.remote.s32 $0x1  }
0xbf: {  	_ =	sfence.sel $0xFFFF  }
0xc0: {  	[dreg:$0x0] =	wrdreg $0xFFFFFFFF;
	(pc) =	sbr.abs _section_cstart, $3  }
0xc1: {  	[dreg:$0x1] =	wrdreg $0xFFFFFFFF  }
0xc2: {  	_ =	task.clear_ibuf [dreg:s7], $0x2FFFF;
	_ =	strace $0x9FFFFFFF  }
0xc3: {  	(tm) =	ssettm $0x7FFFFFFF  }
tec
execute0_lowered:
.L_overlay_start_1:
0x0: {  	(tag) =	ssettag $0x1  }
0x1: {  	s0 =	rddreg [dreg:$0x0]  }
0x2: {  	s1 =	srdreg.scid;
	s4 =	rddreg [dreg:$0x1]  }
0x3: {  	s12 =	stileid.u32;
	s2 =	rddreg [dreg:$0x2]  }
0x4: {  	s3 =	simm.s32 $0x0;
	s14 =	simm.s32 $0x80;
	s15 =	simm.s32 $0xA000  }
0x5: {  	s16 =	simm.s32 $0xC000;
	s18 =	simm.s32 $0xE000;
	s20 =	simm.s32 $0x10000  }
0x6: {  	s22 =	simm.s32 $0x12000;
	s23 =	simm.s32 $0x1;
	s7 =	smul.u32 $0xA000, s12  }
0x7: {  	s24 =	simm.s32 $0x2;
	s28 =	simm.s32 $0x5;
	s8 =	smul.u32 $0xA00, s12  }
0x8: {  	s29 =	simm.s32 $0x9D80;
	s1 =	sand.u32 $0x1, s1;
	s10 =	smul.u32 $0x1400, s12  }
0x9: {  	s30 =	simm.s32 $0x9E00;
	s31 =	simm.s32 $0x9E80;
	s5 =	smul.u32 $0x14000, s1  }
0xa: {  	[smem:$0x7FF] =	sst s3;
	s26 =	sshll.u32 s12, $0x6;
	s6 =	smul.u32 $0xA0000, s1  }
0xb: {  	_ =	strace $0x8000004A;
	s1 =	ssub.s32 $0x2, s1;
	s12 =	sor.u32 $0x1C06, s26  }
0xc: {  	s26 =	simm.s32 $0x4;
	s9 =	sadd.s32 s8, s0;
	s25 =	sshrl.u32 s1, $0x1  }
0xd: {  	s4 =	sadd.s32 s4, s8;
	s11 =	sadd.s32 s7, s2;
	s5 =	sadd.s32 s5, s0  }
0xe: {  	s6 =	sadd.s32 s7, s6;
	s1 =	ssub.s32 s1, s25;
	s13 =	sshrl.u32 s11, $0x3  }
0xf: {  	s25 =	simm.s32 $0x3;
	s11 =	simm.s32 $0x0;
	s6 =	sshrl.u32 s6, $0x3  }
0x10: {  	s5 =	sadd.s32 $0xC000, s5;
	s0 =	sadd.s32 s6, s0;
	s6 =	sadd.s32 $0x2000, s9  }
0x11: {  	s7 =	sadd.s32 s10, s5;
	s9 =	smax.u32 s1, $0x1;
	s10 =	simm.s32 $0x6  }
0x12: {  	s1 =	simm.s32 $0x9F00;
	s8 =	sadd.s32 $0x34000, s0;
	s0 =	simm.s32 $0x9F80  }
.LBB2_1:
0x13: {  	[tilespmem:s3], [sflag:$0x6] =	stream.linear.gather [hbm4b:s4+s3], $0x5000, $0x38;
	[tilespmem:$0x1E000] =	vst v63  }
0x14: {  	_ =	swait.ge [sflag:s10], $0x5000  }
0x15: {  	[sflag:s10] =	ssyncset.done $0x0  }
0x16: {  	s17 =	simm.s32 $0x5000;
	[sflag:s10] =	ssyncadd.s32 $0xFFFFB000  }
0x17: {  	[tilespmem:s17], [sflag:$0x6] =	stream.linear.gather [hbm4b:s6+s3], $0x5000, $0x38;
	[tilespmem:$0x1E000] =	vst v63  }
0x18: {  	_ =	swait.ge [sflag:s10], $0x5000  }
0x19: {  	[sflag:s10] =	ssyncset.done $0x0  }
0x1a: {  	[sflag:s10] =	ssyncadd.s32 $0xFFFFB000  }
0x1b: {  	[spmem:s13], [sflag:s12] =	dma.local [hbm:s7], $0x1400  }
0x1c: {  	_ =	swait.ge [sflag:s10], $0x1400  }
0x1d: {  	[sflag:s10] =	ssyncset.done $0x0  }
0x1e: {  	[sflag:s10] =	ssyncadd.s32 $0xFFFFEC00  }
0x1f: {  	[bflag:$0x0] =	sbarrier.arrive $0xFFFF  }
0x20: {  	[tilespmem:s15], [sflag:$0x1] =	stream.indirect.gather [hbm4b:s5+s14], $0x40, s3, s14, $0xb8;
	[tilespmem:$0x1E000] =	vst v63  }
0x21: {  	_ = 	snop  }
0x22: {  	[tilespmem:s16], [sflag:$0x2] =	stream.indirect.gather [hbm4b:s5+s14], $0x40, s14, s14, $0xb8;
	[tilespmem:$0x1E000] =	vst v63  }
0x23: {  	s19 =	simm.s32 $0x100  }
0x24: {  	[tilespmem:s18], [sflag:$0x3] =	stream.indirect.gather [hbm4b:s5+s14], $0x40, s19, s14, $0xb8;
	[tilespmem:$0x1E000] =	vst v63  }
0x25: {  	s21 =	simm.s32 $0x180  }
0x26: {  	[tilespmem:s20], [sflag:$0x4] =	stream.indirect.gather [hbm4b:s5+s14], $0x40, s21, s14, $0xb8;
	[tilespmem:$0x1E000] =	vst v63  }
0x27: {  	s19 =	simm.s32 $0x200  }
0x28: {  	[tilespmem:s22], [sflag:$0x5] =	stream.indirect.gather [hbm4b:s5+s14], $0x40, s19, s14, $0xb8;
	[tilespmem:$0x1E000] =	vst v63  }
0x29: {  	_ =	swait.ge [sflag:s23], $0x2000  }
0x2a: {  	[sflag:s23] =	ssyncset.done $0x0  }
0x2b: {  	s21 =	simm.s32 $0x5000;
	[sflag:s23] =	ssyncadd.s32 $0xFFFFE000  }
0x2c: {  	[spmem:s2] =	stream.indirect.scatter.add.f32 [tilespmem:s15], [sflag:$0x6], $0x40, s21, s14, $0xb8;
	[tilespmem:$0x1E000] =	vst v63  }
0x2d: {  	_ =	swait.ge [sflag:s10], $0x2000  }
0x2e: {  	[sflag:s10] =	ssyncset.done $0x0  }
0x2f: {  	s19 =	simm.s32 $0x280;
	[sflag:s10] =	ssyncadd.s32 $0xFFFFE000  }
0x30: {  	[tilespmem:s15], [sflag:$0x1] =	stream.indirect.gather [hbm4b:s5+s14], $0x40, s19, s14, $0xb8;
	[tilespmem:$0x1E000] =	vst v63  }
0x31: {  	_ =	swait.ge [sflag:s24], $0x2000  }
0x32: {  	[sflag:s24] =	ssyncset.done $0x0  }
0x33: {  	s21 =	simm.s32 $0x5080;
	[sflag:s24] =	ssyncadd.s32 $0xFFFFE000  }
0x34: {  	[spmem:s2] =	stream.indirect.scatter.add.f32 [tilespmem:s16], [sflag:$0x6], $0x40, s21, s14, $0xb8;
	[tilespmem:$0x1E000] =	vst v63  }
0x35: {  	_ =	swait.ge [sflag:s10], $0x2000  }
0x36: {  	[sflag:s10] =	ssyncset.done $0x0  }
0x37: {  	s19 =	simm.s32 $0x300;
	[sflag:s10] =	ssyncadd.s32 $0xFFFFE000  }
0x38: {  	[tilespmem:s16], [sflag:$0x2] =	stream.indirect.gather [hbm4b:s5+s14], $0x40, s19, s14, $0xb8;
	[tilespmem:$0x1E000] =	vst v63  }
0x39: {  	_ =	swait.ge [sflag:s25], $0x2000  }
0x3a: {  	[sflag:s25] =	ssyncset.done $0x0  }
0x3b: {  	s21 =	simm.s32 $0x5100;
	[sflag:s25] =	ssyncadd.s32 $0xFFFFE000  }
0x3c: {  	[spmem:s2] =	stream.indirect.scatter.add.f32 [tilespmem:s18], [sflag:$0x6], $0x40, s21, s14, $0xb8;
	[tilespmem:$0x1E000] =	vst v63  }
0x3d: {  	_ =	swait.ge [sflag:s10], $0x2000  }
0x3e: {  	[sflag:s10] =	ssyncset.done $0x0  }
0x3f: {  	s19 =	simm.s32 $0x380;
	[sflag:s10] =	ssyncadd.s32 $0xFFFFE000  }
0x40: {  	[tilespmem:s18], [sflag:$0x3] =	stream.indirect.gather [hbm4b:s5+s14], $0x40, s19, s14, $0xb8;
	[tilespmem:$0x1E000] =	vst v63  }
0x41: {  	_ =	swait.ge [sflag:s26], $0x2000  }
0x42: {  	[sflag:s26] =	ssyncset.done $0x0  }
0x43: {  	s21 =	simm.s32 $0x5180;
	[sflag:s26] =	ssyncadd.s32 $0xFFFFE000  }
0x44: {  	[spmem:s2] =	stream.indirect.scatter.add.f32 [tilespmem:s20], [sflag:$0x6], $0x40, s21, s14, $0xb8;
	[tilespmem:$0x1E000] =	vst v63  }
0x45: {  	_ =	swait.ge [sflag:s10], $0x2000  }
0x46: {  	[sflag:s10] =	ssyncset.done $0x0  }
0x47: {  	s19 =	simm.s32 $0x400;
	[sflag:s10] =	ssyncadd.s32 $0xFFFFE000  }
0x48: {  	[tilespmem:s20], [sflag:$0x4] =	stream.indirect.gather [hbm4b:s5+s14], $0x40, s19, s14, $0xb8;
	[tilespmem:$0x1E000] =	vst v63  }
0x49: {  	_ =	swait.ge [sflag:s28], $0x2000  }
0x4a: {  	[sflag:s28] =	ssyncset.done $0x0  }
0x4b: {  	s21 =	simm.s32 $0x5200;
	[sflag:s28] =	ssyncadd.s32 $0xFFFFE000  }
0x4c: {  	[spmem:s2] =	stream.indirect.scatter.add.f32 [tilespmem:s22], [sflag:$0x6], $0x40, s21, s14, $0xb8;
	[tilespmem:$0x1E000] =	vst v63  }
0x4d: {  	_ =	swait.ge [sflag:s10], $0x2000  }
0x4e: {  	[sflag:s10] =	ssyncset.done $0x0  }
0x4f: {  	s17 =	simm.s32 $0xA00;
	s19 =	simm.s32 $0x480;
	[sflag:s10] =	ssyncadd.s32 $0xFFFFE000  }
.LBB2_2:
0x50: {  	[tilespmem:s22], [sflag:$0x5] =	stream.indirect.gather [hbm4b:s5+s14], $0x40, s19, s14, $0xb8;
	[tilespmem:$0x1E000] =	vst v63  }
0x51: {  	s19 =	smov.u32 s17  }
0x52: {  	p0 =	sne.s32 s17, $0x12C00;
	s17 =	sadd.s32 $0xA00, s17;
	_ =	swait.ge [sflag:s23], $0x2000  }
0x53: {  	s19 =	sshra.s32 s19, $0x2;
	[sflag:s23] =	ssyncset.done $0x0  }
0x54: {  	s21 =	sadd.s32 $0x5000, s19;
	[sflag:s23] =	ssyncadd.s32 $0xFFFFE000  }
0x55: {  	[spmem:s2] =	stream.indirect.scatter.add.f32 [tilespmem:s15], [sflag:$0x6], $0x40, s21, s14, $0xb8;
	[tilespmem:$0x1E000] =	vst v63  }
0x56: {  	_ =	swait.ge [sflag:s10], $0x2000  }
0x57: {  	[sflag:s10] =	ssyncset.done $0x0  }
0x58: {  	s21 =	sadd.s32 $0x280, s19;
	[sflag:s10] =	ssyncadd.s32 $0xFFFFE000  }
0x59: {  	[tilespmem:s15], [sflag:$0x1] =	stream.indirect.gather [hbm4b:s5+s14], $0x40, s21, s14, $0xb8;
	[tilespmem:$0x1E000] =	vst v63  }
0x5a: {  	_ =	swait.ge [sflag:s24], $0x2000  }
0x5b: {  	[sflag:s24] =	ssyncset.done $0x0  }
0x5c: {  	s21 =	sadd.s32 $0x5080, s19;
	[sflag:s24] =	ssyncadd.s32 $0xFFFFE000  }
0x5d: {  	[spmem:s2] =	stream.indirect.scatter.add.f32 [tilespmem:s16], [sflag:$0x6], $0x40, s21, s14, $0xb8;
	[tilespmem:$0x1E000] =	vst v63  }
0x5e: {  	_ =	swait.ge [sflag:s10], $0x2000  }
0x5f: {  	[sflag:s10] =	ssyncset.done $0x0  }
0x60: {  	s21 =	sadd.s32 $0x300, s19;
	[sflag:s10] =	ssyncadd.s32 $0xFFFFE000  }
0x61: {  	[tilespmem:s16], [sflag:$0x2] =	stream.indirect.gather [hbm4b:s5+s14], $0x40, s21, s14, $0xb8;
	[tilespmem:$0x1E000] =	vst v63  }
0x62: {  	_ =	swait.ge [sflag:s25], $0x2000  }
0x63: {  	[sflag:s25] =	ssyncset.done $0x0  }
0x64: {  	s21 =	sadd.s32 $0x5100, s19;
	[sflag:s25] =	ssyncadd.s32 $0xFFFFE000  }
0x65: {  	[spmem:s2] =	stream.indirect.scatter.add.f32 [tilespmem:s18], [sflag:$0x6], $0x40, s21, s14, $0xb8;
	[tilespmem:$0x1E000] =	vst v63  }
0x66: {  	_ =	swait.ge [sflag:s10], $0x2000  }
0x67: {  	[sflag:s10] =	ssyncset.done $0x0  }
0x68: {  	s21 =	sadd.s32 $0x380, s19;
	[sflag:s10] =	ssyncadd.s32 $0xFFFFE000  }
0x69: {  	[tilespmem:s18], [sflag:$0x3] =	stream.indirect.gather [hbm4b:s5+s14], $0x40, s21, s14, $0xb8;
	[tilespmem:$0x1E000] =	vst v63  }
0x6a: {  	_ =	swait.ge [sflag:s26], $0x2000  }
0x6b: {  	[sflag:s26] =	ssyncset.done $0x0  }
0x6c: {  	s21 =	sadd.s32 $0x5180, s19;
	[sflag:s26] =	ssyncadd.s32 $0xFFFFE000  }
0x6d: {  	[spmem:s2] =	stream.indirect.scatter.add.f32 [tilespmem:s20], [sflag:$0x6], $0x40, s21, s14, $0xb8;
	[tilespmem:$0x1E000] =	vst v63  }
0x6e: {  	_ =	swait.ge [sflag:s10], $0x2000  }
0x6f: {  	[sflag:s10] =	ssyncset.done $0x0  }
0x70: {  	s21 =	sadd.s32 $0x400, s19;
	[sflag:s10] =	ssyncadd.s32 $0xFFFFE000  }
0x71: {  	[tilespmem:s20], [sflag:$0x4] =	stream.indirect.gather [hbm4b:s5+s14], $0x40, s21, s14, $0xb8;
	[tilespmem:$0x1E000] =	vst v63  }
0x72: {  	_ =	swait.ge [sflag:s28], $0x2000  }
0x73: {  	[sflag:s28] =	ssyncset.done $0x0  }
.Ltmp0:
0x74: {  	s21 =	sadd.s32 $0x5200, s19;
	[sflag:s28] =	ssyncadd.s32 $0xFFFFE000;
	(pc) =	sbr.rel @p0 .LBB2_2-.Ltmp0, $4  }
0x75: {  	[spmem:s2] =	stream.indirect.scatter.add.f32 [tilespmem:s22], [sflag:$0x6], $0x40, s21, s14, $0xb8;
	[tilespmem:$0x1E000] =	vst v63  }
0x76: {  	_ =	swait.ge [sflag:s10], $0x2000  }
0x77: {  	[sflag:s10] =	ssyncset.done $0x0  }
0x78: {  	s19 =	sadd.s32 $0x480, s19;
	[sflag:s10] =	ssyncadd.s32 $0xFFFFE000  }
0x79: {  	[tilespmem:s22], [sflag:$0x5] =	stream.indirect.gather [hbm4b:s5+s14], $0x40, s19, s14, $0xb8;
	[tilespmem:$0x1E000] =	vst v63  }
0x7a: {  	_ =	swait.ge [sflag:s23], $0x2000  }
0x7b: {  	[sflag:s23] =	ssyncset.done $0x0  }
0x7c: {  	[sflag:s23] =	ssyncadd.s32 $0xFFFFE000  }
0x7d: {  	[spmem:s2] =	stream.indirect.scatter.add.f32 [tilespmem:s15], [sflag:$0x6], $0x40, s29, s14, $0xb8;
	[tilespmem:$0x1E000] =	vst v63  }
0x7e: {  	_ =	swait.ge [sflag:s10], $0x2000  }
0x7f: {  	[sflag:s10] =	ssyncset.done $0x0  }
0x80: {  	[sflag:s10] =	ssyncadd.s32 $0xFFFFE000  }
0x81: {  	_ =	swait.ge [sflag:s24], $0x2000  }
0x82: {  	[sflag:s24] =	ssyncset.done $0x0  }
0x83: {  	[sflag:s24] =	ssyncadd.s32 $0xFFFFE000  }
0x84: {  	[spmem:s2] =	stream.indirect.scatter.add.f32 [tilespmem:s16], [sflag:$0x6], $0x40, s30, s14, $0xb8;
	[tilespmem:$0x1E000] =	vst v63  }
0x85: {  	_ =	swait.ge [sflag:s10], $0x2000  }
0x86: {  	[sflag:s10] =	ssyncset.done $0x0  }
0x87: {  	[sflag:s10] =	ssyncadd.s32 $0xFFFFE000  }
0x88: {  	_ =	swait.ge [sflag:s25], $0x2000  }
0x89: {  	[sflag:s25] =	ssyncset.done $0x0  }
0x8a: {  	[sflag:s25] =	ssyncadd.s32 $0xFFFFE000  }
0x8b: {  	[spmem:s2] =	stream.indirect.scatter.add.f32 [tilespmem:s18], [sflag:$0x6], $0x40, s31, s14, $0xb8;
	[tilespmem:$0x1E000] =	vst v63  }
0x8c: {  	_ =	swait.ge [sflag:s10], $0x2000  }
0x8d: {  	[sflag:s10] =	ssyncset.done $0x0  }
0x8e: {  	[sflag:s10] =	ssyncadd.s32 $0xFFFFE000  }
0x8f: {  	_ =	swait.ge [sflag:s26], $0x2000  }
0x90: {  	[sflag:s26] =	ssyncset.done $0x0  }
0x91: {  	[sflag:s26] =	ssyncadd.s32 $0xFFFFE000  }
0x92: {  	[spmem:s2] =	stream.indirect.scatter.add.f32 [tilespmem:s20], [sflag:$0x6], $0x40, s1, s14, $0xb8;
	[tilespmem:$0x1E000] =	vst v63  }
0x93: {  	_ =	swait.ge [sflag:s10], $0x2000  }
0x94: {  	[sflag:s10] =	ssyncset.done $0x0  }
0x95: {  	[sflag:s10] =	ssyncadd.s32 $0xFFFFE000  }
0x96: {  	_ =	swait.ge [sflag:s28], $0x2000  }
0x97: {  	[sflag:s28] =	ssyncset.done $0x0  }
0x98: {  	[sflag:s28] =	ssyncadd.s32 $0xFFFFE000  }
0x99: {  	[spmem:s2] =	stream.indirect.scatter.add.f32 [tilespmem:s22], [sflag:$0x6], $0x40, s0, s14, $0xb8;
	[tilespmem:$0x1E000] =	vst v63  }
0x9a: {  	_ =	swait.ge [sflag:s10], $0x2000  }
0x9b: {  	s11 =	sadd.s32 $0x1, s11;
	[sflag:s10] =	ssyncset.done $0x0  }
0x9c: {  	p0 =	sne.s32 s11, s9;
	[sflag:s10] =	ssyncadd.s32 $0xFFFFE000  }
.Ltmp1:
0x9d: {  	[bflag:$0x0] =	sbarrier.arrive $0xFFFF;
	(pc) =	sbr.rel @p0 .LBB2_1-.Ltmp1, $4  }
0x9e: {  	[hbm:s8], [sflag:s12] =	dma.local [spmem:s13], $0x1400  }
0x9f: {  	_ =	swait.ge [sflag:s10], $0x1400  }
0xa0: {  	[sflag:s10] =	ssyncset.done $0x0  }
0xa1: {  	[sflag:s10] =	ssyncadd.s32 $0xFFFFEC00  }
0xa2: {  	_ =	sfence.sel $0x180000  }
0xa3: {  	[bflag:$0x0] =	sbarrier.arrive $0xFFFF  }
0xa4: {  	_ =	strace $0x9000004A  }
0xa5: {  	s0 =	stileid.u32;
	[bflag:$0x2] =	sbarrier.arrive $0xFFFF  }
0xa6: {  	p0 =	sne.s32 s0, $0x0;
	s0 =	rddreg [dreg:$0x3]  }
0xa7: {  	s0 =	sadd.s32 @!p0 $0x100000, s0  }
0xa8: {  	[sflag:s0] =	ssyncadd.tile.s32 @!p0 $0x1;
	_ =	shalt  }
.Lfunc_end2:
_tile_overlayer_lowered:
.L_overlay_start_2:
0xa9: {  	(tag) =	ssettag $0x2  }
0xaa: {  	s0 =	rddreg [dreg:$0x0];
	s2 =	stileid.u32  }
0xab: {  	s1 =	rddreg [dreg:$0x1];
	p0 =	sne.s32 s2, $0x0  }
0xac: {  	s3 =	rddreg [dreg:$0x2];
	[bflag:$0x3] =	sbarrier.arrive $0xFFFF;
	s2 =	simm.s32 @!p0 $0x1C06  }
0xad: {  	[timem:s3], [sflag:s2] =	dma.local @!p0 [hbm:s0], s1  }
0xae: {  	s0 =	simm.s32 @!p0 $0x6  }
0xaf: {  	_ =	swait.ge @!p0 [sflag:s0], s1  }
0xb0: {  	s1 =	ssub.s32 @!p0 $0x0, s1;
	[sflag:s0] =	ssyncset.done @!p0 $0x0  }
0xb1: {  	[sflag:s0] =	ssyncadd.s32 @!p0 s1  }
0xb2: {  	[bflag:$0x3] =	sbarrier.arrive $0xFFFF  }
0xb3: {  	_ =	shalt  }

// kernel: kernel.15.cloned.1.call-start
scs
__scs_entry_jumppad:
0x0: {  	(pc) =	sbr.rel $0x88, $3  }
0x1: {  	(tag) =	ssettag $0x0;
	lr =	simm.s32 $0x1  }
0x2: {  	[smem:$0x3F97] =	sst lr;
	_ =	strace $0xD0000000  }
0x3: {  	_ = 	snop  }
0x4: {  	_ = 	snop  }
0x5: {  	_ = 	snop  }
0x6: {  	_ = 	snop  }
0x7: {  	_ = 	snop  }
__scs_overlays_trampoline_lowered:
0x8: {  	[smem:$0x3FA6] =	sst s0  }
0x9: {  	[smem:$0x3FA7] =	sst s1  }
0xa: {  	[smem:$0x3FA8] =	sst s2  }
0xb: {  	[smem:$0x3FA9] =	sst s3  }
0xc: {  	[smem:$0x3FAA] =	sst s4  }
0xd: {  	[smem:$0x3FAB] =	sst s5  }
0xe: {  	[smem:$0x3FAC] =	sst s6  }
0xf: {  	[smem:$0x3FAD] =	sst s7  }
0x10: {  	[smem:$0x3FAE] =	sst s8  }
0x11: {  	[smem:$0x3FAF] =	sst s9;
	s0 =	simm.s32 @!p0 $0x0  }
0x12: {  	s1 =	sld [smem:$0x3F95];
	s0 =	simm.s32 @p0 $0x1  }
0x13: {  	[smem:$0x3FB0] =	sst s0;
	s0 =	simm.s32 @!p1 $0x0  }
0x14: {  	s2 =	sld [smem:$0x3F94];
	s0 =	simm.s32 @p1 $0x1  }
0x15: {  	[smem:$0x3FB1] =	sst s0;
	s0 =	simm.s32 @!p2 $0x0  }
0x16: {  	s3 =	sld [smem:$0x3FDB];
	s0 =	simm.s32 @p2 $0x1  }
0x17: {  	s4 =	simm.s32 $0x1BF5;
	[smem:$0x3FB3] =	sst s0  }
0x18: {  	s0 =	sld [smem:$0x3F96];
	_ =	swait.ge [sflag:s4], $0x0  }
0x19: {  	s7 =	sld [smem:$0x3F97]  }
0x1a: {  	s8 =	sadd.s32 $0xFFFFE003, lr  }
0x1b: {  	s9 =	sadd.s32 $0xFFFFFEF7, lr;
	s5 =	simm.s32 $0xFFFFFFFF;
	p2 =	slt.u32 s8, $0xFFFFF086  }
0x1c: {  	p1 =	slt.u32 s9, $0xF7A;
	s5 =	simm.s32 @!p2 $0x0  }
0x1d: {  	s5 =	simm.s32 @p1 $0x1;
	p0 =	seq.s32 s7, s2  }
0x1e: {  	s7 =	smul.u32 @!p0 $0xF7A, s2;
	p2 =	seq.s32 @!p0 s5, $0x0  }
0x1f: {  	s9 =	smul.u32 $0xF7A, s1;
	s8 =	simm.s32 @!p0 $0x1BF5;
	p2 =	por !p2, p0  }
0x20: {  	[sflag:s8] =	ssyncset.s32 @!p0 $0xFFFFF086;
	s6 =	sadd.s32 @!p0 s3, s7;
	s7 =	simm.s32 @!p0 $0x108  }
0x21: {  	s3 =	sadd.s32 s3, s9;
	s6 =	sadd.s32 @!p0 $0x88, s6;
	s7 =	simm.s32 @p2 $0x1082  }
0x22: {  	[simem:s7], [sflag:s8] =	dma.local @!p0 [hbm:s6], $0xF7A  }
0x23: {  	s9 =	sor.u32 $0xD0000000, s2;
	s6 =	simm.s32 $0x108;
	_ =	swait.ge @!p0 [sflag:s8], $0x0  }
0x24: {  	s3 =	sadd.s32 $0x88, s3;
	s6 =	simm.s32 @!p1 $0x1082;
	[sflag:s4] =	ssyncset.s32 $0xFFFFF086  }
0x25: {  	[simem:s6], [sflag:s4] =	dma.local [hbm:s3], $0xF7A  }
0x26: {  	[smem:$0x3F97] =	sst s1;
	(tag) =	ssettag s2;
	_ =	strace s9  }
0x27: {  	s1 =	sld [smem:$0x3FA7]  }
0x28: {  	s2 =	sld [smem:$0x3FA8]  }
0x29: {  	s4 =	sld [smem:$0x3FAA]  }
0x2a: {  	p0 =	seq.s32 s5, $0x0;
	s5 =	sld [smem:$0x3FAB]  }
0x2b: {  	s6 =	sld [smem:$0x3FAC]  }
0x2c: {  	s7 =	sld [smem:$0x3FAD]  }
0x2d: {  	s3 =	simm.s32 $0x108;
	s8 =	sld [smem:$0x3FAE]  }
0x2e: {  	s3 =	simm.s32 @!p0 $0x1082;
	s9 =	sld [smem:$0x3FAF]  }
0x2f: {  	lr =	sadd.s32 s0, s3;
	s0 =	sld [smem:$0x3FA6]  }
0x30: {  	s3 =	sld [smem:$0x3FA9]  }
0x31: {  	[smem:$0x3FB2] =	sst s10  }
0x32: {  	s10 =	sld [smem:$0x3FB0];
	_ =	sdelay $0x3  }
0x33: {  	p0 =	seq.s32 s10, $0x1;
	s10 =	sld [smem:$0x3FB2];
	_ =	sdelay $0x3  }
0x34: {  	[smem:$0x3FB2] =	sst s10  }
0x35: {  	s10 =	sld [smem:$0x3FB1];
	_ =	sdelay $0x3  }
0x36: {  	p1 =	seq.s32 s10, $0x1;
	s10 =	sld [smem:$0x3FB2];
	_ =	sdelay $0x3  }
0x37: {  	[smem:$0x3FB2] =	sst s10  }
0x38: {  	s10 =	sld [smem:$0x3FB3]  }
0x39: {  	_ = 	snop;
	(pc) =	sbr.ind lr, $3  }
0x3a: {  	_ = 	snop  }
0x3b: {  	_ = 	snop  }
0x3c: {  	p2 =	seq.s32 s10, $0x1;
	s10 =	sld [smem:$0x3FB2]  }
0x3d: {  	_ =	shalt  }
0x3e: {  	_ =	shalt  }
0x3f: {  	_ =	shalt  }
0x40: {  	_ =	shalt  }
0x41: {  	_ =	shalt  }
0x42: {  	_ =	shalt  }
0x43: {  	_ =	shalt  }
0x44: {  	_ =	shalt  }
0x45: {  	_ =	shalt  }
0x46: {  	_ =	shalt  }
0x47: {  	_ =	shalt  }
0x48: {  	_ =	shalt  }
0x49: {  	_ =	shalt  }
0x4a: {  	_ =	shalt  }
0x4b: {  	_ =	shalt  }
0x4c: {  	_ =	shalt  }
0x4d: {  	_ =	shalt  }
0x4e: {  	_ =	shalt  }
0x4f: {  	_ =	shalt  }
0x50: {  	_ =	shalt  }
0x51: {  	_ =	shalt  }
0x52: {  	_ =	shalt  }
0x53: {  	_ =	shalt  }
0x54: {  	_ =	shalt  }
0x55: {  	_ =	shalt  }
0x56: {  	_ =	shalt  }
0x57: {  	_ =	shalt  }
0x58: {  	_ =	shalt  }
0x59: {  	_ =	shalt  }
0x5a: {  	_ =	shalt  }
0x5b: {  	_ =	shalt  }
0x5c: {  	_ =	shalt  }
0x5d: {  	_ =	shalt  }
0x5e: {  	_ =	shalt  }
0x5f: {  	_ =	shalt  }
0x60: {  	_ =	shalt  }
0x61: {  	_ =	shalt  }
0x62: {  	_ =	shalt  }
0x63: {  	_ =	shalt  }
0x64: {  	_ =	shalt  }
0x65: {  	_ =	shalt  }
0x66: {  	_ =	shalt  }
0x67: {  	_ =	shalt  }
0x68: {  	_ =	shalt  }
0x69: {  	_ =	shalt  }
0x6a: {  	_ =	shalt  }
0x6b: {  	_ =	shalt  }
0x6c: {  	_ =	shalt  }
0x6d: {  	_ =	shalt  }
0x6e: {  	_ =	shalt  }
0x6f: {  	_ =	shalt  }
0x70: {  	_ =	shalt  }
0x71: {  	_ =	shalt  }
0x72: {  	_ =	shalt  }
0x73: {  	_ =	shalt  }
0x74: {  	_ =	shalt  }
0x75: {  	_ =	shalt  }
0x76: {  	_ =	shalt  }
0x77: {  	_ =	shalt  }
0x78: {  	_ =	shalt  }
0x79: {  	_ =	shalt  }
0x7a: {  	_ =	shalt  }
0x7b: {  	_ =	shalt  }
0x7c: {  	_ =	shalt  }
0x7d: {  	_ =	shalt  }
0x7e: {  	_ =	shalt  }
0x7f: {  	_ =	shalt  }
0x80: {  	_ =	shalt  }
0x81: {  	_ =	shalt  }
0x82: {  	_ =	shalt  }
0x83: {  	_ =	shalt  }
0x84: {  	_ =	shalt  }
0x85: {  	_ =	shalt  }
0x86: {  	_ =	shalt  }
0x87: {  	_ =	shalt  }
.Lfunc_end0:
.L_simem_size_0:
called_computation.2_lowered:
.L_overlay_start_0:
0x88: {  	s2 =	sld [smem:$0x3FD9]  }
0x89: {  	s3 =	sld [smem:$0x3FFE];
	_ =	sdelay $0x1  }
0x8a: {  	s1 =	srdreg.scid  }
0x8b: {  	s0 =	sand.u32 $0x1, s1  }
0x8c: {  	s17 =	sshll.u32 s0, $0xA;
	s2 =	sadd.s32 s3, s2  }
0x8d: {  	s2 =	sadd.s32 s2, s17  }
0x8e: {  	[smem:$0x3FBE] =	sst s2  }
0x8f: {  	_ = 	snop  }
0x90: {  	s2 =	sld [smem:$0x3FD0];
	(tm) =	ssettm $0x1  }
0x91: {  	s18 =	sld [smem:$0x3FFB];
	_ =	sdelay $0x3  }
0x92: {  	_ =	strace s18  }
0x93: {  	s3 =	sld [smem:$0x3FFC];
	_ =	sdelay $0x3  }
0x94: {  	_ =	strace s3  }
0x95: {  	s3 =	sld [smem:$0x3FFD];
	_ =	sdelay $0x3  }
0x96: {  	_ =	strace s3  }
0x97: {  	_ =	strace $0x8FFFFFFF  }
0x98: {  	s19 =	sld [smem:$0x3FDB];
	_ =	sdelay $0x1  }
0x99: {  	s4 =	simm.s32 $_scs_section_size  }
0x9a: {  	s5 =	simm.s32 $_size__tile_overlayer_lowered;
	s6 =	simm.s32 $_tile_overlayer_lowered  }
0x9b: {  	s22 =	simm.s32 $0x1BFF;
	s21 =	sshll.u32 s6, $0x1;
	s3 =	sadd.s32 s4, s19  }
0x9c: {  	s7 =	simm.s32 $0x0;
	s20 =	sshll.u32 s5, $0x1;
	s5 =	sadd.s32 s21, s3  }
0x9d: {  	[timem:s7], [sflag:s22] =	dma.local [hbm:s5], s20  }
0x9e: {  	_ =	swait.ge [sflag:s22], s20  }
0x9f: {  	s4 =	ssub.s32 $0x0, s20;
	[sflag:s22] =	ssyncset.done $0x0  }
0xa0: {  	[sflag:s22] =	ssyncadd.s32 s4;
	_ =	sdelay $0x1  }
0xa1: {  	s23 =	simm.s32 $0x1B8B  }
0xa2: {  	_ =	swait.ge [sflag:s23], $0x1  }
0xa3: {  	[sflag:s23] =	ssyncset.done $0x0  }
0xa4: {  	s25 =	simm.s32 $0x1B8E;
	s24 =	sld [smem:$0x3FFE];
	[sflag:s23] =	ssyncadd.s32 $0xFFFFFFFF  }
0xa5: {  	s26 =	simm.s32 $execute0_lowered;
	[smem:$0x3FD2] =	sst s25  }
0xa6: {  	s5 =	sshll.u32 s26, $0x1;
	_ =	strace $0x8000004C;
	[dreg:$0x1] =	wrdreg $0xFFFFFFFF  }
0xa7: {  	s28 =	simm.s32 $_size_execute0_lowered;
	s3 =	sadd.s32 s3, s5;
	[dreg:$0x0] =	wrdreg $0x0  }
0xa8: {  	s5 =	sshll.u32 s28, $0x1;
	[dreg:$0x2] =	wrdreg s3  }
0xa9: {  	[dreg:$0x3] =	wrdreg s5  }
0xaa: {  	[dreg:$0x4] =	wrdreg $0xC0  }
0xab: {  	_ =	task [dreg:s7], $0x5FFFF  }
0xac: {  	[dreg:$0x1] =	wrdreg $0xFFFFFFFF  }
0xad: {  	[dreg:$0x0] =	wrdreg $0x60  }
0xae: {  	[dreg:$0x2] =	wrdreg s24  }
0xaf: {  	[dreg:$0x3] =	wrdreg s2  }
0xb0: {  	[dreg:$0x4] =	wrdreg $0x140000  }
0xb1: {  	[dreg:$0x5] =	wrdreg $0x9  }
0xb2: {  	_ =	task.clear_ibuf [dreg:s7], $0x6FFFF;
	_ =	strace $0x9000004C  }
0xb3: {  	s29 =	simm.s32 $0x9;
	_ =	strace $0x8000004E  }
0xb4: {  	_ =	swait.ge [sflag:s29], $0x1  }
0xb5: {  	[sflag:s29] =	ssyncadd.s32 $0xFFFFFFFF  }
0xb6: {  	_ =	strace $0x9000004E  }
0xb7: {  	_ =	sfence  }
0xb8: {  	s30 =	sld [smem:$0x0];
	_ =	sdelay $0x2  }
0xb9: {  	s31 =	sshll.u32 s1, $0xD;
	s1 =	sshrl.u32 s1, $0x2  }
0xba: {  	s3 =	sand.u32 $0x4000, s31;
	s1 =	sadd.s32 s1, s30  }
0xbb: {  	s0 =	sor.u32 s3, s0;
	s1 =	sshll.u32 s1, $0x11  }
0xbc: {  	s0 =	sor.u32 s1, s0  }
0xbd: {  	s0 =	sadd.s32 $0x8F2B, s0  }
0xbe: {  	[sflag:s0] =	ssyncadd.remote.s32 $0x1  }
0xbf: {  	_ =	sfence.sel $0xFFFF  }
0xc0: {  	[dreg:$0x0] =	wrdreg $0xFFFFFFFF;
	(pc) =	sbr.abs _section_cstart, $3  }
0xc1: {  	[dreg:$0x1] =	wrdreg $0xFFFFFFFF  }
0xc2: {  	_ =	task.clear_ibuf [dreg:s7], $0x2FFFF;
	_ =	strace $0x9FFFFFFF  }
0xc3: {  	(tm) =	ssettm $0x7FFFFFFF  }
tec
execute0_lowered:
.L_overlay_start_1:
0x0: {  	(tag) =	ssettag $0x1  }
0x1: {  	s0 =	rddreg [dreg:$0x0]  }
0x2: {  	s1 =	srdreg.scid;
	s4 =	rddreg [dreg:$0x1]  }
0x3: {  	s12 =	stileid.u32;
	s2 =	rddreg [dreg:$0x2]  }
0x4: {  	s3 =	simm.s32 $0x0;
	s14 =	simm.s32 $0x80;
	s15 =	simm.s32 $0xA000  }
0x5: {  	s16 =	simm.s32 $0xC000;
	s18 =	simm.s32 $0xE000;
	s20 =	simm.s32 $0x10000  }
0x6: {  	s22 =	simm.s32 $0x12000;
	s23 =	simm.s32 $0x1;
	s7 =	smul.u32 $0xA000, s12  }
0x7: {  	s24 =	simm.s32 $0x2;
	s28 =	simm.s32 $0x5;
	s8 =	smul.u32 $0xA00, s12  }
0x8: {  	s29 =	simm.s32 $0x9D80;
	s1 =	sand.u32 $0x1, s1;
	s10 =	smul.u32 $0x1400, s12  }
0x9: {  	s30 =	simm.s32 $0x9E00;
	s31 =	simm.s32 $0x9E80;
	s5 =	smul.u32 $0x14000, s1  }
0xa: {  	[smem:$0x7FF] =	sst s3;
	s26 =	sshll.u32 s12, $0x6;
	s6 =	smul.u32 $0xA0000, s1  }
0xb: {  	_ =	strace $0x8000004D;
	s1 =	ssub.s32 $0x2, s1;
	s12 =	sor.u32 $0x1C06, s26  }
0xc: {  	s26 =	simm.s32 $0x4;
	s9 =	sadd.s32 s8, s0;
	s25 =	sshrl.u32 s1, $0x1  }
0xd: {  	s4 =	sadd.s32 s4, s8;
	s11 =	sadd.s32 s7, s2;
	s5 =	sadd.s32 s5, s0  }
0xe: {  	s6 =	sadd.s32 s7, s6;
	s1 =	ssub.s32 s1, s25;
	s13 =	sshrl.u32 s11, $0x3  }
0xf: {  	s25 =	simm.s32 $0x3;
	s11 =	simm.s32 $0x0;
	s6 =	sshrl.u32 s6, $0x3  }
0x10: {  	s5 =	sadd.s32 $0x5C000, s5;
	s0 =	sadd.s32 s6, s0;
	s6 =	sadd.s32 $0x2000, s9  }
0x11: {  	s7 =	sadd.s32 s10, s5;
	s9 =	smax.u32 s1, $0x1;
	s10 =	simm.s32 $0x6  }
0x12: {  	s1 =	simm.s32 $0x9F00;
	s8 =	sadd.s32 $0xC000, s0;
	s0 =	simm.s32 $0x9F80  }
.LBB2_1:
0x13: {  	[tilespmem:s3], [sflag:$0x6] =	stream.linear.gather [hbm4b:s4+s3], $0x5000, $0x38;
	[tilespmem:$0x1E000] =	vst v63  }
0x14: {  	_ =	swait.ge [sflag:s10], $0x5000  }
0x15: {  	[sflag:s10] =	ssyncset.done $0x0  }
0x16: {  	s17 =	simm.s32 $0x5000;
	[sflag:s10] =	ssyncadd.s32 $0xFFFFB000  }
0x17: {  	[tilespmem:s17], [sflag:$0x6] =	stream.linear.gather [hbm4b:s6+s3], $0x5000, $0x38;
	[tilespmem:$0x1E000] =	vst v63  }
0x18: {  	_ =	swait.ge [sflag:s10], $0x5000  }
0x19: {  	[sflag:s10] =	ssyncset.done $0x0  }
0x1a: {  	[sflag:s10] =	ssyncadd.s32 $0xFFFFB000  }
0x1b: {  	[spmem:s13], [sflag:s12] =	dma.local [hbm:s7], $0x1400  }
0x1c: {  	_ =	swait.ge [sflag:s10], $0x1400  }
0x1d: {  	[sflag:s10] =	ssyncset.done $0x0  }
0x1e: {  	[sflag:s10] =	ssyncadd.s32 $0xFFFFEC00  }
0x1f: {  	[bflag:$0x0] =	sbarrier.arrive $0xFFFF  }
0x20: {  	[tilespmem:s15], [sflag:$0x1] =	stream.indirect.gather [hbm4b:s5+s14], $0x40, s3, s14, $0xb8;
	[tilespmem:$0x1E000] =	vst v63  }
0x21: {  	_ = 	snop  }
0x22: {  	[tilespmem:s16], [sflag:$0x2] =	stream.indirect.gather [hbm4b:s5+s14], $0x40, s14, s14, $0xb8;
	[tilespmem:$0x1E000] =	vst v63  }
0x23: {  	s19 =	simm.s32 $0x100  }
0x24: {  	[tilespmem:s18], [sflag:$0x3] =	stream.indirect.gather [hbm4b:s5+s14], $0x40, s19, s14, $0xb8;
	[tilespmem:$0x1E000] =	vst v63  }
0x25: {  	s21 =	simm.s32 $0x180  }
0x26: {  	[tilespmem:s20], [sflag:$0x4] =	stream.indirect.gather [hbm4b:s5+s14], $0x40, s21, s14, $0xb8;
	[tilespmem:$0x1E000] =	vst v63  }
0x27: {  	s19 =	simm.s32 $0x200  }
0x28: {  	[tilespmem:s22], [sflag:$0x5] =	stream.indirect.gather [hbm4b:s5+s14], $0x40, s19, s14, $0xb8;
	[tilespmem:$0x1E000] =	vst v63  }
0x29: {  	_ =	swait.ge [sflag:s23], $0x2000  }
0x2a: {  	[sflag:s23] =	ssyncset.done $0x0  }
0x2b: {  	s21 =	simm.s32 $0x5000;
	[sflag:s23] =	ssyncadd.s32 $0xFFFFE000  }
0x2c: {  	[spmem:s2] =	stream.indirect.scatter.add.f32 [tilespmem:s15], [sflag:$0x6], $0x40, s21, s14, $0xb8;
	[tilespmem:$0x1E000] =	vst v63  }
0x2d: {  	_ =	swait.ge [sflag:s10], $0x2000  }
0x2e: {  	[sflag:s10] =	ssyncset.done $0x0  }
0x2f: {  	s19 =	simm.s32 $0x280;
	[sflag:s10] =	ssyncadd.s32 $0xFFFFE000  }
0x30: {  	[tilespmem:s15], [sflag:$0x1] =	stream.indirect.gather [hbm4b:s5+s14], $0x40, s19, s14, $0xb8;
	[tilespmem:$0x1E000] =	vst v63  }
0x31: {  	_ =	swait.ge [sflag:s24], $0x2000  }
0x32: {  	[sflag:s24] =	ssyncset.done $0x0  }
0x33: {  	s21 =	simm.s32 $0x5080;
	[sflag:s24] =	ssyncadd.s32 $0xFFFFE000  }
0x34: {  	[spmem:s2] =	stream.indirect.scatter.add.f32 [tilespmem:s16], [sflag:$0x6], $0x40, s21, s14, $0xb8;
	[tilespmem:$0x1E000] =	vst v63  }
0x35: {  	_ =	swait.ge [sflag:s10], $0x2000  }
0x36: {  	[sflag:s10] =	ssyncset.done $0x0  }
0x37: {  	s19 =	simm.s32 $0x300;
	[sflag:s10] =	ssyncadd.s32 $0xFFFFE000  }
0x38: {  	[tilespmem:s16], [sflag:$0x2] =	stream.indirect.gather [hbm4b:s5+s14], $0x40, s19, s14, $0xb8;
	[tilespmem:$0x1E000] =	vst v63  }
0x39: {  	_ =	swait.ge [sflag:s25], $0x2000  }
0x3a: {  	[sflag:s25] =	ssyncset.done $0x0  }
0x3b: {  	s21 =	simm.s32 $0x5100;
	[sflag:s25] =	ssyncadd.s32 $0xFFFFE000  }
0x3c: {  	[spmem:s2] =	stream.indirect.scatter.add.f32 [tilespmem:s18], [sflag:$0x6], $0x40, s21, s14, $0xb8;
	[tilespmem:$0x1E000] =	vst v63  }
0x3d: {  	_ =	swait.ge [sflag:s10], $0x2000  }
0x3e: {  	[sflag:s10] =	ssyncset.done $0x0  }
0x3f: {  	s19 =	simm.s32 $0x380;
	[sflag:s10] =	ssyncadd.s32 $0xFFFFE000  }
0x40: {  	[tilespmem:s18], [sflag:$0x3] =	stream.indirect.gather [hbm4b:s5+s14], $0x40, s19, s14, $0xb8;
	[tilespmem:$0x1E000] =	vst v63  }
0x41: {  	_ =	swait.ge [sflag:s26], $0x2000  }
0x42: {  	[sflag:s26] =	ssyncset.done $0x0  }
0x43: {  	s21 =	simm.s32 $0x5180;
	[sflag:s26] =	ssyncadd.s32 $0xFFFFE000  }
0x44: {  	[spmem:s2] =	stream.indirect.scatter.add.f32 [tilespmem:s20], [sflag:$0x6], $0x40, s21, s14, $0xb8;
	[tilespmem:$0x1E000] =	vst v63  }
0x45: {  	_ =	swait.ge [sflag:s10], $0x2000  }
0x46: {  	[sflag:s10] =	ssyncset.done $0x0  }
0x47: {  	s19 =	simm.s32 $0x400;
	[sflag:s10] =	ssyncadd.s32 $0xFFFFE000  }
0x48: {  	[tilespmem:s20], [sflag:$0x4] =	stream.indirect.gather [hbm4b:s5+s14], $0x40, s19, s14, $0xb8;
	[tilespmem:$0x1E000] =	vst v63  }
0x49: {  	_ =	swait.ge [sflag:s28], $0x2000  }
0x4a: {  	[sflag:s28] =	ssyncset.done $0x0  }
0x4b: {  	s21 =	simm.s32 $0x5200;
	[sflag:s28] =	ssyncadd.s32 $0xFFFFE000  }
0x4c: {  	[spmem:s2] =	stream.indirect.scatter.add.f32 [tilespmem:s22], [sflag:$0x6], $0x40, s21, s14, $0xb8;
	[tilespmem:$0x1E000] =	vst v63  }
0x4d: {  	_ =	swait.ge [sflag:s10], $0x2000  }
0x4e: {  	[sflag:s10] =	ssyncset.done $0x0  }
0x4f: {  	s17 =	simm.s32 $0xA00;
	s19 =	simm.s32 $0x480;
	[sflag:s10] =	ssyncadd.s32 $0xFFFFE000  }
.LBB2_2:
0x50: {  	[tilespmem:s22], [sflag:$0x5] =	stream.indirect.gather [hbm4b:s5+s14], $0x40, s19, s14, $0xb8;
	[tilespmem:$0x1E000] =	vst v63  }
0x51: {  	s19 =	smov.u32 s17  }
0x52: {  	p0 =	sne.s32 s17, $0x12C00;
	s17 =	sadd.s32 $0xA00, s17;
	_ =	swait.ge [sflag:s23], $0x2000  }
0x53: {  	s19 =	sshra.s32 s19, $0x2;
	[sflag:s23] =	ssyncset.done $0x0  }
0x54: {  	s21 =	sadd.s32 $0x5000, s19;
	[sflag:s23] =	ssyncadd.s32 $0xFFFFE000  }
0x55: {  	[spmem:s2] =	stream.indirect.scatter.add.f32 [tilespmem:s15], [sflag:$0x6], $0x40, s21, s14, $0xb8;
	[tilespmem:$0x1E000] =	vst v63  }
0x56: {  	_ =	swait.ge [sflag:s10], $0x2000  }
0x57: {  	[sflag:s10] =	ssyncset.done $0x0  }
0x58: {  	s21 =	sadd.s32 $0x280, s19;
	[sflag:s10] =	ssyncadd.s32 $0xFFFFE000  }
0x59: {  	[tilespmem:s15], [sflag:$0x1] =	stream.indirect.gather [hbm4b:s5+s14], $0x40, s21, s14, $0xb8;
	[tilespmem:$0x1E000] =	vst v63  }
0x5a: {  	_ =	swait.ge [sflag:s24], $0x2000  }
0x5b: {  	[sflag:s24] =	ssyncset.done $0x0  }
0x5c: {  	s21 =	sadd.s32 $0x5080, s19;
	[sflag:s24] =	ssyncadd.s32 $0xFFFFE000  }
0x5d: {  	[spmem:s2] =	stream.indirect.scatter.add.f32 [tilespmem:s16], [sflag:$0x6], $0x40, s21, s14, $0xb8;
	[tilespmem:$0x1E000] =	vst v63  }
0x5e: {  	_ =	swait.ge [sflag:s10], $0x2000  }
0x5f: {  	[sflag:s10] =	ssyncset.done $0x0  }
0x60: {  	s21 =	sadd.s32 $0x300, s19;
	[sflag:s10] =	ssyncadd.s32 $0xFFFFE000  }
0x61: {  	[tilespmem:s16], [sflag:$0x2] =	stream.indirect.gather [hbm4b:s5+s14], $0x40, s21, s14, $0xb8;
	[tilespmem:$0x1E000] =	vst v63  }
0x62: {  	_ =	swait.ge [sflag:s25], $0x2000  }
0x63: {  	[sflag:s25] =	ssyncset.done $0x0  }
0x64: {  	s21 =	sadd.s32 $0x5100, s19;
	[sflag:s25] =	ssyncadd.s32 $0xFFFFE000  }
0x65: {  	[spmem:s2] =	stream.indirect.scatter.add.f32 [tilespmem:s18], [sflag:$0x6], $0x40, s21, s14, $0xb8;
	[tilespmem:$0x1E000] =	vst v63  }
0x66: {  	_ =	swait.ge [sflag:s10], $0x2000  }
0x67: {  	[sflag:s10] =	ssyncset.done $0x0  }
0x68: {  	s21 =	sadd.s32 $0x380, s19;
	[sflag:s10] =	ssyncadd.s32 $0xFFFFE000  }
0x69: {  	[tilespmem:s18], [sflag:$0x3] =	stream.indirect.gather [hbm4b:s5+s14], $0x40, s21, s14, $0xb8;
	[tilespmem:$0x1E000] =	vst v63  }
0x6a: {  	_ =	swait.ge [sflag:s26], $0x2000  }
0x6b: {  	[sflag:s26] =	ssyncset.done $0x0  }
0x6c: {  	s21 =	sadd.s32 $0x5180, s19;
	[sflag:s26] =	ssyncadd.s32 $0xFFFFE000  }
0x6d: {  	[spmem:s2] =	stream.indirect.scatter.add.f32 [tilespmem:s20], [sflag:$0x6], $0x40, s21, s14, $0xb8;
	[tilespmem:$0x1E000] =	vst v63  }
0x6e: {  	_ =	swait.ge [sflag:s10], $0x2000  }
0x6f: {  	[sflag:s10] =	ssyncset.done $0x0  }
0x70: {  	s21 =	sadd.s32 $0x400, s19;
	[sflag:s10] =	ssyncadd.s32 $0xFFFFE000  }
0x71: {  	[tilespmem:s20], [sflag:$0x4] =	stream.indirect.gather [hbm4b:s5+s14], $0x40, s21, s14, $0xb8;
	[tilespmem:$0x1E000] =	vst v63  }
0x72: {  	_ =	swait.ge [sflag:s28], $0x2000  }
0x73: {  	[sflag:s28] =	ssyncset.done $0x0  }
.Ltmp0:
0x74: {  	s21 =	sadd.s32 $0x5200, s19;
	[sflag:s28] =	ssyncadd.s32 $0xFFFFE000;
	(pc) =	sbr.rel @p0 .LBB2_2-.Ltmp0, $4  }
0x75: {  	[spmem:s2] =	stream.indirect.scatter.add.f32 [tilespmem:s22], [sflag:$0x6], $0x40, s21, s14, $0xb8;
	[tilespmem:$0x1E000] =	vst v63  }
0x76: {  	_ =	swait.ge [sflag:s10], $0x2000  }
0x77: {  	[sflag:s10] =	ssyncset.done $0x0  }
0x78: {  	s19 =	sadd.s32 $0x480, s19;
	[sflag:s10] =	ssyncadd.s32 $0xFFFFE000  }
0x79: {  	[tilespmem:s22], [sflag:$0x5] =	stream.indirect.gather [hbm4b:s5+s14], $0x40, s19, s14, $0xb8;
	[tilespmem:$0x1E000] =	vst v63  }
0x7a: {  	_ =	swait.ge [sflag:s23], $0x2000  }
0x7b: {  	[sflag:s23] =	ssyncset.done $0x0  }
0x7c: {  	[sflag:s23] =	ssyncadd.s32 $0xFFFFE000  }
0x7d: {  	[spmem:s2] =	stream.indirect.scatter.add.f32 [tilespmem:s15], [sflag:$0x6], $0x40, s29, s14, $0xb8;
	[tilespmem:$0x1E000] =	vst v63  }
0x7e: {  	_ =	swait.ge [sflag:s10], $0x2000  }
0x7f: {  	[sflag:s10] =	ssyncset.done $0x0  }
0x80: {  	[sflag:s10] =	ssyncadd.s32 $0xFFFFE000  }
0x81: {  	_ =	swait.ge [sflag:s24], $0x2000  }
0x82: {  	[sflag:s24] =	ssyncset.done $0x0  }
0x83: {  	[sflag:s24] =	ssyncadd.s32 $0xFFFFE000  }
0x84: {  	[spmem:s2] =	stream.indirect.scatter.add.f32 [tilespmem:s16], [sflag:$0x6], $0x40, s30, s14, $0xb8;
	[tilespmem:$0x1E000] =	vst v63  }
0x85: {  	_ =	swait.ge [sflag:s10], $0x2000  }
0x86: {  	[sflag:s10] =	ssyncset.done $0x0  }
0x87: {  	[sflag:s10] =	ssyncadd.s32 $0xFFFFE000  }
0x88: {  	_ =	swait.ge [sflag:s25], $0x2000  }
0x89: {  	[sflag:s25] =	ssyncset.done $0x0  }
0x8a: {  	[sflag:s25] =	ssyncadd.s32 $0xFFFFE000  }
0x8b: {  	[spmem:s2] =	stream.indirect.scatter.add.f32 [tilespmem:s18], [sflag:$0x6], $0x40, s31, s14, $0xb8;
	[tilespmem:$0x1E000] =	vst v63  }
0x8c: {  	_ =	swait.ge [sflag:s10], $0x2000  }
0x8d: {  	[sflag:s10] =	ssyncset.done $0x0  }
0x8e: {  	[sflag:s10] =	ssyncadd.s32 $0xFFFFE000  }
0x8f: {  	_ =	swait.ge [sflag:s26], $0x2000  }
0x90: {  	[sflag:s26] =	ssyncset.done $0x0  }
0x91: {  	[sflag:s26] =	ssyncadd.s32 $0xFFFFE000  }
0x92: {  	[spmem:s2] =	stream.indirect.scatter.add.f32 [tilespmem:s20], [sflag:$0x6], $0x40, s1, s14, $0xb8;
	[tilespmem:$0x1E000] =	vst v63  }
0x93: {  	_ =	swait.ge [sflag:s10], $0x2000  }
0x94: {  	[sflag:s10] =	ssyncset.done $0x0  }
0x95: {  	[sflag:s10] =	ssyncadd.s32 $0xFFFFE000  }
0x96: {  	_ =	swait.ge [sflag:s28], $0x2000  }
0x97: {  	[sflag:s28] =	ssyncset.done $0x0  }
0x98: {  	[sflag:s28] =	ssyncadd.s32 $0xFFFFE000  }
0x99: {  	[spmem:s2] =	stream.indirect.scatter.add.f32 [tilespmem:s22], [sflag:$0x6], $0x40, s0, s14, $0xb8;
	[tilespmem:$0x1E000] =	vst v63  }
0x9a: {  	_ =	swait.ge [sflag:s10], $0x2000  }
0x9b: {  	s11 =	sadd.s32 $0x1, s11;
	[sflag:s10] =	ssyncset.done $0x0  }
0x9c: {  	p0 =	sne.s32 s11, s9;
	[sflag:s10] =	ssyncadd.s32 $0xFFFFE000  }
.Ltmp1:
0x9d: {  	[bflag:$0x0] =	sbarrier.arrive $0xFFFF;
	(pc) =	sbr.rel @p0 .LBB2_1-.Ltmp1, $4  }
0x9e: {  	[hbm:s8], [sflag:s12] =	dma.local [spmem:s13], $0x1400  }
0x9f: {  	_ =	swait.ge [sflag:s10], $0x1400  }
0xa0: {  	[sflag:s10] =	ssyncset.done $0x0  }
0xa1: {  	[sflag:s10] =	ssyncadd.s32 $0xFFFFEC00  }
0xa2: {  	_ =	sfence.sel $0x180000  }
0xa3: {  	[bflag:$0x0] =	sbarrier.arrive $0xFFFF  }
0xa4: {  	_ =	strace $0x9000004D  }
0xa5: {  	s0 =	stileid.u32;
	[bflag:$0x2] =	sbarrier.arrive $0xFFFF  }
0xa6: {  	p0 =	sne.s32 s0, $0x0;
	s0 =	rddreg [dreg:$0x3]  }
0xa7: {  	s0 =	sadd.s32 @!p0 $0x100000, s0  }
0xa8: {  	[sflag:s0] =	ssyncadd.tile.s32 @!p0 $0x1;
	_ =	shalt  }
.Lfunc_end2:
_tile_overlayer_lowered:
.L_overlay_start_2:
0xa9: {  	(tag) =	ssettag $0x2  }
0xaa: {  	s0 =	rddreg [dreg:$0x0];
	s2 =	stileid.u32  }
0xab: {  	s1 =	rddreg [dreg:$0x1];
	p0 =	sne.s32 s2, $0x0  }
0xac: {  	s3 =	rddreg [dreg:$0x2];
	[bflag:$0x3] =	sbarrier.arrive $0xFFFF;
	s2 =	simm.s32 @!p0 $0x1C06  }
0xad: {  	[timem:s3], [sflag:s2] =	dma.local @!p0 [hbm:s0], s1  }
0xae: {  	s0 =	simm.s32 @!p0 $0x6  }
0xaf: {  	_ =	swait.ge @!p0 [sflag:s0], s1  }
0xb0: {  	s1 =	ssub.s32 @!p0 $0x0, s1;
	[sflag:s0] =	ssyncset.done @!p0 $0x0  }
0xb1: {  	[sflag:s0] =	ssyncadd.s32 @!p0 s1  }
0xb2: {  	[bflag:$0x3] =	sbarrier.arrive $0xFFFF  }
0xb3: {  	_ =	shalt  }

// kernel: kernel.9.cloned.1.call-start
scs
__scs_entry_jumppad:
0x0: {  	(pc) =	sbr.rel $0x88, $3  }
0x1: {  	(tag) =	ssettag $0x0;
	lr =	simm.s32 $0x1  }
0x2: {  	[smem:$0x3F97] =	sst lr;
	_ =	strace $0xD0000000  }
0x3: {  	_ = 	snop  }
0x4: {  	_ = 	snop  }
0x5: {  	_ = 	snop  }
0x6: {  	_ = 	snop  }
0x7: {  	_ = 	snop  }
__scs_overlays_trampoline_lowered:
0x8: {  	[smem:$0x3FA6] =	sst s0  }
0x9: {  	[smem:$0x3FA7] =	sst s1  }
0xa: {  	[smem:$0x3FA8] =	sst s2  }
0xb: {  	[smem:$0x3FA9] =	sst s3  }
0xc: {  	[smem:$0x3FAA] =	sst s4  }
0xd: {  	[smem:$0x3FAB] =	sst s5  }
0xe: {  	[smem:$0x3FAC] =	sst s6  }
0xf: {  	[smem:$0x3FAD] =	sst s7  }
0x10: {  	[smem:$0x3FAE] =	sst s8  }
0x11: {  	[smem:$0x3FAF] =	sst s9;
	s0 =	simm.s32 @!p0 $0x0  }
0x12: {  	s1 =	sld [smem:$0x3F95];
	s0 =	simm.s32 @p0 $0x1  }
0x13: {  	[smem:$0x3FB0] =	sst s0;
	s0 =	simm.s32 @!p1 $0x0  }
0x14: {  	s2 =	sld [smem:$0x3F94];
	s0 =	simm.s32 @p1 $0x1  }
0x15: {  	[smem:$0x3FB1] =	sst s0;
	s0 =	simm.s32 @!p2 $0x0  }
0x16: {  	s3 =	sld [smem:$0x3FDB];
	s0 =	simm.s32 @p2 $0x1  }
0x17: {  	s4 =	simm.s32 $0x1BF5;
	[smem:$0x3FB3] =	sst s0  }
0x18: {  	s0 =	sld [smem:$0x3F96];
	_ =	swait.ge [sflag:s4], $0x0  }
0x19: {  	s7 =	sld [smem:$0x3F97]  }
0x1a: {  	s8 =	sadd.s32 $0xFFFFE003, lr  }
0x1b: {  	s9 =	sadd.s32 $0xFFFFFEF7, lr;
	s5 =	simm.s32 $0xFFFFFFFF;
	p2 =	slt.u32 s8, $0xFFFFF086  }
0x1c: {  	p1 =	slt.u32 s9, $0xF7A;
	s5 =	simm.s32 @!p2 $0x0  }
0x1d: {  	s5 =	simm.s32 @p1 $0x1;
	p0 =	seq.s32 s7, s2  }
0x1e: {  	s7 =	smul.u32 @!p0 $0xF7A, s2;
	p2 =	seq.s32 @!p0 s5, $0x0  }
0x1f: {  	s9 =	smul.u32 $0xF7A, s1;
	s8 =	simm.s32 @!p0 $0x1BF5;
	p2 =	por !p2, p0  }
0x20: {  	[sflag:s8] =	ssyncset.s32 @!p0 $0xFFFFF086;
	s6 =	sadd.s32 @!p0 s3, s7;
	s7 =	simm.s32 @!p0 $0x108  }
0x21: {  	s3 =	sadd.s32 s3, s9;
	s6 =	sadd.s32 @!p0 $0x88, s6;
	s7 =	simm.s32 @p2 $0x1082  }
0x22: {  	[simem:s7], [sflag:s8] =	dma.local @!p0 [hbm:s6], $0xF7A  }
0x23: {  	s9 =	sor.u32 $0xD0000000, s2;
	s6 =	simm.s32 $0x108;
	_ =	swait.ge @!p0 [sflag:s8], $0x0  }
0x24: {  	s3 =	sadd.s32 $0x88, s3;
	s6 =	simm.s32 @!p1 $0x1082;
	[sflag:s4] =	ssyncset.s32 $0xFFFFF086  }
0x25: {  	[simem:s6], [sflag:s4] =	dma.local [hbm:s3], $0xF7A  }
0x26: {  	[smem:$0x3F97] =	sst s1;
	(tag) =	ssettag s2;
	_ =	strace s9  }
0x27: {  	s1 =	sld [smem:$0x3FA7]  }
0x28: {  	s2 =	sld [smem:$0x3FA8]  }
0x29: {  	s4 =	sld [smem:$0x3FAA]  }
0x2a: {  	p0 =	seq.s32 s5, $0x0;
	s5 =	sld [smem:$0x3FAB]  }
0x2b: {  	s6 =	sld [smem:$0x3FAC]  }
0x2c: {  	s7 =	sld [smem:$0x3FAD]  }
0x2d: {  	s3 =	simm.s32 $0x108;
	s8 =	sld [smem:$0x3FAE]  }
0x2e: {  	s3 =	simm.s32 @!p0 $0x1082;
	s9 =	sld [smem:$0x3FAF]  }
0x2f: {  	lr =	sadd.s32 s0, s3;
	s0 =	sld [smem:$0x3FA6]  }
0x30: {  	s3 =	sld [smem:$0x3FA9]  }
0x31: {  	[smem:$0x3FB2] =	sst s10  }
0x32: {  	s10 =	sld [smem:$0x3FB0];
	_ =	sdelay $0x3  }
0x33: {  	p0 =	seq.s32 s10, $0x1;
	s10 =	sld [smem:$0x3FB2];
	_ =	sdelay $0x3  }
0x34: {  	[smem:$0x3FB2] =	sst s10  }
0x35: {  	s10 =	sld [smem:$0x3FB1];
	_ =	sdelay $0x3  }
0x36: {  	p1 =	seq.s32 s10, $0x1;
	s10 =	sld [smem:$0x3FB2];
	_ =	sdelay $0x3  }
0x37: {  	[smem:$0x3FB2] =	sst s10  }
0x38: {  	s10 =	sld [smem:$0x3FB3]  }
0x39: {  	_ = 	snop;
	(pc) =	sbr.ind lr, $3  }
0x3a: {  	_ = 	snop  }
0x3b: {  	_ = 	snop  }
0x3c: {  	p2 =	seq.s32 s10, $0x1;
	s10 =	sld [smem:$0x3FB2]  }
0x3d: {  	_ =	shalt  }
0x3e: {  	_ =	shalt  }
0x3f: {  	_ =	shalt  }
0x40: {  	_ =	shalt  }
0x41: {  	_ =	shalt  }
0x42: {  	_ =	shalt  }
0x43: {  	_ =	shalt  }
0x44: {  	_ =	shalt  }
0x45: {  	_ =	shalt  }
0x46: {  	_ =	shalt  }
0x47: {  	_ =	shalt  }
0x48: {  	_ =	shalt  }
0x49: {  	_ =	shalt  }
0x4a: {  	_ =	shalt  }
0x4b: {  	_ =	shalt  }
0x4c: {  	_ =	shalt  }
0x4d: {  	_ =	shalt  }
0x4e: {  	_ =	shalt  }
0x4f: {  	_ =	shalt  }
0x50: {  	_ =	shalt  }
0x51: {  	_ =	shalt  }
0x52: {  	_ =	shalt  }
0x53: {  	_ =	shalt  }
0x54: {  	_ =	shalt  }
0x55: {  	_ =	shalt  }
0x56: {  	_ =	shalt  }
0x57: {  	_ =	shalt  }
0x58: {  	_ =	shalt  }
0x59: {  	_ =	shalt  }
0x5a: {  	_ =	shalt  }
0x5b: {  	_ =	shalt  }
0x5c: {  	_ =	shalt  }
0x5d: {  	_ =	shalt  }
0x5e: {  	_ =	shalt  }
0x5f: {  	_ =	shalt  }
0x60: {  	_ =	shalt  }
0x61: {  	_ =	shalt  }
0x62: {  	_ =	shalt  }
0x63: {  	_ =	shalt  }
0x64: {  	_ =	shalt  }
0x65: {  	_ =	shalt  }
0x66: {  	_ =	shalt  }
0x67: {  	_ =	shalt  }
0x68: {  	_ =	shalt  }
0x69: {  	_ =	shalt  }
0x6a: {  	_ =	shalt  }
0x6b: {  	_ =	shalt  }
0x6c: {  	_ =	shalt  }
0x6d: {  	_ =	shalt  }
0x6e: {  	_ =	shalt  }
0x6f: {  	_ =	shalt  }
0x70: {  	_ =	shalt  }
0x71: {  	_ =	shalt  }
0x72: {  	_ =	shalt  }
0x73: {  	_ =	shalt  }
0x74: {  	_ =	shalt  }
0x75: {  	_ =	shalt  }
0x76: {  	_ =	shalt  }
0x77: {  	_ =	shalt  }
0x78: {  	_ =	shalt  }
0x79: {  	_ =	shalt  }
0x7a: {  	_ =	shalt  }
0x7b: {  	_ =	shalt  }
0x7c: {  	_ =	shalt  }
0x7d: {  	_ =	shalt  }
0x7e: {  	_ =	shalt  }
0x7f: {  	_ =	shalt  }
0x80: {  	_ =	shalt  }
0x81: {  	_ =	shalt  }
0x82: {  	_ =	shalt  }
0x83: {  	_ =	shalt  }
0x84: {  	_ =	shalt  }
0x85: {  	_ =	shalt  }
0x86: {  	_ =	shalt  }
0x87: {  	_ =	shalt  }
.Lfunc_end0:
.L_simem_size_0:
called_computation_lowered:
.L_overlay_start_0:
0x88: {  	s2 =	sld [smem:$0x3FD9]  }
0x89: {  	s3 =	sld [smem:$0x3FFE];
	_ =	sdelay $0x1  }
0x8a: {  	s1 =	srdreg.scid  }
0x8b: {  	s0 =	sand.u32 $0x1, s1  }
0x8c: {  	s16 =	sshll.u32 s0, $0xA;
	s2 =	sadd.s32 s3, s2  }
0x8d: {  	s2 =	sadd.s32 s2, s16  }
0x8e: {  	[smem:$0x3FBE] =	sst s2  }
0x8f: {  	_ = 	snop  }
0x90: {  	(tm) =	ssettm $0x1  }
0x91: {  	s17 =	sld [smem:$0x3FFB];
	_ =	sdelay $0x3  }
0x92: {  	_ =	strace s17  }
0x93: {  	s2 =	sld [smem:$0x3FFC];
	_ =	sdelay $0x3  }
0x94: {  	_ =	strace s2  }
0x95: {  	s2 =	sld [smem:$0x3FFD];
	_ =	sdelay $0x3  }
0x96: {  	_ =	strace s2  }
0x97: {  	_ =	strace $0x8FFFFFFF  }
0x98: {  	s18 =	sld [smem:$0x3FDB];
	_ =	sdelay $0x1  }
0x99: {  	s19 =	simm.s32 $_scs_section_size  }
0x9a: {  	s4 =	simm.s32 $_size__tile_overlayer_lowered;
	s5 =	simm.s32 $_tile_overlayer_lowered  }
0x9b: {  	s22 =	simm.s32 $0x1BFF;
	s21 =	sshll.u32 s5, $0x1;
	s2 =	sadd.s32 s19, s18  }
0x9c: {  	s6 =	simm.s32 $0x0;
	s20 =	sshll.u32 s4, $0x1;
	s4 =	sadd.s32 s21, s2  }
0x9d: {  	[timem:s6], [sflag:s22] =	dma.local [hbm:s4], s20  }
0x9e: {  	_ =	swait.ge [sflag:s22], s20  }
0x9f: {  	s3 =	ssub.s32 $0x0, s20;
	[sflag:s22] =	ssyncset.done $0x0  }
0xa0: {  	[sflag:s22] =	ssyncadd.s32 s3;
	_ =	sdelay $0x1  }
0xa1: {  	s23 =	simm.s32 $0x1B8B  }
0xa2: {  	_ =	swait.ge [sflag:s23], $0x1  }
0xa3: {  	[sflag:s23] =	ssyncset.done $0x0  }
0xa4: {  	s25 =	simm.s32 $0x1B8E;
	s24 =	sld [smem:$0x3FFE];
	[sflag:s23] =	ssyncadd.s32 $0xFFFFFFFF  }
0xa5: {  	s26 =	simm.s32 $execute0_lowered;
	[smem:$0x3FD2] =	sst s25  }
0xa6: {  	s4 =	sshll.u32 s26, $0x1;
	_ =	strace $0x80000046;
	[dreg:$0x1] =	wrdreg $0xFFFFFFFF  }
0xa7: {  	s28 =	simm.s32 $_size_execute0_lowered;
	s2 =	sadd.s32 s2, s4;
	[dreg:$0x0] =	wrdreg $0x0  }
0xa8: {  	s4 =	sshll.u32 s28, $0x1;
	[dreg:$0x2] =	wrdreg s2  }
0xa9: {  	[dreg:$0x3] =	wrdreg s4  }
0xaa: {  	[dreg:$0x4] =	wrdreg $0xC0  }
0xab: {  	_ =	task [dreg:s6], $0x5FFFF  }
0xac: {  	[dreg:$0x1] =	wrdreg $0xFFFFFFFF  }
0xad: {  	[dreg:$0x0] =	wrdreg $0x60  }
0xae: {  	[dreg:$0x2] =	wrdreg s24  }
0xaf: {  	[dreg:$0x3] =	wrdreg $0x9  }
0xb0: {  	_ =	task.clear_ibuf [dreg:s6], $0x4FFFF;
	_ =	strace $0x90000046  }
0xb1: {  	s29 =	simm.s32 $0x9;
	_ =	strace $0x80000048  }
0xb2: {  	_ =	swait.ge [sflag:s29], $0x1  }
0xb3: {  	[sflag:s29] =	ssyncadd.s32 $0xFFFFFFFF  }
0xb4: {  	_ =	strace $0x90000048  }
0xb5: {  	_ =	sfence  }
0xb6: {  	s30 =	sld [smem:$0x0];
	_ =	sdelay $0x2  }
0xb7: {  	s31 =	sshll.u32 s1, $0xD;
	s1 =	sshrl.u32 s1, $0x2  }
0xb8: {  	s3 =	sand.u32 $0x4000, s31;
	s1 =	sadd.s32 s1, s30  }
0xb9: {  	s0 =	sor.u32 s3, s0;
	s1 =	sshll.u32 s1, $0x11  }
0xba: {  	s0 =	sor.u32 s1, s0  }
0xbb: {  	s0 =	sadd.s32 $0x8F2B, s0  }
0xbc: {  	[sflag:s0] =	ssyncadd.remote.s32 $0x1  }
0xbd: {  	_ =	sfence.sel $0xFFFF  }
0xbe: {  	[dreg:$0x0] =	wrdreg $0xFFFFFFFF;
	(pc) =	sbr.abs _section_cstart, $3  }
0xbf: {  	[dreg:$0x1] =	wrdreg $0xFFFFFFFF  }
0xc0: {  	_ =	task.clear_ibuf [dreg:s6], $0x2FFFF;
	_ =	strace $0x9FFFFFFF  }
0xc1: {  	(tm) =	ssettm $0x7FFFFFFF  }
tec
execute0_lowered:
.L_overlay_start_1:
0x0: {  	(tag) =	ssettag $0x1  }
0x1: {  	s0 =	srdreg.scid  }
0x2: {  	s5 =	rddreg [dreg:$0x0];
	s3 =	sand.u32 $0x1, s0  }
0x3: {  	s2 =	simm.s32 $0x0;
	s0 =	stileid.u32;
	s1 =	sshll.u32 s3, $0x4  }
0x4: {  	s8 =	simm.s32 $0x80;
	s9 =	simm.s32 $0x400;
	s4 =	sor.u32 s0, s1  }
0x5: {  	s10 =	simm.s32 $0x0;
	[smem:$0x7FF] =	sst s2;
	s1 =	sshrl.u32 s4, $0x3  }
0x6: {  	s7 =	sshll.u32 s0, $0x7;
	s3 =	ssub.s32 $0x2, s3;
	s6 =	smul.u32 $0x14000, s1  }
0x7: {  	s7 =	sand.u32 $0x380, s7;
	s31 =	sshrl.u32 s3, $0x1;
	s4 =	smul.u32 $0x500, s4  }
0x8: {  	s1 =	rddreg [dreg:$0x1];
	_ =	strace $0x80000047;
	s6 =	sor.u32 s7, s6  }
0x9: {  	s4 =	sadd.s32 s4, s5;
	s7 =	simm.s32 $0x2800;
	s6 =	sshrl.u32 s6, $0x3  }
0xa: {  	s5 =	sadd.s32 s6, s5;
	s6 =	ssub.s32 s3, s31;
	s3 =	sadd.s32 $0x2000, s4  }
0xb: {  	v0 =	vimm.f32 $0.0e+00;
	v1 =	vimm.f32 $1.000000000e+00;
	s4 =	sadd.s32 $0xC000, s5;
	s5 =	smax.u32 s6, $0x1;
	s6 =	simm.s32 $0x1  }
.LBB2_1:
0xc: {  	[tilespmem:s2], [sflag:$0x1] =	stream.linear.gather [hbm4b:s3+s2], $0x2800, $0x38;
	[tilespmem:$0x5000] =	vst v63  }
0xd: {  	_ =	swait.ge [sflag:s6], $0x2800  }
0xe: {  	[sflag:s6] =	ssyncset.done $0x0  }
0xf: {  	s11 =	simm.s32 $0x0;
	[sflag:s6] =	ssyncadd.s32 $0xFFFFD800  }
.LBB2_2:
0x10: {  	p0 =	sne.s32 s11, $0x9FC0  }
.Ltmp0:
0x11: {  	_ = 	snop;
	(pc) =	sbr.rel @p0 .LBB2_2-.Ltmp0, $3  }
0x12: {  	_ =	sdelay $0x1  }
0x13: {  	s12 =	sshra.s32 s11, $0x2  }
0x14: {  	s11 =	sadd.s32 $0x40, s11;
	[tilespmem:s12+$0x2800] =	vst v0  }
0x15: {  	s11 =	simm.s32 $0x1C0  }
.LBB2_4:
0x16: {  	s12 =	sshra.s32 s11, $0x2  }
0x17: {  	v2 =	vld [tilespmem:s12+$0xFFFFFF90];
	_ =	sdelay $0x7  }
0x18: {  	[tilespmem:v2+s7+$0x0] =	vst.idx.add.f32.msk $0xffff, v1  }
0x19: {  	v2 =	vld [tilespmem:s12+$0xFFFFFFA0];
	_ =	sdelay $0x7  }
0x1a: {  	[tilespmem:v2+s7+$0x0] =	vst.idx.add.f32.msk $0xffff, v1  }
0x1b: {  	v2 =	vld [tilespmem:s12+$0xFFFFFFB0];
	_ =	sdelay $0x7  }
0x1c: {  	[tilespmem:v2+s7+$0x0] =	vst.idx.add.f32.msk $0xffff, v1  }
0x1d: {  	v2 =	vld [tilespmem:s12+$0xFFFFFFC0];
	_ =	sdelay $0x7  }
0x1e: {  	[tilespmem:v2+s7+$0x0] =	vst.idx.add.f32.msk $0xffff, v1  }
0x1f: {  	v2 =	vld [tilespmem:s12+$0xFFFFFFD0];
	_ =	sdelay $0x7  }
0x20: {  	[tilespmem:v2+s7+$0x0] =	vst.idx.add.f32.msk $0xffff, v1  }
0x21: {  	v2 =	vld [tilespmem:s12+$0xFFFFFFE0];
	_ =	sdelay $0x7  }
0x22: {  	[tilespmem:v2+s7+$0x0] =	vst.idx.add.f32.msk $0xffff, v1  }
0x23: {  	v2 =	vld [tilespmem:s12+$0xFFFFFFF0];
	_ =	sdelay $0x7  }
0x24: {  	[tilespmem:v2+s7+$0x0] =	vst.idx.add.f32.msk $0xffff, v1  }
0x25: {  	v2 =	vld [tilespmem:s12+$0x0];
	_ =	sdelay $0x2  }
0x26: {  	p0 =	sne.s32 s11, $0x9FC0  }
.Ltmp1:
0x27: {  	_ = 	snop;
	(pc) =	sbr.rel @p0 .LBB2_4-.Ltmp1, $2  }
0x28: {  	_ =	sdelay $0x2  }
0x29: {  	s11 =	sadd.s32 $0x200, s11;
	[tilespmem:v2+s7+$0x0] =	vst.idx.add.f32.msk $0xffff, v1  }
0x2a: {  	s10 =	sadd.s32 $0x1, s10  }
0x2b: {  	p0 =	sne.s32 s10, s5  }
.Ltmp2:
0x2c: {  	_ = 	snop;
	(pc) =	sbr.rel @p0 .LBB2_1-.Ltmp2, $4  }
0x2d: {  	[hbm4b:s4+s8] =	stream.strided.scatter [tilespmem:s7], [sflag:$0x1], $0x2800, s9, s8, $0x38;
	[tilespmem:$0x5000] =	vst v63  }
0x2e: {  	_ =	swait.ge [sflag:s6], $0x2800  }
0x2f: {  	[sflag:s6] =	ssyncset.done $0x0  }
0x30: {  	[sflag:s6] =	ssyncadd.s32 $0xFFFFD800  }
0x31: {  	_ =	sfence.sel $0x180000  }
0x32: {  	[bflag:$0x0] =	sbarrier.arrive $0xFFFF  }
0x33: {  	p0 =	sne.s32 s0, $0x0;
	_ =	strace $0x90000047  }
0x34: {  	s0 =	sadd.s32 @!p0 $0x100000, s1;
	[bflag:$0x2] =	sbarrier.arrive $0xFFFF  }
0x35: {  	[sflag:s0] =	ssyncadd.tile.s32 @!p0 $0x1;
	_ =	shalt  }
.Lfunc_end2:
_tile_overlayer_lowered:
.L_overlay_start_2:
0x36: {  	(tag) =	ssettag $0x2  }
0x37: {  	s0 =	rddreg [dreg:$0x0];
	s2 =	stileid.u32  }
0x38: {  	s1 =	rddreg [dreg:$0x1];
	p0 =	sne.s32 s2, $0x0  }
0x39: {  	s3 =	rddreg [dreg:$0x2];
	[bflag:$0x3] =	sbarrier.arrive $0xFFFF;
	s2 =	simm.s32 @!p0 $0x1C01  }
0x3a: {  	[timem:s3], [sflag:s2] =	dma.local @!p0 [hbm:s0], s1  }
0x3b: {  	s0 =	simm.s32 @!p0 $0x1  }
0x3c: {  	_ =	swait.ge @!p0 [sflag:s0], s1  }
0x3d: {  	s1 =	ssub.s32 @!p0 $0x0, s1;
	[sflag:s0] =	ssyncset.done @!p0 $0x0  }
0x3e: {  	[sflag:s0] =	ssyncadd.s32 @!p0 s1  }
0x3f: {  	[bflag:$0x3] =	sbarrier.arrive $0xFFFF  }
0x40: {  	_ =	shalt  }

</sc_bundles>
